<compile_context>
chip_gen: v7x
topology: tpu7x:2x2x1
jax: 0.10.2.dev20260603
libtpu: 0.0.44.dev20260713+nightly
codegen_flags: <defaults>
</compile_context>

<pallas_src>
import functools

import jax
import jax.numpy as jnp
from jax import lax
from jax.experimental import pallas as pl
from jax.experimental.pallas import tpu as pltpu
from jax.experimental.pallas import tpu_sc as plsc

N = 10000
D = 128
E = 320000
NC = 2
NS = 16
NW = NC * NS
C = 128
Np = 10240
ROWS_PER_SUB = Np // NS
EPW_CH = 80
Ep = NW * C * EPW_CH
ROUNDS = 2
CPR = EPW_CH // ROUNDS
WIN = 48
CH_TOT = CPR * (ROUNDS - 1) + WIN
BN = 2560

_BN_SCALE = 1.0 / (1.0 + 1e-5) ** 0.5


def _sc_mesh():
    return plsc.VectorSubcoreMesh(core_axis_name="c", subcore_axis_name="s")




def _deg_kernel(dst_hbm, ones_hbm, zeros_hbm, out_hbm, dst_v, ones_v, dacc, sem):
    c = lax.axis_index("c")
    s = lax.axis_index("s")
    wid = s * NC + c
    r0 = s * ROWS_PER_SUB
    pltpu.sync_copy(zeros_hbm.at[pl.ds(r0, ROWS_PER_SUB)],
                    dacc.at[pl.ds(r0, ROWS_PER_SUB)])
    pltpu.sync_copy(ones_hbm, ones_v)
    pltpu.sync_copy(dst_hbm.at[wid], dst_v)
    plsc.subcore_barrier()

    def body(j, carry):
        pltpu.sync_copy(ones_v, dacc.at[dst_v.at[j]], add=True)
        return carry

    lax.fori_loop(0, EPW_CH, body, 0)
    plsc.subcore_barrier()
    pltpu.sync_copy(dacc.at[pl.ds(r0, ROWS_PER_SUB)],
                    out_hbm.at[c, pl.ds(r0, ROWS_PER_SUB)])


def _row_kernel(t_hbm, src_hbm, dst_hbm, zeros_hbm, out_hbm,
                src_v, dst_v, rows_a, rows_b, accum, sem_ga, sem_gb):
    c = lax.axis_index("c")
    s = lax.axis_index("s")
    wid = s * NC + c
    r0 = s * ROWS_PER_SUB

    @pl.when(c == 0)
    def _():
        pltpu.sync_copy(t_hbm.at[pl.ds(r0, ROWS_PER_SUB)],
                        accum.at[pl.ds(r0, ROWS_PER_SUB)])

    @pl.when(c != 0)
    def _():
        pltpu.sync_copy(zeros_hbm.at[pl.ds(r0, ROWS_PER_SUB)],
                        accum.at[pl.ds(r0, ROWS_PER_SUB)])

    plsc.subcore_barrier()

    for r in range(ROUNDS):
        base = r * CPR
        pltpu.sync_copy(src_hbm.at[wid, pl.ds(base, WIN)], src_v)
        pltpu.sync_copy(dst_hbm.at[wid, pl.ds(base, WIN)], dst_v)
        pltpu.async_copy(t_hbm.at[src_v.at[0]], rows_a, sem_ga)

        def body(i, carry):
            j0 = 2 * i
            pltpu.async_copy(t_hbm.at[src_v.at[j0 + 1]], rows_b, sem_gb)
            pltpu.make_async_copy(t_hbm.at[src_v.at[j0]], rows_a, sem_ga).wait()
            pltpu.sync_copy(rows_a, accum.at[dst_v.at[j0]], add=True)
            pltpu.async_copy(t_hbm.at[src_v.at[j0 + 2]], rows_a, sem_ga)
            pltpu.make_async_copy(t_hbm.at[src_v.at[j0 + 1]], rows_b, sem_gb).wait()
            pltpu.sync_copy(rows_b, accum.at[dst_v.at[j0 + 1]], add=True)
            return carry

        lax.fori_loop(0, CPR // 2, body, 0)
        pltpu.make_async_copy(t_hbm.at[src_v.at[CPR]], rows_a, sem_ga).wait()

    plsc.subcore_barrier()
    pltpu.sync_copy(accum.at[pl.ds(r0, ROWS_PER_SUB)],
                    out_hbm.at[c, pl.ds(r0, ROWS_PER_SUB)])


def _deg_pass(dst_w, ones, zeros):
    return pl.kernel(
        _deg_kernel,
        out_type=jax.ShapeDtypeStruct((NC, Np, D), jnp.float32),
        mesh=_sc_mesh(),
        scratch_types=[
            pltpu.VMEM((CH_TOT, C), jnp.int32),
            pltpu.VMEM((C, D), jnp.float32),
            pltpu.VMEM_SHARED((Np, D), jnp.float32),
            pltpu.SemaphoreType.DMA,
        ],
    )(dst_w, ones, zeros)


def _row_pass(t, src_w, dst_w, zeros):
    return pl.kernel(
        _row_kernel,
        out_type=jax.ShapeDtypeStruct((NC, Np, D), jnp.float32),
        mesh=_sc_mesh(),
        scratch_types=[
            pltpu.VMEM((WIN, C), jnp.int32),
            pltpu.VMEM((WIN, C), jnp.int32),
            pltpu.VMEM((C, D), jnp.float32),
            pltpu.VMEM((C, D), jnp.float32),
            pltpu.VMEM_SHARED((Np, D), jnp.float32),
            pltpu.SemaphoreType.DMA,
            pltpu.SemaphoreType.DMA,
        ],
    )(t, src_w, dst_w, zeros)




def _prep_body(x_ref, w_ref, d0_ref, d1_ref, t_ref, dinv_ref):
    d = lax.rsqrt(d0_ref[:, 0:1] + d1_ref[:, 0:1] + 1.0)
    dinv = jnp.broadcast_to(d, (BN, D))
    hw = jnp.dot(x_ref[...], w_ref[...], preferred_element_type=jnp.float32)
    t_ref[...] = dinv * hw
    dinv_ref[...] = dinv


def _layer_body(a0_ref, a1_ref, dinv_ref, w_ref, b_ref, g_ref, be_ref,
                out_ref, *, apply_act):
    dinv = dinv_ref[...]
    g = dinv * (a0_ref[...] + a1_ref[...]) + b_ref[...]
    if apply_act:
        g = jnp.maximum(g, 0.0) * (g_ref[...] * _BN_SCALE) + be_ref[...]
    hw = jnp.dot(g, w_ref[...], preferred_element_type=jnp.float32)
    out_ref[...] = dinv * hw


def _final_body(a0_ref, a1_ref, dinv_ref, b_ref, g_ref, be_ref, out_ref):
    g = dinv_ref[...] * (a0_ref[...] + a1_ref[...]) + b_ref[...]
    h = jnp.maximum(g, 0.0) * (g_ref[...] * _BN_SCALE) + be_ref[...]
    m = jnp.max(h, axis=1, keepdims=True)
    lse = m + jnp.log(jnp.sum(jnp.exp(h - m), axis=1, keepdims=True))
    out_ref[...] = h - lse


_row_spec = pl.BlockSpec((BN, D), lambda i: (i, 0))
_mat_spec = pl.BlockSpec((D, D), lambda i: (0, 0))
_vec_spec = pl.BlockSpec((1, D), lambda i: (0, 0))
_GRID = (Np // BN,)


def _tc_prep(xp, W0, deg0, deg1):
    return pl.pallas_call(
        _prep_body,
        grid=_GRID,
        in_specs=[_row_spec, _mat_spec, _row_spec, _row_spec],
        out_specs=[_row_spec, _row_spec],
        out_shape=[jax.ShapeDtypeStruct((Np, D), jnp.float32)] * 2,
    )(xp, W0, deg0, deg1)


def _tc_layer(a0, a1, dinv, Wn, b, gamma, beta, apply_act):
    return pl.pallas_call(
        functools.partial(_layer_body, apply_act=apply_act),
        grid=_GRID,
        in_specs=[_row_spec, _row_spec, _row_spec,
                  _mat_spec, _vec_spec, _vec_spec, _vec_spec],
        out_specs=_row_spec,
        out_shape=jax.ShapeDtypeStruct((Np, D), jnp.float32),
    )(a0, a1, dinv, Wn, b, gamma, beta)


def _tc_final(a0, a1, dinv, b, gamma, beta):
    return pl.pallas_call(
        _final_body,
        grid=_GRID,
        in_specs=[_row_spec, _row_spec, _row_spec,
                  _vec_spec, _vec_spec, _vec_spec],
        out_specs=_row_spec,
        out_shape=jax.ShapeDtypeStruct((Np, D), jnp.float32),
    )(a0, a1, dinv, b, gamma, beta)




def kernel(x, edge_index, W0, b0, W1, b1, W2, b2, W3, b3, gamma, beta):
    src = edge_index[0].astype(jnp.int32)
    dst = edge_index[1].astype(jnp.int32)
    pad = Ep - E
    pad_idx = jnp.arange(pad, dtype=jnp.int32)
    src_w = jnp.concatenate([src, pad_idx % N]).reshape(NW, EPW_CH, C)
    dst_w = jnp.concatenate([dst, N + pad_idx % (Np - N)]).reshape(NW, EPW_CH, C)
    dummy = jnp.broadcast_to(
        (jnp.arange(C, dtype=jnp.int32) * 64) % N, (NW, CH_TOT - EPW_CH, C))
    src_w = jnp.concatenate([src_w, dummy], axis=1)
    dst_w = jnp.concatenate([dst_w, dummy], axis=1)

    xp = jnp.zeros((Np, D), jnp.float32).at[:N].set(x)
    zeros = jnp.zeros((Np, D), jnp.float32)
    ones = jnp.ones((C, D), jnp.float32)

    degp = _deg_pass(dst_w, ones, zeros)
    t0, dinv = _tc_prep(xp, W0, degp[0], degp[1])

    b0r, b1r, b2r, b3r = (v.reshape(1, D) for v in (b0, b1, b2, b3))
    gr, ber = gamma.reshape(1, D), beta.reshape(1, D)

    a = _row_pass(t0, src_w, dst_w, zeros)
    t1 = _tc_layer(a[0], a[1], dinv, W1, b0r, gr, ber, True)
    a = _row_pass(t1, src_w, dst_w, zeros)
    t2 = _tc_layer(a[0], a[1], dinv, W2, b1r, gr, ber, True)
    a = _row_pass(t2, src_w, dst_w, zeros)
    t3 = _tc_layer(a[0], a[1], dinv, W3, b2r, gr, ber, False)
    a = _row_pass(t3, src_w, dst_w, zeros)
    out = _tc_final(a[0], a[1], dinv, b3r, gr, ber)
    return out[:N]

# --- scband reference (transcript-rebuilt; emitter-appended) ---
"""Pipeline reference for scband-hier-gnn-36902359007326 (READ-ONLY COPY).

The authoritative reference and input builder live on the scoring server;
editing this copy changes nothing except your own understanding.
"""

import jax, jax.numpy as jnp
import numpy as np

N = 10000
E = 320000
D = 128          # cat * num_feats = 2 * 64, also dim_hidden and num_classes
NUM_LAYERS = 3   # ModuleList has NUM_LAYERS + 1 = 4 GCNConv layers


def setup_inputs(seed: int = 0) -> dict:
    key = jax.random.key(seed)
    ks = jax.random.split(key, 12)
    inp = {}
    inp['x'] = jax.random.normal(ks[0], (N, D), dtype=jnp.float32)
    inp['edge_index'] = jax.random.randint(ks[1], (2, E), 0, N, dtype=jnp.int64)
    # GCNConv weights: layer0 (D->D), layer1 (D->D), layer2 (D->D), layer3 (D->num_classes=D)
    scale = 1.0 / np.sqrt(D)
    inp['W0'] = jax.random.normal(ks[2], (D, D), dtype=jnp.float32) * scale
    inp['b0'] = jnp.zeros((D,), dtype=jnp.float32)
    inp['W1'] = jax.random.normal(ks[3], (D, D), dtype=jnp.float32) * scale
    inp['b1'] = jnp.zeros((D,), dtype=jnp.float32)
    inp['W2'] = jax.random.normal(ks[4], (D, D), dtype=jnp.float32) * scale
    inp['b2'] = jnp.zeros((D,), dtype=jnp.float32)
    inp['W3'] = jax.random.normal(ks[5], (D, D), dtype=jnp.float32) * scale
    inp['b3'] = jnp.zeros((D,), dtype=jnp.float32)
    # BatchNorm1d(dim_hidden) params (eval mode: running_mean=0, running_var=1)
    inp['gamma'] = jnp.ones((D,), dtype=jnp.float32)
    inp['beta'] = jnp.zeros((D,), dtype=jnp.float32)
    return inp


def reference(x, edge_index, W0, b0, W1, b1, W2, b2, W3, b3, gamma, beta):
    num_nodes = x.shape[0]
    src = edge_index[0]
    dst = edge_index[1]
    # GCNConv: add self loops, symmetric normalization D^-1/2 (A+I) D^-1/2
    loops = jnp.arange(num_nodes, dtype=src.dtype)
    src_sl = jnp.concatenate([src, loops])
    dst_sl = jnp.concatenate([dst, loops])
    deg = jax.ops.segment_sum(jnp.ones_like(src_sl, dtype=x.dtype), dst_sl, num_segments=num_nodes)
    dinv = jnp.where(deg > 0, deg ** -0.5, 0.0)
    norm = dinv[src_sl] * dinv[dst_sl]

    def gcn_conv(h, W, b):
        hw = h @ W
        msg = hw[src_sl] * norm[:, None]
        return jax.ops.segment_sum(msg, dst_sl, num_segments=num_nodes) + b

    def batchnorm_eval(h):
        # running_mean=0, running_var=1, eps=1e-5
        return (h / jnp.sqrt(1.0 + 1e-5)) * gamma + beta

    params = [(W0, b0), (W1, b1), (W2, b2), (W3, b3)]
    h = x
    for i, (W, b) in enumerate(params):
        h = gcn_conv(h, W, b)
        if i != NUM_LAYERS - 1:
            h = jax.nn.relu(h)
            h = batchnorm_eval(h)
            # F.dropout with training=False -> identity
    return jax.nn.log_softmax(h, axis=1)

if __name__ == "__main__":
    import jax
    _d = setup_inputs()
    print(jax.jit(kernel)(*tuple(_d.values())))

</pallas_src>

<mosaic_0001>
#map = affine_map<(d0, d1) -> (0, 0, 0)>
#map1 = affine_map<(d0, d1) -> (0, 0)>
module attributes {stable_mosaic.version = 14 : i64} {
  func.func @_deg_kernel(%arg0: i32, %arg1: i32, %arg2: memref<32x88x128xi32, #tpu.memory_space<hbm>>, %arg3: memref<128x128xf32, #tpu.memory_space<hbm>>, %arg4: memref<10240x128xf32, #tpu.memory_space<hbm>>, %arg5: memref<2x10240x128xf32, #tpu.memory_space<hbm>>, %arg6: memref<88x128xi32, #tpu.memory_space<vmem>>, %arg7: memref<128x128xf32, #tpu.memory_space<vmem>>, %arg8: memref<10240x128xf32, #tpu.memory_space<vmem_shared>>, %arg9: memref<!tpu.dma_semaphore, #tpu.memory_space<semaphore_mem>>) attributes {dimension_semantics = [#tpu.dimension_semantics<core_parallel>, #tpu.dimension_semantics<subcore_parallel>], iteration_bounds = array<i64: 2, 16>, scalar_prefetch = 0 : i64, scratch_operands = 4 : i64, tpu.core_type = #tpu.core_type<sc_vector_subcore>, window_params = [{transform_indices = #map}, {transform_indices = #map1}, {transform_indices = #map1}, {transform_indices = #map}]} {
    %mul3A = arith.constant 2 : i32
    %mul3A_0 = arith.muli %arg1, %mul3A : i32
    %add3A = arith.addi %mul3A_0, %arg0 : i32
    %mul3A_1 = arith.constant 640 : i32
    %mul3A_2 = arith.muli %arg1, %mul3A_1 : i32
    "tpu.region"() ({
      %run_scoped3A = tpu.sem_alloc : memref<!tpu.dma_semaphore, #tpu.memory_space<semaphore_mem>>
      %dma_start3A = arith.constant 0 : i32
      %dma_start3A_9 = tpu.memref_slice %arg8[%mul3A_2, %dma_start3A] : memref<10240x128xf32, #tpu.memory_space<vmem_shared>> -> memref<640x128xf32, #tpu.memory_space<vmem_shared>>
      %dma_start3A_10 = arith.constant 0 : i32
      %dma_start3A_11 = tpu.memref_slice %arg4[%mul3A_2, %dma_start3A_10] : memref<10240x128xf32, #tpu.memory_space<hbm>> -> memref<640x128xf32, #tpu.memory_space<hbm>>
      tpu.enqueue_dma source(%dma_start3A_11 : memref<640x128xf32, #tpu.memory_space<hbm>>) target(%dma_start3A_9 : memref<640x128xf32, #tpu.memory_space<vmem_shared>>) target_semaphore(%run_scoped3A : memref<!tpu.dma_semaphore, #tpu.memory_space<semaphore_mem>>)
      %dma_wait3A = arith.constant 0 : i32
      %dma_wait3A_12 = tpu.memref_slice %arg8[%mul3A_2, %dma_wait3A] : memref<10240x128xf32, #tpu.memory_space<vmem_shared>> -> memref<640x128xf32, #tpu.memory_space<vmem_shared>>
      %dma_wait3A_13 = arith.constant 0 : i32
      %dma_wait3A_14 = tpu.memref_slice %arg4[%mul3A_2, %dma_wait3A_13] : memref<10240x128xf32, #tpu.memory_space<hbm>> -> memref<640x128xf32, #tpu.memory_space<hbm>>
      tpu.wait_dma2 semaphore(%run_scoped3A : memref<!tpu.dma_semaphore, #tpu.memory_space<semaphore_mem>>) src(%dma_wait3A_14 : memref<640x128xf32, #tpu.memory_space<hbm>>) dst(%dma_wait3A_12 : memref<640x128xf32, #tpu.memory_space<vmem_shared>>)
      tpu.yield
    }) : () -> ()
    "tpu.region"() ({
      %run_scoped3A = tpu.sem_alloc : memref<!tpu.dma_semaphore, #tpu.memory_space<semaphore_mem>>
      tpu.enqueue_dma source(%arg3 : memref<128x128xf32, #tpu.memory_space<hbm>>) target(%arg7 : memref<128x128xf32, #tpu.memory_space<vmem>>) target_semaphore(%run_scoped3A : memref<!tpu.dma_semaphore, #tpu.memory_space<semaphore_mem>>)
      tpu.wait_dma2 semaphore(%run_scoped3A : memref<!tpu.dma_semaphore, #tpu.memory_space<semaphore_mem>>) src(%arg3 : memref<128x128xf32, #tpu.memory_space<hbm>>) dst(%arg7 : memref<128x128xf32, #tpu.memory_space<vmem>>)
      tpu.yield
    }) : () -> ()
    "tpu.region"() ({
      %run_scoped3A = tpu.sem_alloc : memref<!tpu.dma_semaphore, #tpu.memory_space<semaphore_mem>>
      %dma_start3A = arith.constant 0 : i32
      %dma_start3A_9 = arith.constant 0 : i32
      %dma_start3A_10 = tpu.memref_slice %arg2[%add3A, %dma_start3A, %dma_start3A_9] : memref<32x88x128xi32, #tpu.memory_space<hbm>> -> memref<1x88x128xi32, #tpu.memory_space<hbm>>
      %dma_start3A_11 = tpu.memref_squeeze %dma_start3A_10 : memref<1x88x128xi32, #tpu.memory_space<hbm>> -> memref<88x128xi32, #tpu.memory_space<hbm>>
      %dma_start3A_12 = arith.constant 0 : i32
      %dma_start3A_13 = arith.constant 0 : i32
      %dma_start3A_14 = tpu.memref_slice %arg2[%add3A, %dma_start3A_12, %dma_start3A_13] : memref<32x88x128xi32, #tpu.memory_space<hbm>> -> memref<1x88x128xi32, #tpu.memory_space<hbm>>
      %dma_start3A_15 = tpu.memref_squeeze %dma_start3A_14 : memref<1x88x128xi32, #tpu.memory_space<hbm>> -> memref<88x128xi32, #tpu.memory_space<hbm>>
      tpu.enqueue_dma source(%dma_start3A_15 : memref<88x128xi32, #tpu.memory_space<hbm>>) target(%arg6 : memref<88x128xi32, #tpu.memory_space<vmem>>) target_semaphore(%run_scoped3A : memref<!tpu.dma_semaphore, #tpu.memory_space<semaphore_mem>>)
      %dma_wait3A = arith.constant 0 : i32
      %dma_wait3A_16 = arith.constant 0 : i32
      %dma_wait3A_17 = tpu.memref_slice %arg2[%add3A, %dma_wait3A, %dma_wait3A_16] : memref<32x88x128xi32, #tpu.memory_space<hbm>> -> memref<1x88x128xi32, #tpu.memory_space<hbm>>
      %dma_wait3A_18 = tpu.memref_squeeze %dma_wait3A_17 : memref<1x88x128xi32, #tpu.memory_space<hbm>> -> memref<88x128xi32, #tpu.memory_space<hbm>>
      %dma_wait3A_19 = arith.constant 0 : i32
      %dma_wait3A_20 = arith.constant 0 : i32
      %dma_wait3A_21 = tpu.memref_slice %arg2[%add3A, %dma_wait3A_19, %dma_wait3A_20] : memref<32x88x128xi32, #tpu.memory_space<hbm>> -> memref<1x88x128xi32, #tpu.memory_space<hbm>>
      %dma_wait3A_22 = tpu.memref_squeeze %dma_wait3A_21 : memref<1x88x128xi32, #tpu.memory_space<hbm>> -> memref<88x128xi32, #tpu.memory_space<hbm>>
      tpu.wait_dma2 semaphore(%run_scoped3A : memref<!tpu.dma_semaphore, #tpu.memory_space<semaphore_mem>>) src(%dma_wait3A_22 : memref<88x128xi32, #tpu.memory_space<hbm>>) dst(%arg6 : memref<88x128xi32, #tpu.memory_space<vmem>>)
      tpu.yield
    }) : () -> ()
    %barrier3A = arith.constant 0 : index
    tpu.barrier barrier_id(%barrier3A)
    %scan3A = arith.constant 0 : i32
    %scan3A_3 = arith.constant 0 : i32
    %scan3A_4 = arith.constant 80 : i32
    %scan3A_5 = arith.addi %scan3A_3, %scan3A_4 : i32
    %scan3A_6 = arith.constant 1 : i32
    scf.for %scan3A_9 = %scan3A_3 to %scan3A_5 step %scan3A_6  : i32 {
      "tpu.region"() ({
        %run_scoped3A = tpu.sem_alloc : memref<!tpu.dma_semaphore, #tpu.memory_space<semaphore_mem>>
        %dma_start3A = arith.constant 0 : i32
        %dma_start3A_10 = tpu.memref_slice %arg6[%scan3A_9, %dma_start3A] : memref<88x128xi32, #tpu.memory_space<vmem>> -> memref<1x128xi32, #tpu.memory_space<vmem>>
        %dma_start3A_11 = tpu.memref_squeeze %dma_start3A_10 : memref<1x128xi32, #tpu.memory_space<vmem>> -> memref<128xi32, #tpu.memory_space<vmem>>
        %dma_start3A_12 = arith.constant 0 : i32
        %dma_start3A_13 = arith.constant 0 : i32
        %dma_start3A_14 = tpu.memref_slice %arg8[%dma_start3A_12, %dma_start3A_13] : memref<10240x128xf32, #tpu.memory_space<vmem_shared>> -> memref<10240x128xf32, #tpu.memory_space<vmem_shared>>
        tpu.enqueue_indirect_dma source(%arg7 : memref<128x128xf32, #tpu.memory_space<vmem>>) target(%dma_start3A_14 : memref<10240x128xf32, #tpu.memory_space<vmem_shared>>) offsets(%dma_start3A_11 : memref<128xi32, #tpu.memory_space<vmem>>) semaphore(%run_scoped3A : memref<!tpu.dma_semaphore, #tpu.memory_space<semaphore_mem>>) {add = true}
        %dma_wait3A = arith.constant 0 : i32
        %dma_wait3A_15 = tpu.memref_slice %arg6[%scan3A_9, %dma_wait3A] : memref<88x128xi32, #tpu.memory_space<vmem>> -> memref<1x128xi32, #tpu.memory_space<vmem>>
        %dma_wait3A_16 = tpu.memref_squeeze %dma_wait3A_15 : memref<1x128xi32, #tpu.memory_space<vmem>> -> memref<128xi32, #tpu.memory_space<vmem>>
        %dma_wait3A_17 = arith.constant 0 : i32
        %dma_wait3A_18 = arith.constant 0 : i32
        %dma_wait3A_19 = tpu.memref_slice %arg8[%dma_wait3A_17, %dma_wait3A_18] : memref<10240x128xf32, #tpu.memory_space<vmem_shared>> -> memref<10240x128xf32, #tpu.memory_space<vmem_shared>>
        tpu.wait_indirect_dma semaphore(%run_scoped3A : memref<!tpu.dma_semaphore, #tpu.memory_space<semaphore_mem>>) src(%arg7 : memref<128x128xf32, #tpu.memory_space<vmem>>) dst(%dma_wait3A_19 : memref<10240x128xf32, #tpu.memory_space<vmem_shared>>)
        tpu.yield
      }) : () -> ()
    }
    %scan3A_7 = arith.constant 80 : i32
    %barrier3A_8 = arith.constant 0 : index
    tpu.barrier barrier_id(%barrier3A_8)
    "tpu.region"() ({
      %run_scoped3A = tpu.sem_alloc : memref<!tpu.dma_semaphore, #tpu.memory_space<semaphore_mem>>
      %dma_start3A = arith.constant 0 : i32
      %dma_start3A_9 = tpu.memref_slice %arg5[%arg0, %mul3A_2, %dma_start3A] : memref<2x10240x128xf32, #tpu.memory_space<hbm>> -> memref<1x640x128xf32, #tpu.memory_space<hbm>>
      %dma_start3A_10 = tpu.memref_squeeze %dma_start3A_9 : memref<1x640x128xf32, #tpu.memory_space<hbm>> -> memref<640x128xf32, #tpu.memory_space<hbm>>
      %dma_start3A_11 = arith.constant 0 : i32
      %dma_start3A_12 = tpu.memref_slice %arg8[%mul3A_2, %dma_start3A_11] : memref<10240x128xf32, #tpu.memory_space<vmem_shared>> -> memref<640x128xf32, #tpu.memory_space<vmem_shared>>
      tpu.enqueue_dma source(%dma_start3A_12 : memref<640x128xf32, #tpu.memory_space<vmem_shared>>) target(%dma_start3A_10 : memref<640x128xf32, #tpu.memory_space<hbm>>) target_semaphore(%run_scoped3A : memref<!tpu.dma_semaphore, #tpu.memory_space<semaphore_mem>>)
      %dma_wait3A = arith.constant 0 : i32
      %dma_wait3A_13 = tpu.memref_slice %arg5[%arg0, %mul3A_2, %dma_wait3A] : memref<2x10240x128xf32, #tpu.memory_space<hbm>> -> memref<1x640x128xf32, #tpu.memory_space<hbm>>
      %dma_wait3A_14 = tpu.memref_squeeze %dma_wait3A_13 : memref<1x640x128xf32, #tpu.memory_space<hbm>> -> memref<640x128xf32, #tpu.memory_space<hbm>>
      %dma_wait3A_15 = arith.constant 0 : i32
      %dma_wait3A_16 = tpu.memref_slice %arg8[%mul3A_2, %dma_wait3A_15] : memref<10240x128xf32, #tpu.memory_space<vmem_shared>> -> memref<640x128xf32, #tpu.memory_space<vmem_shared>>
      tpu.wait_dma2 semaphore(%run_scoped3A : memref<!tpu.dma_semaphore, #tpu.memory_space<semaphore_mem>>) src(%dma_wait3A_16 : memref<640x128xf32, #tpu.memory_space<vmem_shared>>) dst(%dma_wait3A_14 : memref<640x128xf32, #tpu.memory_space<hbm>>)
      tpu.yield
    }) : () -> ()
    return
  }
}

#map = affine_map<(d0, d1) -> (0, 0)>
#map1 = affine_map<(d0, d1) -> (0, 0, 0)>
module attributes {stable_mosaic.version = 14 : i64} {
  func.func @_row_kernel(%arg0: i32, %arg1: i32, %arg2: memref<10240x128xf32, #tpu.memory_space<hbm>>, %arg3: memref<32x88x128xi32, #tpu.memory_space<hbm>>, %arg4: memref<32x88x128xi32, #tpu.memory_space<hbm>>, %arg5: memref<10240x128xf32, #tpu.memory_space<hbm>>, %arg6: memref<2x10240x128xf32, #tpu.memory_space<hbm>>, %arg7: memref<48x128xi32, #tpu.memory_space<vmem>>, %arg8: memref<48x128xi32, #tpu.memory_space<vmem>>, %arg9: memref<128x128xf32, #tpu.memory_space<vmem>>, %arg10: memref<128x128xf32, #tpu.memory_space<vmem>>, %arg11: memref<10240x128xf32, #tpu.memory_space<vmem_shared>>, %arg12: memref<!tpu.dma_semaphore, #tpu.memory_space<semaphore_mem>>, %arg13: memref<!tpu.dma_semaphore, #tpu.memory_space<semaphore_mem>>) attributes {dimension_semantics = [#tpu.dimension_semantics<core_parallel>, #tpu.dimension_semantics<subcore_parallel>], iteration_bounds = array<i64: 2, 16>, scalar_prefetch = 0 : i64, scratch_operands = 7 : i64, tpu.core_type = #tpu.core_type<sc_vector_subcore>, window_params = [{transform_indices = #map}, {transform_indices = #map1}, {transform_indices = #map1}, {transform_indices = #map}, {transform_indices = #map1}]} {
    %mul3A = arith.constant 2 : i32
    %mul3A_0 = arith.muli %arg1, %mul3A : i32
    %add3A = arith.addi %mul3A_0, %arg0 : i32
    %mul3A_1 = arith.constant 640 : i32
    %mul3A_2 = arith.muli %arg1, %mul3A_1 : i32
    %eq3A = arith.constant 0 : i32
    %eq3A_3 = arith.cmpi eq, %arg0, %eq3A : i32
    %convert_element_type3A = arith.extui %eq3A_3 : i1 to i32
    %cond3A = arith.constant 0 : i32
    %cond3A_4 = arith.cmpi ne, %convert_element_type3A, %cond3A : i32
    scf.if %cond3A_4 {
      "tpu.region"() ({
        %run_scoped3A = tpu.sem_alloc : memref<!tpu.dma_semaphore, #tpu.memory_space<semaphore_mem>>
        %dma_start3A_47 = arith.constant 0 : i32
        %dma_start3A_48 = tpu.memref_slice %arg11[%mul3A_2, %dma_start3A_47] : memref<10240x128xf32, #tpu.memory_space<vmem_shared>> -> memref<640x128xf32, #tpu.memory_space<vmem_shared>>
        %dma_start3A_49 = arith.constant 0 : i32
        %dma_start3A_50 = tpu.memref_slice %arg2[%mul3A_2, %dma_start3A_49] : memref<10240x128xf32, #tpu.memory_space<hbm>> -> memref<640x128xf32, #tpu.memory_space<hbm>>
        tpu.enqueue_dma source(%dma_start3A_50 : memref<640x128xf32, #tpu.memory_space<hbm>>) target(%dma_start3A_48 : memref<640x128xf32, #tpu.memory_space<vmem_shared>>) target_semaphore(%run_scoped3A : memref<!tpu.dma_semaphore, #tpu.memory_space<semaphore_mem>>)
        %dma_wait3A_51 = arith.constant 0 : i32
        %dma_wait3A_52 = tpu.memref_slice %arg11[%mul3A_2, %dma_wait3A_51] : memref<10240x128xf32, #tpu.memory_space<vmem_shared>> -> memref<640x128xf32, #tpu.memory_space<vmem_shared>>
        %dma_wait3A_53 = arith.constant 0 : i32
        %dma_wait3A_54 = tpu.memref_slice %arg2[%mul3A_2, %dma_wait3A_53] : memref<10240x128xf32, #tpu.memory_space<hbm>> -> memref<640x128xf32, #tpu.memory_space<hbm>>
        tpu.wait_dma2 semaphore(%run_scoped3A : memref<!tpu.dma_semaphore, #tpu.memory_space<semaphore_mem>>) src(%dma_wait3A_54 : memref<640x128xf32, #tpu.memory_space<hbm>>) dst(%dma_wait3A_52 : memref<640x128xf32, #tpu.memory_space<vmem_shared>>)
        tpu.yield
      }) : () -> ()
    } else {
    }
    %ne3A = arith.constant 0 : i32
    %ne3A_5 = arith.cmpi ne, %arg0, %ne3A : i32
    %convert_element_type3A_6 = arith.extui %ne3A_5 : i1 to i32
    %cond3A_7 = arith.constant 0 : i32
    %cond3A_8 = arith.cmpi ne, %convert_element_type3A_6, %cond3A_7 : i32
    scf.if %cond3A_8 {
      "tpu.region"() ({
        %run_scoped3A = tpu.sem_alloc : memref<!tpu.dma_semaphore, #tpu.memory_space<semaphore_mem>>
        %dma_start3A_47 = arith.constant 0 : i32
        %dma_start3A_48 = tpu.memref_slice %arg11[%mul3A_2, %dma_start3A_47] : memref<10240x128xf32, #tpu.memory_space<vmem_shared>> -> memref<640x128xf32, #tpu.memory_space<vmem_shared>>
        %dma_start3A_49 = arith.constant 0 : i32
        %dma_start3A_50 = tpu.memref_slice %arg5[%mul3A_2, %dma_start3A_49] : memref<10240x128xf32, #tpu.memory_space<hbm>> -> memref<640x128xf32, #tpu.memory_space<hbm>>
        tpu.enqueue_dma source(%dma_start3A_50 : memref<640x128xf32, #tpu.memory_space<hbm>>) target(%dma_start3A_48 : memref<640x128xf32, #tpu.memory_space<vmem_shared>>) target_semaphore(%run_scoped3A : memref<!tpu.dma_semaphore, #tpu.memory_space<semaphore_mem>>)
        %dma_wait3A_51 = arith.constant 0 : i32
        %dma_wait3A_52 = tpu.memref_slice %arg11[%mul3A_2, %dma_wait3A_51] : memref<10240x128xf32, #tpu.memory_space<vmem_shared>> -> memref<640x128xf32, #tpu.memory_space<vmem_shared>>
        %dma_wait3A_53 = arith.constant 0 : i32
        %dma_wait3A_54 = tpu.memref_slice %arg5[%mul3A_2, %dma_wait3A_53] : memref<10240x128xf32, #tpu.memory_space<hbm>> -> memref<640x128xf32, #tpu.memory_space<hbm>>
        tpu.wait_dma2 semaphore(%run_scoped3A : memref<!tpu.dma_semaphore, #tpu.memory_space<semaphore_mem>>) src(%dma_wait3A_54 : memref<640x128xf32, #tpu.memory_space<hbm>>) dst(%dma_wait3A_52 : memref<640x128xf32, #tpu.memory_space<vmem_shared>>)
        tpu.yield
      }) : () -> ()
    } else {
    }
    %barrier3A = arith.constant 0 : index
    tpu.barrier barrier_id(%barrier3A)
    "tpu.region"() ({
      %run_scoped3A = tpu.sem_alloc : memref<!tpu.dma_semaphore, #tpu.memory_space<semaphore_mem>>
      %dma_start3A_47 = arith.constant 0 : i32
      %dma_start3A_48 = arith.constant 0 : i32
      %dma_start3A_49 = tpu.memref_slice %arg3[%add3A, %dma_start3A_47, %dma_start3A_48] : memref<32x88x128xi32, #tpu.memory_space<hbm>> -> memref<1x48x128xi32, #tpu.memory_space<hbm>>
      %dma_start3A_50 = tpu.memref_squeeze %dma_start3A_49 : memref<1x48x128xi32, #tpu.memory_space<hbm>> -> memref<48x128xi32, #tpu.memory_space<hbm>>
      %dma_start3A_51 = arith.constant 0 : i32
      %dma_start3A_52 = arith.constant 0 : i32
      %dma_start3A_53 = tpu.memref_slice %arg3[%add3A, %dma_start3A_51, %dma_start3A_52] : memref<32x88x128xi32, #tpu.memory_space<hbm>> -> memref<1x48x128xi32, #tpu.memory_space<hbm>>
      %dma_start3A_54 = tpu.memref_squeeze %dma_start3A_53 : memref<1x48x128xi32, #tpu.memory_space<hbm>> -> memref<48x128xi32, #tpu.memory_space<hbm>>
      tpu.enqueue_dma source(%dma_start3A_54 : memref<48x128xi32, #tpu.memory_space<hbm>>) target(%arg7 : memref<48x128xi32, #tpu.memory_space<vmem>>) target_semaphore(%run_scoped3A : memref<!tpu.dma_semaphore, #tpu.memory_space<semaphore_mem>>)
      %dma_wait3A_55 = arith.constant 0 : i32
      %dma_wait3A_56 = arith.constant 0 : i32
      %dma_wait3A_57 = tpu.memref_slice %arg3[%add3A, %dma_wait3A_55, %dma_wait3A_56] : memref<32x88x128xi32, #tpu.memory_space<hbm>> -> memref<1x48x128xi32, #tpu.memory_space<hbm>>
      %dma_wait3A_58 = tpu.memref_squeeze %dma_wait3A_57 : memref<1x48x128xi32, #tpu.memory_space<hbm>> -> memref<48x128xi32, #tpu.memory_space<hbm>>
      %dma_wait3A_59 = arith.constant 0 : i32
      %dma_wait3A_60 = arith.constant 0 : i32
      %dma_wait3A_61 = tpu.memref_slice %arg3[%add3A, %dma_wait3A_59, %dma_wait3A_60] : memref<32x88x128xi32, #tpu.memory_space<hbm>> -> memref<1x48x128xi32, #tpu.memory_space<hbm>>
      %dma_wait3A_62 = tpu.memref_squeeze %dma_wait3A_61 : memref<1x48x128xi32, #tpu.memory_space<hbm>> -> memref<48x128xi32, #tpu.memory_space<hbm>>
      tpu.wait_dma2 semaphore(%run_scoped3A : memref<!tpu.dma_semaphore, #tpu.memory_space<semaphore_mem>>) src(%dma_wait3A_62 : memref<48x128xi32, #tpu.memory_space<hbm>>) dst(%arg7 : memref<48x128xi32, #tpu.memory_space<vmem>>)
      tpu.yield
    }) : () -> ()
    "tpu.region"() ({
      %run_scoped3A = tpu.sem_alloc : memref<!tpu.dma_semaphore, #tpu.memory_space<semaphore_mem>>
      %dma_start3A_47 = arith.constant 0 : i32
      %dma_start3A_48 = arith.constant 0 : i32
      %dma_start3A_49 = tpu.memref_slice %arg4[%add3A, %dma_start3A_47, %dma_start3A_48] : memref<32x88x128xi32, #tpu.memory_space<hbm>> -> memref<1x48x128xi32, #tpu.memory_space<hbm>>
      %dma_start3A_50 = tpu.memref_squeeze %dma_start3A_49 : memref<1x48x128xi32, #tpu.memory_space<hbm>> -> memref<48x128xi32, #tpu.memory_space<hbm>>
      %dma_start3A_51 = arith.constant 0 : i32
      %dma_start3A_52 = arith.constant 0 : i32
      %dma_start3A_53 = tpu.memref_slice %arg4[%add3A, %dma_start3A_51, %dma_start3A_52] : memref<32x88x128xi32, #tpu.memory_space<hbm>> -> memref<1x48x128xi32, #tpu.memory_space<hbm>>
      %dma_start3A_54 = tpu.memref_squeeze %dma_start3A_53 : memref<1x48x128xi32, #tpu.memory_space<hbm>> -> memref<48x128xi32, #tpu.memory_space<hbm>>
      tpu.enqueue_dma source(%dma_start3A_54 : memref<48x128xi32, #tpu.memory_space<hbm>>) target(%arg8 : memref<48x128xi32, #tpu.memory_space<vmem>>) target_semaphore(%run_scoped3A : memref<!tpu.dma_semaphore, #tpu.memory_space<semaphore_mem>>)
      %dma_wait3A_55 = arith.constant 0 : i32
      %dma_wait3A_56 = arith.constant 0 : i32
      %dma_wait3A_57 = tpu.memref_slice %arg4[%add3A, %dma_wait3A_55, %dma_wait3A_56] : memref<32x88x128xi32, #tpu.memory_space<hbm>> -> memref<1x48x128xi32, #tpu.memory_space<hbm>>
      %dma_wait3A_58 = tpu.memref_squeeze %dma_wait3A_57 : memref<1x48x128xi32, #tpu.memory_space<hbm>> -> memref<48x128xi32, #tpu.memory_space<hbm>>
      %dma_wait3A_59 = arith.constant 0 : i32
      %dma_wait3A_60 = arith.constant 0 : i32
      %dma_wait3A_61 = tpu.memref_slice %arg4[%add3A, %dma_wait3A_59, %dma_wait3A_60] : memref<32x88x128xi32, #tpu.memory_space<hbm>> -> memref<1x48x128xi32, #tpu.memory_space<hbm>>
      %dma_wait3A_62 = tpu.memref_squeeze %dma_wait3A_61 : memref<1x48x128xi32, #tpu.memory_space<hbm>> -> memref<48x128xi32, #tpu.memory_space<hbm>>
      tpu.wait_dma2 semaphore(%run_scoped3A : memref<!tpu.dma_semaphore, #tpu.memory_space<semaphore_mem>>) src(%dma_wait3A_62 : memref<48x128xi32, #tpu.memory_space<hbm>>) dst(%arg8 : memref<48x128xi32, #tpu.memory_space<vmem>>)
      tpu.yield
    }) : () -> ()
    %dma_start3A = arith.constant 0 : i32
    %dma_start3A_9 = arith.constant 0 : i32
    %dma_start3A_10 = tpu.memref_slice %arg7[%dma_start3A, %dma_start3A_9] : memref<48x128xi32, #tpu.memory_space<vmem>> -> memref<1x128xi32, #tpu.memory_space<vmem>>
    %dma_start3A_11 = tpu.memref_squeeze %dma_start3A_10 : memref<1x128xi32, #tpu.memory_space<vmem>> -> memref<128xi32, #tpu.memory_space<vmem>>
    %dma_start3A_12 = arith.constant 0 : i32
    %dma_start3A_13 = arith.constant 0 : i32
    %dma_start3A_14 = tpu.memref_slice %arg2[%dma_start3A_12, %dma_start3A_13] : memref<10240x128xf32, #tpu.memory_space<hbm>> -> memref<10240x128xf32, #tpu.memory_space<hbm>>
    tpu.enqueue_indirect_dma source(%dma_start3A_14 : memref<10240x128xf32, #tpu.memory_space<hbm>>) target(%arg9 : memref<128x128xf32, #tpu.memory_space<vmem>>) offsets(%dma_start3A_11 : memref<128xi32, #tpu.memory_space<vmem>>) semaphore(%arg12 : memref<!tpu.dma_semaphore, #tpu.memory_space<semaphore_mem>>)
    %scan3A = arith.constant 0 : i32
    %scan3A_15 = arith.constant 0 : i32
    %scan3A_16 = arith.constant 20 : i32
    %scan3A_17 = arith.addi %scan3A_15, %scan3A_16 : i32
    %scan3A_18 = arith.constant 1 : i32
    scf.for %scan3A_47 = %scan3A_15 to %scan3A_17 step %scan3A_18  : i32 {
      %mul3A_48 = arith.constant 2 : i32
      %mul3A_49 = arith.muli %mul3A_48, %scan3A_47 : i32
      %add3A_50 = arith.constant 1 : i32
      %add3A_51 = arith.addi %mul3A_49, %add3A_50 : i32
      %dma_start3A_52 = arith.constant 0 : i32
      %dma_start3A_53 = tpu.memref_slice %arg7[%add3A_51, %dma_start3A_52] : memref<48x128xi32, #tpu.memory_space<vmem>> -> memref<1x128xi32, #tpu.memory_space<vmem>>
      %dma_start3A_54 = tpu.memref_squeeze %dma_start3A_53 : memref<1x128xi32, #tpu.memory_space<vmem>> -> memref<128xi32, #tpu.memory_space<vmem>>
      %dma_start3A_55 = arith.constant 0 : i32
      %dma_start3A_56 = arith.constant 0 : i32
      %dma_start3A_57 = tpu.memref_slice %arg2[%dma_start3A_55, %dma_start3A_56] : memref<10240x128xf32, #tpu.memory_space<hbm>> -> memref<10240x128xf32, #tpu.memory_space<hbm>>
      tpu.enqueue_indirect_dma source(%dma_start3A_57 : memref<10240x128xf32, #tpu.memory_space<hbm>>) target(%arg10 : memref<128x128xf32, #tpu.memory_space<vmem>>) offsets(%dma_start3A_54 : memref<128xi32, #tpu.memory_space<vmem>>) semaphore(%arg13 : memref<!tpu.dma_semaphore, #tpu.memory_space<semaphore_mem>>)
      %dma_wait3A_58 = arith.constant 0 : i32
      %dma_wait3A_59 = tpu.memref_slice %arg7[%mul3A_49, %dma_wait3A_58] : memref<48x128xi32, #tpu.memory_space<vmem>> -> memref<1x128xi32, #tpu.memory_space<vmem>>
      %dma_wait3A_60 = tpu.memref_squeeze %dma_wait3A_59 : memref<1x128xi32, #tpu.memory_space<vmem>> -> memref<128xi32, #tpu.memory_space<vmem>>
      %dma_wait3A_61 = arith.constant 0 : i32
      %dma_wait3A_62 = arith.constant 0 : i32
      %dma_wait3A_63 = tpu.memref_slice %arg2[%dma_wait3A_61, %dma_wait3A_62] : memref<10240x128xf32, #tpu.memory_space<hbm>> -> memref<10240x128xf32, #tpu.memory_space<hbm>>
      tpu.wait_indirect_dma semaphore(%arg12 : memref<!tpu.dma_semaphore, #tpu.memory_space<semaphore_mem>>) src(%dma_wait3A_63 : memref<10240x128xf32, #tpu.memory_space<hbm>>) dst(%arg9 : memref<128x128xf32, #tpu.memory_space<vmem>>)
      "tpu.region"() ({
        %run_scoped3A = tpu.sem_alloc : memref<!tpu.dma_semaphore, #tpu.memory_space<semaphore_mem>>
        %dma_start3A_82 = arith.constant 0 : i32
        %dma_start3A_83 = tpu.memref_slice %arg8[%mul3A_49, %dma_start3A_82] : memref<48x128xi32, #tpu.memory_space<vmem>> -> memref<1x128xi32, #tpu.memory_space<vmem>>
        %dma_start3A_84 = tpu.memref_squeeze %dma_start3A_83 : memref<1x128xi32, #tpu.memory_space<vmem>> -> memref<128xi32, #tpu.memory_space<vmem>>
        %dma_start3A_85 = arith.constant 0 : i32
        %dma_start3A_86 = arith.constant 0 : i32
        %dma_start3A_87 = tpu.memref_slice %arg11[%dma_start3A_85, %dma_start3A_86] : memref<10240x128xf32, #tpu.memory_space<vmem_shared>> -> memref<10240x128xf32, #tpu.memory_space<vmem_shared>>
        tpu.enqueue_indirect_dma source(%arg9 : memref<128x128xf32, #tpu.memory_space<vmem>>) target(%dma_start3A_87 : memref<10240x128xf32, #tpu.memory_space<vmem_shared>>) offsets(%dma_start3A_84 : memref<128xi32, #tpu.memory_space<vmem>>) semaphore(%run_scoped3A : memref<!tpu.dma_semaphore, #tpu.memory_space<semaphore_mem>>) {add = true}
        %dma_wait3A_88 = arith.constant 0 : i32
        %dma_wait3A_89 = tpu.memref_slice %arg8[%mul3A_49, %dma_wait3A_88] : memref<48x128xi32, #tpu.memory_space<vmem>> -> memref<1x128xi32, #tpu.memory_space<vmem>>
        %dma_wait3A_90 = tpu.memref_squeeze %dma_wait3A_89 : memref<1x128xi32, #tpu.memory_space<vmem>> -> memref<128xi32, #tpu.memory_space<vmem>>
        %dma_wait3A_91 = arith.constant 0 : i32
        %dma_wait3A_92 = arith.constant 0 : i32
        %dma_wait3A_93 = tpu.memref_slice %arg11[%dma_wait3A_91, %dma_wait3A_92] : memref<10240x128xf32, #tpu.memory_space<vmem_shared>> -> memref<10240x128xf32, #tpu.memory_space<vmem_shared>>
        tpu.wait_indirect_dma semaphore(%run_scoped3A : memref<!tpu.dma_semaphore, #tpu.memory_space<semaphore_mem>>) src(%arg9 : memref<128x128xf32, #tpu.memory_space<vmem>>) dst(%dma_wait3A_93 : memref<10240x128xf32, #tpu.memory_space<vmem_shared>>)
        tpu.yield
      }) : () -> ()
      %add3A_64 = arith.constant 2 : i32
      %add3A_65 = arith.addi %mul3A_49, %add3A_64 : i32
      %dma_start3A_66 = arith.constant 0 : i32
      %dma_start3A_67 = tpu.memref_slice %arg7[%add3A_65, %dma_start3A_66] : memref<48x128xi32, #tpu.memory_space<vmem>> -> memref<1x128xi32, #tpu.memory_space<vmem>>
      %dma_start3A_68 = tpu.memref_squeeze %dma_start3A_67 : memref<1x128xi32, #tpu.memory_space<vmem>> -> memref<128xi32, #tpu.memory_space<vmem>>
      %dma_start3A_69 = arith.constant 0 : i32
      %dma_start3A_70 = arith.constant 0 : i32
      %dma_start3A_71 = tpu.memref_slice %arg2[%dma_start3A_69, %dma_start3A_70] : memref<10240x128xf32, #tpu.memory_space<hbm>> -> memref<10240x128xf32, #tpu.memory_space<hbm>>
      tpu.enqueue_indirect_dma source(%dma_start3A_71 : memref<10240x128xf32, #tpu.memory_space<hbm>>) target(%arg9 : memref<128x128xf32, #tpu.memory_space<vmem>>) offsets(%dma_start3A_68 : memref<128xi32, #tpu.memory_space<vmem>>) semaphore(%arg12 : memref<!tpu.dma_semaphore, #tpu.memory_space<semaphore_mem>>)
      %add3A_72 = arith.constant 1 : i32
      %add3A_73 = arith.addi %mul3A_49, %add3A_72 : i32
      %dma_wait3A_74 = arith.constant 0 : i32
      %dma_wait3A_75 = tpu.memref_slice %arg7[%add3A_73, %dma_wait3A_74] : memref<48x128xi32, #tpu.memory_space<vmem>> -> memref<1x128xi32, #tpu.memory_space<vmem>>
      %dma_wait3A_76 = tpu.memref_squeeze %dma_wait3A_75 : memref<1x128xi32, #tpu.memory_space<vmem>> -> memref<128xi32, #tpu.memory_space<vmem>>
      %dma_wait3A_77 = arith.constant 0 : i32
      %dma_wait3A_78 = arith.constant 0 : i32
      %dma_wait3A_79 = tpu.memref_slice %arg2[%dma_wait3A_77, %dma_wait3A_78] : memref<10240x128xf32, #tpu.memory_space<hbm>> -> memref<10240x128xf32, #tpu.memory_space<hbm>>
      tpu.wait_indirect_dma semaphore(%arg13 : memref<!tpu.dma_semaphore, #tpu.memory_space<semaphore_mem>>) src(%dma_wait3A_79 : memref<10240x128xf32, #tpu.memory_space<hbm>>) dst(%arg10 : memref<128x128xf32, #tpu.memory_space<vmem>>)
      %add3A_80 = arith.constant 1 : i32
      %add3A_81 = arith.addi %mul3A_49, %add3A_80 : i32
      "tpu.region"() ({
        %run_scoped3A = tpu.sem_alloc : memref<!tpu.dma_semaphore, #tpu.memory_space<semaphore_mem>>
        %dma_start3A_82 = arith.constant 0 : i32
        %dma_start3A_83 = tpu.memref_slice %arg8[%add3A_81, %dma_start3A_82] : memref<48x128xi32, #tpu.memory_space<vmem>> -> memref<1x128xi32, #tpu.memory_space<vmem>>
        %dma_start3A_84 = tpu.memref_squeeze %dma_start3A_83 : memref<1x128xi32, #tpu.memory_space<vmem>> -> memref<128xi32, #tpu.memory_space<vmem>>
        %dma_start3A_85 = arith.constant 0 : i32
        %dma_start3A_86 = arith.constant 0 : i32
        %dma_start3A_87 = tpu.memref_slice %arg11[%dma_start3A_85, %dma_start3A_86] : memref<10240x128xf32, #tpu.memory_space<vmem_shared>> -> memref<10240x128xf32, #tpu.memory_space<vmem_shared>>
        tpu.enqueue_indirect_dma source(%arg10 : memref<128x128xf32, #tpu.memory_space<vmem>>) target(%dma_start3A_87 : memref<10240x128xf32, #tpu.memory_space<vmem_shared>>) offsets(%dma_start3A_84 : memref<128xi32, #tpu.memory_space<vmem>>) semaphore(%run_scoped3A : memref<!tpu.dma_semaphore, #tpu.memory_space<semaphore_mem>>) {add = true}
        %dma_wait3A_88 = arith.constant 0 : i32
        %dma_wait3A_89 = tpu.memref_slice %arg8[%add3A_81, %dma_wait3A_88] : memref<48x128xi32, #tpu.memory_space<vmem>> -> memref<1x128xi32, #tpu.memory_space<vmem>>
        %dma_wait3A_90 = tpu.memref_squeeze %dma_wait3A_89 : memref<1x128xi32, #tpu.memory_space<vmem>> -> memref<128xi32, #tpu.memory_space<vmem>>
        %dma_wait3A_91 = arith.constant 0 : i32
        %dma_wait3A_92 = arith.constant 0 : i32
        %dma_wait3A_93 = tpu.memref_slice %arg11[%dma_wait3A_91, %dma_wait3A_92] : memref<10240x128xf32, #tpu.memory_space<vmem_shared>> -> memref<10240x128xf32, #tpu.memory_space<vmem_shared>>
        tpu.wait_indirect_dma semaphore(%run_scoped3A : memref<!tpu.dma_semaphore, #tpu.memory_space<semaphore_mem>>) src(%arg10 : memref<128x128xf32, #tpu.memory_space<vmem>>) dst(%dma_wait3A_93 : memref<10240x128xf32, #tpu.memory_space<vmem_shared>>)
        tpu.yield
      }) : () -> ()
    }
    %scan3A_19 = arith.constant 20 : i32
    %dma_wait3A = arith.constant 40 : i32
    %dma_wait3A_20 = arith.constant 0 : i32
    %dma_wait3A_21 = tpu.memref_slice %arg7[%dma_wait3A, %dma_wait3A_20] : memref<48x128xi32, #tpu.memory_space<vmem>> -> memref<1x128xi32, #tpu.memory_space<vmem>>
    %dma_wait3A_22 = tpu.memref_squeeze %dma_wait3A_21 : memref<1x128xi32, #tpu.memory_space<vmem>> -> memref<128xi32, #tpu.memory_space<vmem>>
    %dma_wait3A_23 = arith.constant 0 : i32
    %dma_wait3A_24 = arith.constant 0 : i32
    %dma_wait3A_25 = tpu.memref_slice %arg2[%dma_wait3A_23, %dma_wait3A_24] : memref<10240x128xf32, #tpu.memory_space<hbm>> -> memref<10240x128xf32, #tpu.memory_space<hbm>>
    tpu.wait_indirect_dma semaphore(%arg12 : memref<!tpu.dma_semaphore, #tpu.memory_space<semaphore_mem>>) src(%dma_wait3A_25 : memref<10240x128xf32, #tpu.memory_space<hbm>>) dst(%arg9 : memref<128x128xf32, #tpu.memory_space<vmem>>)
    "tpu.region"() ({
      %run_scoped3A = tpu.sem_alloc : memref<!tpu.dma_semaphore, #tpu.memory_space<semaphore_mem>>
      %dma_start3A_47 = arith.constant 40 : i32
      %dma_start3A_48 = arith.constant 0 : i32
      %dma_start3A_49 = tpu.memref_slice %arg3[%add3A, %dma_start3A_47, %dma_start3A_48] : memref<32x88x128xi32, #tpu.memory_space<hbm>> -> memref<1x48x128xi32, #tpu.memory_space<hbm>>
      %dma_start3A_50 = tpu.memref_squeeze %dma_start3A_49 : memref<1x48x128xi32, #tpu.memory_space<hbm>> -> memref<48x128xi32, #tpu.memory_space<hbm>>
      %dma_start3A_51 = arith.constant 40 : i32
      %dma_start3A_52 = arith.constant 0 : i32
      %dma_start3A_53 = tpu.memref_slice %arg3[%add3A, %dma_start3A_51, %dma_start3A_52] : memref<32x88x128xi32, #tpu.memory_space<hbm>> -> memref<1x48x128xi32, #tpu.memory_space<hbm>>
      %dma_start3A_54 = tpu.memref_squeeze %dma_start3A_53 : memref<1x48x128xi32, #tpu.memory_space<hbm>> -> memref<48x128xi32, #tpu.memory_space<hbm>>
      tpu.enqueue_dma source(%dma_start3A_54 : memref<48x128xi32, #tpu.memory_space<hbm>>) target(%arg7 : memref<48x128xi32, #tpu.memory_space<vmem>>) target_semaphore(%run_scoped3A : memref<!tpu.dma_semaphore, #tpu.memory_space<semaphore_mem>>)
      %dma_wait3A_55 = arith.constant 40 : i32
      %dma_wait3A_56 = arith.constant 0 : i32
      %dma_wait3A_57 = tpu.memref_slice %arg3[%add3A, %dma_wait3A_55, %dma_wait3A_56] : memref<32x88x128xi32, #tpu.memory_space<hbm>> -> memref<1x48x128xi32, #tpu.memory_space<hbm>>
      %dma_wait3A_58 = tpu.memref_squeeze %dma_wait3A_57 : memref<1x48x128xi32, #tpu.memory_space<hbm>> -> memref<48x128xi32, #tpu.memory_space<hbm>>
      %dma_wait3A_59 = arith.constant 40 : i32
      %dma_wait3A_60 = arith.constant 0 : i32
      %dma_wait3A_61 = tpu.memref_slice %arg3[%add3A, %dma_wait3A_59, %dma_wait3A_60] : memref<32x88x128xi32, #tpu.memory_space<hbm>> -> memref<1x48x128xi32, #tpu.memory_space<hbm>>
      %dma_wait3A_62 = tpu.memref_squeeze %dma_wait3A_61 : memref<1x48x128xi32, #tpu.memory_space<hbm>> -> memref<48x128xi32, #tpu.memory_space<hbm>>
      tpu.wait_dma2 semaphore(%run_scoped3A : memref<!tpu.dma_semaphore, #tpu.memory_space<semaphore_mem>>) src(%dma_wait3A_62 : memref<48x128xi32, #tpu.memory_space<hbm>>) dst(%arg7 : memref<48x128xi32, #tpu.memory_space<vmem>>)
      tpu.yield
    }) : () -> ()
    "tpu.region"() ({
      %run_scoped3A = tpu.sem_alloc : memref<!tpu.dma_semaphore, #tpu.memory_space<semaphore_mem>>
      %dma_start3A_47 = arith.constant 40 : i32
      %dma_start3A_48 = arith.constant 0 : i32
      %dma_start3A_49 = tpu.memref_slice %arg4[%add3A, %dma_start3A_47, %dma_start3A_48] : memref<32x88x128xi32, #tpu.memory_space<hbm>> -> memref<1x48x128xi32, #tpu.memory_space<hbm>>
      %dma_start3A_50 = tpu.memref_squeeze %dma_start3A_49 : memref<1x48x128xi32, #tpu.memory_space<hbm>> -> memref<48x128xi32, #tpu.memory_space<hbm>>
      %dma_start3A_51 = arith.constant 40 : i32
      %dma_start3A_52 = arith.constant 0 : i32
      %dma_start3A_53 = tpu.memref_slice %arg4[%add3A, %dma_start3A_51, %dma_start3A_52] : memref<32x88x128xi32, #tpu.memory_space<hbm>> -> memref<1x48x128xi32, #tpu.memory_space<hbm>>
      %dma_start3A_54 = tpu.memref_squeeze %dma_start3A_53 : memref<1x48x128xi32, #tpu.memory_space<hbm>> -> memref<48x128xi32, #tpu.memory_space<hbm>>
      tpu.enqueue_dma source(%dma_start3A_54 : memref<48x128xi32, #tpu.memory_space<hbm>>) target(%arg8 : memref<48x128xi32, #tpu.memory_space<vmem>>) target_semaphore(%run_scoped3A : memref<!tpu.dma_semaphore, #tpu.memory_space<semaphore_mem>>)
      %dma_wait3A_55 = arith.constant 40 : i32
      %dma_wait3A_56 = arith.constant 0 : i32
      %dma_wait3A_57 = tpu.memref_slice %arg4[%add3A, %dma_wait3A_55, %dma_wait3A_56] : memref<32x88x128xi32, #tpu.memory_space<hbm>> -> memref<1x48x128xi32, #tpu.memory_space<hbm>>
      %dma_wait3A_58 = tpu.memref_squeeze %dma_wait3A_57 : memref<1x48x128xi32, #tpu.memory_space<hbm>> -> memref<48x128xi32, #tpu.memory_space<hbm>>
      %dma_wait3A_59 = arith.constant 40 : i32
      %dma_wait3A_60 = arith.constant 0 : i32
      %dma_wait3A_61 = tpu.memref_slice %arg4[%add3A, %dma_wait3A_59, %dma_wait3A_60] : memref<32x88x128xi32, #tpu.memory_space<hbm>> -> memref<1x48x128xi32, #tpu.memory_space<hbm>>
      %dma_wait3A_62 = tpu.memref_squeeze %dma_wait3A_61 : memref<1x48x128xi32, #tpu.memory_space<hbm>> -> memref<48x128xi32, #tpu.memory_space<hbm>>
      tpu.wait_dma2 semaphore(%run_scoped3A : memref<!tpu.dma_semaphore, #tpu.memory_space<semaphore_mem>>) src(%dma_wait3A_62 : memref<48x128xi32, #tpu.memory_space<hbm>>) dst(%arg8 : memref<48x128xi32, #tpu.memory_space<vmem>>)
      tpu.yield
    }) : () -> ()
    %dma_start3A_26 = arith.constant 0 : i32
    %dma_start3A_27 = arith.constant 0 : i32
    %dma_start3A_28 = tpu.memref_slice %arg7[%dma_start3A_26, %dma_start3A_27] : memref<48x128xi32, #tpu.memory_space<vmem>> -> memref<1x128xi32, #tpu.memory_space<vmem>>
    %dma_start3A_29 = tpu.memref_squeeze %dma_start3A_28 : memref<1x128xi32, #tpu.memory_space<vmem>> -> memref<128xi32, #tpu.memory_space<vmem>>
    %dma_start3A_30 = arith.constant 0 : i32
    %dma_start3A_31 = arith.constant 0 : i32
    %dma_start3A_32 = tpu.memref_slice %arg2[%dma_start3A_30, %dma_start3A_31] : memref<10240x128xf32, #tpu.memory_space<hbm>> -> memref<10240x128xf32, #tpu.memory_space<hbm>>
    tpu.enqueue_indirect_dma source(%dma_start3A_32 : memref<10240x128xf32, #tpu.memory_space<hbm>>) target(%arg9 : memref<128x128xf32, #tpu.memory_space<vmem>>) offsets(%dma_start3A_29 : memref<128xi32, #tpu.memory_space<vmem>>) semaphore(%arg12 : memref<!tpu.dma_semaphore, #tpu.memory_space<semaphore_mem>>)
    %scan3A_33 = arith.constant 0 : i32
    %scan3A_34 = arith.constant 0 : i32
    %scan3A_35 = arith.constant 20 : i32
    %scan3A_36 = arith.addi %scan3A_34, %scan3A_35 : i32
    %scan3A_37 = arith.constant 1 : i32
    scf.for %scan3A_47 = %scan3A_34 to %scan3A_36 step %scan3A_37  : i32 {
      %mul3A_48 = arith.constant 2 : i32
      %mul3A_49 = arith.muli %mul3A_48, %scan3A_47 : i32
      %add3A_50 = arith.constant 1 : i32
      %add3A_51 = arith.addi %mul3A_49, %add3A_50 : i32
      %dma_start3A_52 = arith.constant 0 : i32
      %dma_start3A_53 = tpu.memref_slice %arg7[%add3A_51, %dma_start3A_52] : memref<48x128xi32, #tpu.memory_space<vmem>> -> memref<1x128xi32, #tpu.memory_space<vmem>>
      %dma_start3A_54 = tpu.memref_squeeze %dma_start3A_53 : memref<1x128xi32, #tpu.memory_space<vmem>> -> memref<128xi32, #tpu.memory_space<vmem>>
      %dma_start3A_55 = arith.constant 0 : i32
      %dma_start3A_56 = arith.constant 0 : i32
      %dma_start3A_57 = tpu.memref_slice %arg2[%dma_start3A_55, %dma_start3A_56] : memref<10240x128xf32, #tpu.memory_space<hbm>> -> memref<10240x128xf32, #tpu.memory_space<hbm>>
      tpu.enqueue_indirect_dma source(%dma_start3A_57 : memref<10240x128xf32, #tpu.memory_space<hbm>>) target(%arg10 : memref<128x128xf32, #tpu.memory_space<vmem>>) offsets(%dma_start3A_54 : memref<128xi32, #tpu.memory_space<vmem>>) semaphore(%arg13 : memref<!tpu.dma_semaphore, #tpu.memory_space<semaphore_mem>>)
      %dma_wait3A_58 = arith.constant 0 : i32
      %dma_wait3A_59 = tpu.memref_slice %arg7[%mul3A_49, %dma_wait3A_58] : memref<48x128xi32, #tpu.memory_space<vmem>> -> memref<1x128xi32, #tpu.memory_space<vmem>>
      %dma_wait3A_60 = tpu.memref_squeeze %dma_wait3A_59 : memref<1x128xi32, #tpu.memory_space<vmem>> -> memref<128xi32, #tpu.memory_space<vmem>>
      %dma_wait3A_61 = arith.constant 0 : i32
      %dma_wait3A_62 = arith.constant 0 : i32
      %dma_wait3A_63 = tpu.memref_slice %arg2[%dma_wait3A_61, %dma_wait3A_62] : memref<10240x128xf32, #tpu.memory_space<hbm>> -> memref<10240x128xf32, #tpu.memory_space<hbm>>
      tpu.wait_indirect_dma semaphore(%arg12 : memref<!tpu.dma_semaphore, #tpu.memory_space<semaphore_mem>>) src(%dma_wait3A_63 : memref<10240x128xf32, #tpu.memory_space<hbm>>) dst(%arg9 : memref<128x128xf32, #tpu.memory_space<vmem>>)
      "tpu.region"() ({
        %run_scoped3A = tpu.sem_alloc : memref<!tpu.dma_semaphore, #tpu.memory_space<semaphore_mem>>
        %dma_start3A_82 = arith.constant 0 : i32
        %dma_start3A_83 = tpu.memref_slice %arg8[%mul3A_49, %dma_start3A_82] : memref<48x128xi32, #tpu.memory_space<vmem>> -> memref<1x128xi32, #tpu.memory_space<vmem>>
        %dma_start3A_84 = tpu.memref_squeeze %dma_start3A_83 : memref<1x128xi32, #tpu.memory_space<vmem>> -> memref<128xi32, #tpu.memory_space<vmem>>
        %dma_start3A_85 = arith.constant 0 : i32
        %dma_start3A_86 = arith.constant 0 : i32
        %dma_start3A_87 = tpu.memref_slice %arg11[%dma_start3A_85, %dma_start3A_86] : memref<10240x128xf32, #tpu.memory_space<vmem_shared>> -> memref<10240x128xf32, #tpu.memory_space<vmem_shared>>
        tpu.enqueue_indirect_dma source(%arg9 : memref<128x128xf32, #tpu.memory_space<vmem>>) target(%dma_start3A_87 : memref<10240x128xf32, #tpu.memory_space<vmem_shared>>) offsets(%dma_start3A_84 : memref<128xi32, #tpu.memory_space<vmem>>) semaphore(%run_scoped3A : memref<!tpu.dma_semaphore, #tpu.memory_space<semaphore_mem>>) {add = true}
        %dma_wait3A_88 = arith.constant 0 : i32
        %dma_wait3A_89 = tpu.memref_slice %arg8[%mul3A_49, %dma_wait3A_88] : memref<48x128xi32, #tpu.memory_space<vmem>> -> memref<1x128xi32, #tpu.memory_space<vmem>>
        %dma_wait3A_90 = tpu.memref_squeeze %dma_wait3A_89 : memref<1x128xi32, #tpu.memory_space<vmem>> -> memref<128xi32, #tpu.memory_space<vmem>>
        %dma_wait3A_91 = arith.constant 0 : i32
        %dma_wait3A_92 = arith.constant 0 : i32
        %dma_wait3A_93 = tpu.memref_slice %arg11[%dma_wait3A_91, %dma_wait3A_92] : memref<10240x128xf32, #tpu.memory_space<vmem_shared>> -> memref<10240x128xf32, #tpu.memory_space<vmem_shared>>
        tpu.wait_indirect_dma semaphore(%run_scoped3A : memref<!tpu.dma_semaphore, #tpu.memory_space<semaphore_mem>>) src(%arg9 : memref<128x128xf32, #tpu.memory_space<vmem>>) dst(%dma_wait3A_93 : memref<10240x128xf32, #tpu.memory_space<vmem_shared>>)
        tpu.yield
      }) : () -> ()
      %add3A_64 = arith.constant 2 : i32
      %add3A_65 = arith.addi %mul3A_49, %add3A_64 : i32
      %dma_start3A_66 = arith.constant 0 : i32
      %dma_start3A_67 = tpu.memref_slice %arg7[%add3A_65, %dma_start3A_66] : memref<48x128xi32, #tpu.memory_space<vmem>> -> memref<1x128xi32, #tpu.memory_space<vmem>>
      %dma_start3A_68 = tpu.memref_squeeze %dma_start3A_67 : memref<1x128xi32, #tpu.memory_space<vmem>> -> memref<128xi32, #tpu.memory_space<vmem>>
      %dma_start3A_69 = arith.constant 0 : i32
      %dma_start3A_70 = arith.constant 0 : i32
      %dma_start3A_71 = tpu.memref_slice %arg2[%dma_start3A_69, %dma_start3A_70] : memref<10240x128xf32, #tpu.memory_space<hbm>> -> memref<10240x128xf32, #tpu.memory_space<hbm>>
      tpu.enqueue_indirect_dma source(%dma_start3A_71 : memref<10240x128xf32, #tpu.memory_space<hbm>>) target(%arg9 : memref<128x128xf32, #tpu.memory_space<vmem>>) offsets(%dma_start3A_68 : memref<128xi32, #tpu.memory_space<vmem>>) semaphore(%arg12 : memref<!tpu.dma_semaphore, #tpu.memory_space<semaphore_mem>>)
      %add3A_72 = arith.constant 1 : i32
      %add3A_73 = arith.addi %mul3A_49, %add3A_72 : i32
      %dma_wait3A_74 = arith.constant 0 : i32
      %dma_wait3A_75 = tpu.memref_slice %arg7[%add3A_73, %dma_wait3A_74] : memref<48x128xi32, #tpu.memory_space<vmem>> -> memref<1x128xi32, #tpu.memory_space<vmem>>
      %dma_wait3A_76 = tpu.memref_squeeze %dma_wait3A_75 : memref<1x128xi32, #tpu.memory_space<vmem>> -> memref<128xi32, #tpu.memory_space<vmem>>
      %dma_wait3A_77 = arith.constant 0 : i32
      %dma_wait3A_78 = arith.constant 0 : i32
      %dma_wait3A_79 = tpu.memref_slice %arg2[%dma_wait3A_77, %dma_wait3A_78] : memref<10240x128xf32, #tpu.memory_space<hbm>> -> memref<10240x128xf32, #tpu.memory_space<hbm>>
      tpu.wait_indirect_dma semaphore(%arg13 : memref<!tpu.dma_semaphore, #tpu.memory_space<semaphore_mem>>) src(%dma_wait3A_79 : memref<10240x128xf32, #tpu.memory_space<hbm>>) dst(%arg10 : memref<128x128xf32, #tpu.memory_space<vmem>>)
      %add3A_80 = arith.constant 1 : i32
      %add3A_81 = arith.addi %mul3A_49, %add3A_80 : i32
      "tpu.region"() ({
        %run_scoped3A = tpu.sem_alloc : memref<!tpu.dma_semaphore, #tpu.memory_space<semaphore_mem>>
        %dma_start3A_82 = arith.constant 0 : i32
        %dma_start3A_83 = tpu.memref_slice %arg8[%add3A_81, %dma_start3A_82] : memref<48x128xi32, #tpu.memory_space<vmem>> -> memref<1x128xi32, #tpu.memory_space<vmem>>
        %dma_start3A_84 = tpu.memref_squeeze %dma_start3A_83 : memref<1x128xi32, #tpu.memory_space<vmem>> -> memref<128xi32, #tpu.memory_space<vmem>>
        %dma_start3A_85 = arith.constant 0 : i32
        %dma_start3A_86 = arith.constant 0 : i32
        %dma_start3A_87 = tpu.memref_slice %arg11[%dma_start3A_85, %dma_start3A_86] : memref<10240x128xf32, #tpu.memory_space<vmem_shared>> -> memref<10240x128xf32, #tpu.memory_space<vmem_shared>>
        tpu.enqueue_indirect_dma source(%arg10 : memref<128x128xf32, #tpu.memory_space<vmem>>) target(%dma_start3A_87 : memref<10240x128xf32, #tpu.memory_space<vmem_shared>>) offsets(%dma_start3A_84 : memref<128xi32, #tpu.memory_space<vmem>>) semaphore(%run_scoped3A : memref<!tpu.dma_semaphore, #tpu.memory_space<semaphore_mem>>) {add = true}
        %dma_wait3A_88 = arith.constant 0 : i32
        %dma_wait3A_89 = tpu.memref_slice %arg8[%add3A_81, %dma_wait3A_88] : memref<48x128xi32, #tpu.memory_space<vmem>> -> memref<1x128xi32, #tpu.memory_space<vmem>>
        %dma_wait3A_90 = tpu.memref_squeeze %dma_wait3A_89 : memref<1x128xi32, #tpu.memory_space<vmem>> -> memref<128xi32, #tpu.memory_space<vmem>>
        %dma_wait3A_91 = arith.constant 0 : i32
        %dma_wait3A_92 = arith.constant 0 : i32
        %dma_wait3A_93 = tpu.memref_slice %arg11[%dma_wait3A_91, %dma_wait3A_92] : memref<10240x128xf32, #tpu.memory_space<vmem_shared>> -> memref<10240x128xf32, #tpu.memory_space<vmem_shared>>
        tpu.wait_indirect_dma semaphore(%run_scoped3A : memref<!tpu.dma_semaphore, #tpu.memory_space<semaphore_mem>>) src(%arg10 : memref<128x128xf32, #tpu.memory_space<vmem>>) dst(%dma_wait3A_93 : memref<10240x128xf32, #tpu.memory_space<vmem_shared>>)
        tpu.yield
      }) : () -> ()
    }
    %scan3A_38 = arith.constant 20 : i32
    %dma_wait3A_39 = arith.constant 40 : i32
    %dma_wait3A_40 = arith.constant 0 : i32
    %dma_wait3A_41 = tpu.memref_slice %arg7[%dma_wait3A_39, %dma_wait3A_40] : memref<48x128xi32, #tpu.memory_space<vmem>> -> memref<1x128xi32, #tpu.memory_space<vmem>>
    %dma_wait3A_42 = tpu.memref_squeeze %dma_wait3A_41 : memref<1x128xi32, #tpu.memory_space<vmem>> -> memref<128xi32, #tpu.memory_space<vmem>>
    %dma_wait3A_43 = arith.constant 0 : i32
    %dma_wait3A_44 = arith.constant 0 : i32
    %dma_wait3A_45 = tpu.memref_slice %arg2[%dma_wait3A_43, %dma_wait3A_44] : memref<10240x128xf32, #tpu.memory_space<hbm>> -> memref<10240x128xf32, #tpu.memory_space<hbm>>
    tpu.wait_indirect_dma semaphore(%arg12 : memref<!tpu.dma_semaphore, #tpu.memory_space<semaphore_mem>>) src(%dma_wait3A_45 : memref<10240x128xf32, #tpu.memory_space<hbm>>) dst(%arg9 : memref<128x128xf32, #tpu.memory_space<vmem>>)
    %barrier3A_46 = arith.constant 0 : index
    tpu.barrier barrier_id(%barrier3A_46)
    "tpu.region"() ({
      %run_scoped3A = tpu.sem_alloc : memref<!tpu.dma_semaphore, #tpu.memory_space<semaphore_mem>>
      %dma_start3A_47 = arith.constant 0 : i32
      %dma_start3A_48 = tpu.memref_slice %arg6[%arg0, %mul3A_2, %dma_start3A_47] : memref<2x10240x128xf32, #tpu.memory_space<hbm>> -> memref<1x640x128xf32, #tpu.memory_space<hbm>>
      %dma_start3A_49 = tpu.memref_squeeze %dma_start3A_48 : memref<1x640x128xf32, #tpu.memory_space<hbm>> -> memref<640x128xf32, #tpu.memory_space<hbm>>
      %dma_start3A_50 = arith.constant 0 : i32
      %dma_start3A_51 = tpu.memref_slice %arg11[%mul3A_2, %dma_start3A_50] : memref<10240x128xf32, #tpu.memory_space<vmem_shared>> -> memref<640x128xf32, #tpu.memory_space<vmem_shared>>
      tpu.enqueue_dma source(%dma_start3A_51 : memref<640x128xf32, #tpu.memory_space<vmem_shared>>) target(%dma_start3A_49 : memref<640x128xf32, #tpu.memory_space<hbm>>) target_semaphore(%run_scoped3A : memref<!tpu.dma_semaphore, #tpu.memory_space<semaphore_mem>>)
      %dma_wait3A_52 = arith.constant 0 : i32
      %dma_wait3A_53 = tpu.memref_slice %arg6[%arg0, %mul3A_2, %dma_wait3A_52] : memref<2x10240x128xf32, #tpu.memory_space<hbm>> -> memref<1x640x128xf32, #tpu.memory_space<hbm>>
      %dma_wait3A_54 = tpu.memref_squeeze %dma_wait3A_53 : memref<1x640x128xf32, #tpu.memory_space<hbm>> -> memref<640x128xf32, #tpu.memory_space<hbm>>
      %dma_wait3A_55 = arith.constant 0 : i32
      %dma_wait3A_56 = tpu.memref_slice %arg11[%mul3A_2, %dma_wait3A_55] : memref<10240x128xf32, #tpu.memory_space<vmem_shared>> -> memref<640x128xf32, #tpu.memory_space<vmem_shared>>
      tpu.wait_dma2 semaphore(%run_scoped3A : memref<!tpu.dma_semaphore, #tpu.memory_space<semaphore_mem>>) src(%dma_wait3A_56 : memref<640x128xf32, #tpu.memory_space<vmem_shared>>) dst(%dma_wait3A_54 : memref<640x128xf32, #tpu.memory_space<hbm>>)
      tpu.yield
    }) : () -> ()
    return
  }
}

#map = affine_map<(d0, d1) -> (0, 0)>
#map1 = affine_map<(d0, d1) -> (0, 0, 0)>
module attributes {stable_mosaic.version = 14 : i64} {
  func.func @_row_kernel(%arg0: i32, %arg1: i32, %arg2: memref<10240x128xf32, #tpu.memory_space<hbm>>, %arg3: memref<32x88x128xi32, #tpu.memory_space<hbm>>, %arg4: memref<32x88x128xi32, #tpu.memory_space<hbm>>, %arg5: memref<10240x128xf32, #tpu.memory_space<hbm>>, %arg6: memref<2x10240x128xf32, #tpu.memory_space<hbm>>, %arg7: memref<48x128xi32, #tpu.memory_space<vmem>>, %arg8: memref<48x128xi32, #tpu.memory_space<vmem>>, %arg9: memref<128x128xf32, #tpu.memory_space<vmem>>, %arg10: memref<128x128xf32, #tpu.memory_space<vmem>>, %arg11: memref<10240x128xf32, #tpu.memory_space<vmem_shared>>, %arg12: memref<!tpu.dma_semaphore, #tpu.memory_space<semaphore_mem>>, %arg13: memref<!tpu.dma_semaphore, #tpu.memory_space<semaphore_mem>>) attributes {dimension_semantics = [#tpu.dimension_semantics<core_parallel>, #tpu.dimension_semantics<subcore_parallel>], iteration_bounds = array<i64: 2, 16>, scalar_prefetch = 0 : i64, scratch_operands = 7 : i64, tpu.core_type = #tpu.core_type<sc_vector_subcore>, window_params = [{transform_indices = #map}, {transform_indices = #map1}, {transform_indices = #map1}, {transform_indices = #map}, {transform_indices = #map1}]} {
    %mul3A = arith.constant 2 : i32
    %mul3A_0 = arith.muli %arg1, %mul3A : i32
    %add3A = arith.addi %mul3A_0, %arg0 : i32
    %mul3A_1 = arith.constant 640 : i32
    %mul3A_2 = arith.muli %arg1, %mul3A_1 : i32
    %eq3A = arith.constant 0 : i32
    %eq3A_3 = arith.cmpi eq, %arg0, %eq3A : i32
    %convert_element_type3A = arith.extui %eq3A_3 : i1 to i32
    %cond3A = arith.constant 0 : i32
    %cond3A_4 = arith.cmpi ne, %convert_element_type3A, %cond3A : i32
    scf.if %cond3A_4 {
      "tpu.region"() ({
        %run_scoped3A = tpu.sem_alloc : memref<!tpu.dma_semaphore, #tpu.memory_space<semaphore_mem>>
        %dma_start3A_47 = arith.constant 0 : i32
        %dma_start3A_48 = tpu.memref_slice %arg11[%mul3A_2, %dma_start3A_47] : memref<10240x128xf32, #tpu.memory_space<vmem_shared>> -> memref<640x128xf32, #tpu.memory_space<vmem_shared>>
        %dma_start3A_49 = arith.constant 0 : i32
        %dma_start3A_50 = tpu.memref_slice %arg2[%mul3A_2, %dma_start3A_49] : memref<10240x128xf32, #tpu.memory_space<hbm>> -> memref<640x128xf32, #tpu.memory_space<hbm>>
        tpu.enqueue_dma source(%dma_start3A_50 : memref<640x128xf32, #tpu.memory_space<hbm>>) target(%dma_start3A_48 : memref<640x128xf32, #tpu.memory_space<vmem_shared>>) target_semaphore(%run_scoped3A : memref<!tpu.dma_semaphore, #tpu.memory_space<semaphore_mem>>)
        %dma_wait3A_51 = arith.constant 0 : i32
        %dma_wait3A_52 = tpu.memref_slice %arg11[%mul3A_2, %dma_wait3A_51] : memref<10240x128xf32, #tpu.memory_space<vmem_shared>> -> memref<640x128xf32, #tpu.memory_space<vmem_shared>>
        %dma_wait3A_53 = arith.constant 0 : i32
        %dma_wait3A_54 = tpu.memref_slice %arg2[%mul3A_2, %dma_wait3A_53] : memref<10240x128xf32, #tpu.memory_space<hbm>> -> memref<640x128xf32, #tpu.memory_space<hbm>>
        tpu.wait_dma2 semaphore(%run_scoped3A : memref<!tpu.dma_semaphore, #tpu.memory_space<semaphore_mem>>) src(%dma_wait3A_54 : memref<640x128xf32, #tpu.memory_space<hbm>>) dst(%dma_wait3A_52 : memref<640x128xf32, #tpu.memory_space<vmem_shared>>)
        tpu.yield
      }) : () -> ()
    } else {
    }
    %ne3A = arith.constant 0 : i32
    %ne3A_5 = arith.cmpi ne, %arg0, %ne3A : i32
    %convert_element_type3A_6 = arith.extui %ne3A_5 : i1 to i32
    %cond3A_7 = arith.constant 0 : i32
    %cond3A_8 = arith.cmpi ne, %convert_element_type3A_6, %cond3A_7 : i32
    scf.if %cond3A_8 {
      "tpu.region"() ({
        %run_scoped3A = tpu.sem_alloc : memref<!tpu.dma_semaphore, #tpu.memory_space<semaphore_mem>>
        %dma_start3A_47 = arith.constant 0 : i32
        %dma_start3A_48 = tpu.memref_slice %arg11[%mul3A_2, %dma_start3A_47] : memref<10240x128xf32, #tpu.memory_space<vmem_shared>> -> memref<640x128xf32, #tpu.memory_space<vmem_shared>>
        %dma_start3A_49 = arith.constant 0 : i32
        %dma_start3A_50 = tpu.memref_slice %arg5[%mul3A_2, %dma_start3A_49] : memref<10240x128xf32, #tpu.memory_space<hbm>> -> memref<640x128xf32, #tpu.memory_space<hbm>>
        tpu.enqueue_dma source(%dma_start3A_50 : memref<640x128xf32, #tpu.memory_space<hbm>>) target(%dma_start3A_48 : memref<640x128xf32, #tpu.memory_space<vmem_shared>>) target_semaphore(%run_scoped3A : memref<!tpu.dma_semaphore, #tpu.memory_space<semaphore_mem>>)
        %dma_wait3A_51 = arith.constant 0 : i32
        %dma_wait3A_52 = tpu.memref_slice %arg11[%mul3A_2, %dma_wait3A_51] : memref<10240x128xf32, #tpu.memory_space<vmem_shared>> -> memref<640x128xf32, #tpu.memory_space<vmem_shared>>
        %dma_wait3A_53 = arith.constant 0 : i32
        %dma_wait3A_54 = tpu.memref_slice %arg5[%mul3A_2, %dma_wait3A_53] : memref<10240x128xf32, #tpu.memory_space<hbm>> -> memref<640x128xf32, #tpu.memory_space<hbm>>
        tpu.wait_dma2 semaphore(%run_scoped3A : memref<!tpu.dma_semaphore, #tpu.memory_space<semaphore_mem>>) src(%dma_wait3A_54 : memref<640x128xf32, #tpu.memory_space<hbm>>) dst(%dma_wait3A_52 : memref<640x128xf32, #tpu.memory_space<vmem_shared>>)
        tpu.yield
      }) : () -> ()
    } else {
    }
    %barrier3A = arith.constant 0 : index
    tpu.barrier barrier_id(%barrier3A)
    "tpu.region"() ({
      %run_scoped3A = tpu.sem_alloc : memref<!tpu.dma_semaphore, #tpu.memory_space<semaphore_mem>>
      %dma_start3A_47 = arith.constant 0 : i32
      %dma_start3A_48 = arith.constant 0 : i32
      %dma_start3A_49 = tpu.memref_slice %arg3[%add3A, %dma_start3A_47, %dma_start3A_48] : memref<32x88x128xi32, #tpu.memory_space<hbm>> -> memref<1x48x128xi32, #tpu.memory_space<hbm>>
      %dma_start3A_50 = tpu.memref_squeeze %dma_start3A_49 : memref<1x48x128xi32, #tpu.memory_space<hbm>> -> memref<48x128xi32, #tpu.memory_space<hbm>>
      %dma_start3A_51 = arith.constant 0 : i32
      %dma_start3A_52 = arith.constant 0 : i32
      %dma_start3A_53 = tpu.memref_slice %arg3[%add3A, %dma_start3A_51, %dma_start3A_52] : memref<32x88x128xi32, #tpu.memory_space<hbm>> -> memref<1x48x128xi32, #tpu.memory_space<hbm>>
      %dma_start3A_54 = tpu.memref_squeeze %dma_start3A_53 : memref<1x48x128xi32, #tpu.memory_space<hbm>> -> memref<48x128xi32, #tpu.memory_space<hbm>>
      tpu.enqueue_dma source(%dma_start3A_54 : memref<48x128xi32, #tpu.memory_space<hbm>>) target(%arg7 : memref<48x128xi32, #tpu.memory_space<vmem>>) target_semaphore(%run_scoped3A : memref<!tpu.dma_semaphore, #tpu.memory_space<semaphore_mem>>)
      %dma_wait3A_55 = arith.constant 0 : i32
      %dma_wait3A_56 = arith.constant 0 : i32
      %dma_wait3A_57 = tpu.memref_slice %arg3[%add3A, %dma_wait3A_55, %dma_wait3A_56] : memref<32x88x128xi32, #tpu.memory_space<hbm>> -> memref<1x48x128xi32, #tpu.memory_space<hbm>>
      %dma_wait3A_58 = tpu.memref_squeeze %dma_wait3A_57 : memref<1x48x128xi32, #tpu.memory_space<hbm>> -> memref<48x128xi32, #tpu.memory_space<hbm>>
      %dma_wait3A_59 = arith.constant 0 : i32
      %dma_wait3A_60 = arith.constant 0 : i32
      %dma_wait3A_61 = tpu.memref_slice %arg3[%add3A, %dma_wait3A_59, %dma_wait3A_60] : memref<32x88x128xi32, #tpu.memory_space<hbm>> -> memref<1x48x128xi32, #tpu.memory_space<hbm>>
      %dma_wait3A_62 = tpu.memref_squeeze %dma_wait3A_61 : memref<1x48x128xi32, #tpu.memory_space<hbm>> -> memref<48x128xi32, #tpu.memory_space<hbm>>
      tpu.wait_dma2 semaphore(%run_scoped3A : memref<!tpu.dma_semaphore, #tpu.memory_space<semaphore_mem>>) src(%dma_wait3A_62 : memref<48x128xi32, #tpu.memory_space<hbm>>) dst(%arg7 : memref<48x128xi32, #tpu.memory_space<vmem>>)
      tpu.yield
    }) : () -> ()
    "tpu.region"() ({
      %run_scoped3A = tpu.sem_alloc : memref<!tpu.dma_semaphore, #tpu.memory_space<semaphore_mem>>
      %dma_start3A_47 = arith.constant 0 : i32
      %dma_start3A_48 = arith.constant 0 : i32
      %dma_start3A_49 = tpu.memref_slice %arg4[%add3A, %dma_start3A_47, %dma_start3A_48] : memref<32x88x128xi32, #tpu.memory_space<hbm>> -> memref<1x48x128xi32, #tpu.memory_space<hbm>>
      %dma_start3A_50 = tpu.memref_squeeze %dma_start3A_49 : memref<1x48x128xi32, #tpu.memory_space<hbm>> -> memref<48x128xi32, #tpu.memory_space<hbm>>
      %dma_start3A_51 = arith.constant 0 : i32
      %dma_start3A_52 = arith.constant 0 : i32
      %dma_start3A_53 = tpu.memref_slice %arg4[%add3A, %dma_start3A_51, %dma_start3A_52] : memref<32x88x128xi32, #tpu.memory_space<hbm>> -> memref<1x48x128xi32, #tpu.memory_space<hbm>>
      %dma_start3A_54 = tpu.memref_squeeze %dma_start3A_53 : memref<1x48x128xi32, #tpu.memory_space<hbm>> -> memref<48x128xi32, #tpu.memory_space<hbm>>
      tpu.enqueue_dma source(%dma_start3A_54 : memref<48x128xi32, #tpu.memory_space<hbm>>) target(%arg8 : memref<48x128xi32, #tpu.memory_space<vmem>>) target_semaphore(%run_scoped3A : memref<!tpu.dma_semaphore, #tpu.memory_space<semaphore_mem>>)
      %dma_wait3A_55 = arith.constant 0 : i32
      %dma_wait3A_56 = arith.constant 0 : i32
      %dma_wait3A_57 = tpu.memref_slice %arg4[%add3A, %dma_wait3A_55, %dma_wait3A_56] : memref<32x88x128xi32, #tpu.memory_space<hbm>> -> memref<1x48x128xi32, #tpu.memory_space<hbm>>
      %dma_wait3A_58 = tpu.memref_squeeze %dma_wait3A_57 : memref<1x48x128xi32, #tpu.memory_space<hbm>> -> memref<48x128xi32, #tpu.memory_space<hbm>>
      %dma_wait3A_59 = arith.constant 0 : i32
      %dma_wait3A_60 = arith.constant 0 : i32
      %dma_wait3A_61 = tpu.memref_slice %arg4[%add3A, %dma_wait3A_59, %dma_wait3A_60] : memref<32x88x128xi32, #tpu.memory_space<hbm>> -> memref<1x48x128xi32, #tpu.memory_space<hbm>>
      %dma_wait3A_62 = tpu.memref_squeeze %dma_wait3A_61 : memref<1x48x128xi32, #tpu.memory_space<hbm>> -> memref<48x128xi32, #tpu.memory_space<hbm>>
      tpu.wait_dma2 semaphore(%run_scoped3A : memref<!tpu.dma_semaphore, #tpu.memory_space<semaphore_mem>>) src(%dma_wait3A_62 : memref<48x128xi32, #tpu.memory_space<hbm>>) dst(%arg8 : memref<48x128xi32, #tpu.memory_space<vmem>>)
      tpu.yield
    }) : () -> ()
    %dma_start3A = arith.constant 0 : i32
    %dma_start3A_9 = arith.constant 0 : i32
    %dma_start3A_10 = tpu.memref_slice %arg7[%dma_start3A, %dma_start3A_9] : memref<48x128xi32, #tpu.memory_space<vmem>> -> memref<1x128xi32, #tpu.memory_space<vmem>>
    %dma_start3A_11 = tpu.memref_squeeze %dma_start3A_10 : memref<1x128xi32, #tpu.memory_space<vmem>> -> memref<128xi32, #tpu.memory_space<vmem>>
    %dma_start3A_12 = arith.constant 0 : i32
    %dma_start3A_13 = arith.constant 0 : i32
    %dma_start3A_14 = tpu.memref_slice %arg2[%dma_start3A_12, %dma_start3A_13] : memref<10240x128xf32, #tpu.memory_space<hbm>> -> memref<10240x128xf32, #tpu.memory_space<hbm>>
    tpu.enqueue_indirect_dma source(%dma_start3A_14 : memref<10240x128xf32, #tpu.memory_space<hbm>>) target(%arg9 : memref<128x128xf32, #tpu.memory_space<vmem>>) offsets(%dma_start3A_11 : memref<128xi32, #tpu.memory_space<vmem>>) semaphore(%arg12 : memref<!tpu.dma_semaphore, #tpu.memory_space<semaphore_mem>>)
    %scan3A = arith.constant 0 : i32
    %scan3A_15 = arith.constant 0 : i32
    %scan3A_16 = arith.constant 20 : i32
    %scan3A_17 = arith.addi %scan3A_15, %scan3A_16 : i32
    %scan3A_18 = arith.constant 1 : i32
    scf.for %scan3A_47 = %scan3A_15 to %scan3A_17 step %scan3A_18  : i32 {
      %mul3A_48 = arith.constant 2 : i32
      %mul3A_49 = arith.muli %mul3A_48, %scan3A_47 : i32
      %add3A_50 = arith.constant 1 : i32
      %add3A_51 = arith.addi %mul3A_49, %add3A_50 : i32
      %dma_start3A_52 = arith.constant 0 : i32
      %dma_start3A_53 = tpu.memref_slice %arg7[%add3A_51, %dma_start3A_52] : memref<48x128xi32, #tpu.memory_space<vmem>> -> memref<1x128xi32, #tpu.memory_space<vmem>>
      %dma_start3A_54 = tpu.memref_squeeze %dma_start3A_53 : memref<1x128xi32, #tpu.memory_space<vmem>> -> memref<128xi32, #tpu.memory_space<vmem>>
      %dma_start3A_55 = arith.constant 0 : i32
      %dma_start3A_56 = arith.constant 0 : i32
      %dma_start3A_57 = tpu.memref_slice %arg2[%dma_start3A_55, %dma_start3A_56] : memref<10240x128xf32, #tpu.memory_space<hbm>> -> memref<10240x128xf32, #tpu.memory_space<hbm>>
      tpu.enqueue_indirect_dma source(%dma_start3A_57 : memref<10240x128xf32, #tpu.memory_space<hbm>>) target(%arg10 : memref<128x128xf32, #tpu.memory_space<vmem>>) offsets(%dma_start3A_54 : memref<128xi32, #tpu.memory_space<vmem>>) semaphore(%arg13 : memref<!tpu.dma_semaphore, #tpu.memory_space<semaphore_mem>>)
      %dma_wait3A_58 = arith.constant 0 : i32
      %dma_wait3A_59 = tpu.memref_slice %arg7[%mul3A_49, %dma_wait3A_58] : memref<48x128xi32, #tpu.memory_space<vmem>> -> memref<1x128xi32, #tpu.memory_space<vmem>>
      %dma_wait3A_60 = tpu.memref_squeeze %dma_wait3A_59 : memref<1x128xi32, #tpu.memory_space<vmem>> -> memref<128xi32, #tpu.memory_space<vmem>>
      %dma_wait3A_61 = arith.constant 0 : i32
      %dma_wait3A_62 = arith.constant 0 : i32
      %dma_wait3A_63 = tpu.memref_slice %arg2[%dma_wait3A_61, %dma_wait3A_62] : memref<10240x128xf32, #tpu.memory_space<hbm>> -> memref<10240x128xf32, #tpu.memory_space<hbm>>
      tpu.wait_indirect_dma semaphore(%arg12 : memref<!tpu.dma_semaphore, #tpu.memory_space<semaphore_mem>>) src(%dma_wait3A_63 : memref<10240x128xf32, #tpu.memory_space<hbm>>) dst(%arg9 : memref<128x128xf32, #tpu.memory_space<vmem>>)
      "tpu.region"() ({
        %run_scoped3A = tpu.sem_alloc : memref<!tpu.dma_semaphore, #tpu.memory_space<semaphore_mem>>
        %dma_start3A_82 = arith.constant 0 : i32
        %dma_start3A_83 = tpu.memref_slice %arg8[%mul3A_49, %dma_start3A_82] : memref<48x128xi32, #tpu.memory_space<vmem>> -> memref<1x128xi32, #tpu.memory_space<vmem>>
        %dma_start3A_84 = tpu.memref_squeeze %dma_start3A_83 : memref<1x128xi32, #tpu.memory_space<vmem>> -> memref<128xi32, #tpu.memory_space<vmem>>
        %dma_start3A_85 = arith.constant 0 : i32
        %dma_start3A_86 = arith.constant 0 : i32
        %dma_start3A_87 = tpu.memref_slice %arg11[%dma_start3A_85, %dma_start3A_86] : memref<10240x128xf32, #tpu.memory_space<vmem_shared>> -> memref<10240x128xf32, #tpu.memory_space<vmem_shared>>
        tpu.enqueue_indirect_dma source(%arg9 : memref<128x128xf32, #tpu.memory_space<vmem>>) target(%dma_start3A_87 : memref<10240x128xf32, #tpu.memory_space<vmem_shared>>) offsets(%dma_start3A_84 : memref<128xi32, #tpu.memory_space<vmem>>) semaphore(%run_scoped3A : memref<!tpu.dma_semaphore, #tpu.memory_space<semaphore_mem>>) {add = true}
        %dma_wait3A_88 = arith.constant 0 : i32
        %dma_wait3A_89 = tpu.memref_slice %arg8[%mul3A_49, %dma_wait3A_88] : memref<48x128xi32, #tpu.memory_space<vmem>> -> memref<1x128xi32, #tpu.memory_space<vmem>>
        %dma_wait3A_90 = tpu.memref_squeeze %dma_wait3A_89 : memref<1x128xi32, #tpu.memory_space<vmem>> -> memref<128xi32, #tpu.memory_space<vmem>>
        %dma_wait3A_91 = arith.constant 0 : i32
        %dma_wait3A_92 = arith.constant 0 : i32
        %dma_wait3A_93 = tpu.memref_slice %arg11[%dma_wait3A_91, %dma_wait3A_92] : memref<10240x128xf32, #tpu.memory_space<vmem_shared>> -> memref<10240x128xf32, #tpu.memory_space<vmem_shared>>
        tpu.wait_indirect_dma semaphore(%run_scoped3A : memref<!tpu.dma_semaphore, #tpu.memory_space<semaphore_mem>>) src(%arg9 : memref<128x128xf32, #tpu.memory_space<vmem>>) dst(%dma_wait3A_93 : memref<10240x128xf32, #tpu.memory_space<vmem_shared>>)
        tpu.yield
      }) : () -> ()
      %add3A_64 = arith.constant 2 : i32
      %add3A_65 = arith.addi %mul3A_49, %add3A_64 : i32
      %dma_start3A_66 = arith.constant 0 : i32
      %dma_start3A_67 = tpu.memref_slice %arg7[%add3A_65, %dma_start3A_66] : memref<48x128xi32, #tpu.memory_space<vmem>> -> memref<1x128xi32, #tpu.memory_space<vmem>>
      %dma_start3A_68 = tpu.memref_squeeze %dma_start3A_67 : memref<1x128xi32, #tpu.memory_space<vmem>> -> memref<128xi32, #tpu.memory_space<vmem>>
      %dma_start3A_69 = arith.constant 0 : i32
      %dma_start3A_70 = arith.constant 0 : i32
      %dma_start3A_71 = tpu.memref_slice %arg2[%dma_start3A_69, %dma_start3A_70] : memref<10240x128xf32, #tpu.memory_space<hbm>> -> memref<10240x128xf32, #tpu.memory_space<hbm>>
      tpu.enqueue_indirect_dma source(%dma_start3A_71 : memref<10240x128xf32, #tpu.memory_space<hbm>>) target(%arg9 : memref<128x128xf32, #tpu.memory_space<vmem>>) offsets(%dma_start3A_68 : memref<128xi32, #tpu.memory_space<vmem>>) semaphore(%arg12 : memref<!tpu.dma_semaphore, #tpu.memory_space<semaphore_mem>>)
      %add3A_72 = arith.constant 1 : i32
      %add3A_73 = arith.addi %mul3A_49, %add3A_72 : i32
      %dma_wait3A_74 = arith.constant 0 : i32
      %dma_wait3A_75 = tpu.memref_slice %arg7[%add3A_73, %dma_wait3A_74] : memref<48x128xi32, #tpu.memory_space<vmem>> -> memref<1x128xi32, #tpu.memory_space<vmem>>
      %dma_wait3A_76 = tpu.memref_squeeze %dma_wait3A_75 : memref<1x128xi32, #tpu.memory_space<vmem>> -> memref<128xi32, #tpu.memory_space<vmem>>
      %dma_wait3A_77 = arith.constant 0 : i32
      %dma_wait3A_78 = arith.constant 0 : i32
      %dma_wait3A_79 = tpu.memref_slice %arg2[%dma_wait3A_77, %dma_wait3A_78] : memref<10240x128xf32, #tpu.memory_space<hbm>> -> memref<10240x128xf32, #tpu.memory_space<hbm>>
      tpu.wait_indirect_dma semaphore(%arg13 : memref<!tpu.dma_semaphore, #tpu.memory_space<semaphore_mem>>) src(%dma_wait3A_79 : memref<10240x128xf32, #tpu.memory_space<hbm>>) dst(%arg10 : memref<128x128xf32, #tpu.memory_space<vmem>>)
      %add3A_80 = arith.constant 1 : i32
      %add3A_81 = arith.addi %mul3A_49, %add3A_80 : i32
      "tpu.region"() ({
        %run_scoped3A = tpu.sem_alloc : memref<!tpu.dma_semaphore, #tpu.memory_space<semaphore_mem>>
        %dma_start3A_82 = arith.constant 0 : i32
        %dma_start3A_83 = tpu.memref_slice %arg8[%add3A_81, %dma_start3A_82] : memref<48x128xi32, #tpu.memory_space<vmem>> -> memref<1x128xi32, #tpu.memory_space<vmem>>
        %dma_start3A_84 = tpu.memref_squeeze %dma_start3A_83 : memref<1x128xi32, #tpu.memory_space<vmem>> -> memref<128xi32, #tpu.memory_space<vmem>>
        %dma_start3A_85 = arith.constant 0 : i32
        %dma_start3A_86 = arith.constant 0 : i32
        %dma_start3A_87 = tpu.memref_slice %arg11[%dma_start3A_85, %dma_start3A_86] : memref<10240x128xf32, #tpu.memory_space<vmem_shared>> -> memref<10240x128xf32, #tpu.memory_space<vmem_shared>>
        tpu.enqueue_indirect_dma source(%arg10 : memref<128x128xf32, #tpu.memory_space<vmem>>) target(%dma_start3A_87 : memref<10240x128xf32, #tpu.memory_space<vmem_shared>>) offsets(%dma_start3A_84 : memref<128xi32, #tpu.memory_space<vmem>>) semaphore(%run_scoped3A : memref<!tpu.dma_semaphore, #tpu.memory_space<semaphore_mem>>) {add = true}
        %dma_wait3A_88 = arith.constant 0 : i32
        %dma_wait3A_89 = tpu.memref_slice %arg8[%add3A_81, %dma_wait3A_88] : memref<48x128xi32, #tpu.memory_space<vmem>> -> memref<1x128xi32, #tpu.memory_space<vmem>>
        %dma_wait3A_90 = tpu.memref_squeeze %dma_wait3A_89 : memref<1x128xi32, #tpu.memory_space<vmem>> -> memref<128xi32, #tpu.memory_space<vmem>>
        %dma_wait3A_91 = arith.constant 0 : i32
        %dma_wait3A_92 = arith.constant 0 : i32
        %dma_wait3A_93 = tpu.memref_slice %arg11[%dma_wait3A_91, %dma_wait3A_92] : memref<10240x128xf32, #tpu.memory_space<vmem_shared>> -> memref<10240x128xf32, #tpu.memory_space<vmem_shared>>
        tpu.wait_indirect_dma semaphore(%run_scoped3A : memref<!tpu.dma_semaphore, #tpu.memory_space<semaphore_mem>>) src(%arg10 : memref<128x128xf32, #tpu.memory_space<vmem>>) dst(%dma_wait3A_93 : memref<10240x128xf32, #tpu.memory_space<vmem_shared>>)
        tpu.yield
      }) : () -> ()
    }
    %scan3A_19 = arith.constant 20 : i32
    %dma_wait3A = arith.constant 40 : i32
    %dma_wait3A_20 = arith.constant 0 : i32
    %dma_wait3A_21 = tpu.memref_slice %arg7[%dma_wait3A, %dma_wait3A_20] : memref<48x128xi32, #tpu.memory_space<vmem>> -> memref<1x128xi32, #tpu.memory_space<vmem>>
    %dma_wait3A_22 = tpu.memref_squeeze %dma_wait3A_21 : memref<1x128xi32, #tpu.memory_space<vmem>> -> memref<128xi32, #tpu.memory_space<vmem>>
    %dma_wait3A_23 = arith.constant 0 : i32
    %dma_wait3A_24 = arith.constant 0 : i32
    %dma_wait3A_25 = tpu.memref_slice %arg2[%dma_wait3A_23, %dma_wait3A_24] : memref<10240x128xf32, #tpu.memory_space<hbm>> -> memref<10240x128xf32, #tpu.memory_space<hbm>>
    tpu.wait_indirect_dma semaphore(%arg12 : memref<!tpu.dma_semaphore, #tpu.memory_space<semaphore_mem>>) src(%dma_wait3A_25 : memref<10240x128xf32, #tpu.memory_space<hbm>>) dst(%arg9 : memref<128x128xf32, #tpu.memory_space<vmem>>)
    "tpu.region"() ({
      %run_scoped3A = tpu.sem_alloc : memref<!tpu.dma_semaphore, #tpu.memory_space<semaphore_mem>>
      %dma_start3A_47 = arith.constant 40 : i32
      %dma_start3A_48 = arith.constant 0 : i32
      %dma_start3A_49 = tpu.memref_slice %arg3[%add3A, %dma_start3A_47, %dma_start3A_48] : memref<32x88x128xi32, #tpu.memory_space<hbm>> -> memref<1x48x128xi32, #tpu.memory_space<hbm>>
      %dma_start3A_50 = tpu.memref_squeeze %dma_start3A_49 : memref<1x48x128xi32, #tpu.memory_space<hbm>> -> memref<48x128xi32, #tpu.memory_space<hbm>>
      %dma_start3A_51 = arith.constant 40 : i32
      %dma_start3A_52 = arith.constant 0 : i32
      %dma_start3A_53 = tpu.memref_slice %arg3[%add3A, %dma_start3A_51, %dma_start3A_52] : memref<32x88x128xi32, #tpu.memory_space<hbm>> -> memref<1x48x128xi32, #tpu.memory_space<hbm>>
      %dma_start3A_54 = tpu.memref_squeeze %dma_start3A_53 : memref<1x48x128xi32, #tpu.memory_space<hbm>> -> memref<48x128xi32, #tpu.memory_space<hbm>>
      tpu.enqueue_dma source(%dma_start3A_54 : memref<48x128xi32, #tpu.memory_space<hbm>>) target(%arg7 : memref<48x128xi32, #tpu.memory_space<vmem>>) target_semaphore(%run_scoped3A : memref<!tpu.dma_semaphore, #tpu.memory_space<semaphore_mem>>)
      %dma_wait3A_55 = arith.constant 40 : i32
      %dma_wait3A_56 = arith.constant 0 : i32
      %dma_wait3A_57 = tpu.memref_slice %arg3[%add3A, %dma_wait3A_55, %dma_wait3A_56] : memref<32x88x128xi32, #tpu.memory_space<hbm>> -> memref<1x48x128xi32, #tpu.memory_space<hbm>>
      %dma_wait3A_58 = tpu.memref_squeeze %dma_wait3A_57 : memref<1x48x128xi32, #tpu.memory_space<hbm>> -> memref<48x128xi32, #tpu.memory_space<hbm>>
      %dma_wait3A_59 = arith.constant 40 : i32
      %dma_wait3A_60 = arith.constant 0 : i32
      %dma_wait3A_61 = tpu.memref_slice %arg3[%add3A, %dma_wait3A_59, %dma_wait3A_60] : memref<32x88x128xi32, #tpu.memory_space<hbm>> -> memref<1x48x128xi32, #tpu.memory_space<hbm>>
      %dma_wait3A_62 = tpu.memref_squeeze %dma_wait3A_61 : memref<1x48x128xi32, #tpu.memory_space<hbm>> -> memref<48x128xi32, #tpu.memory_space<hbm>>
      tpu.wait_dma2 semaphore(%run_scoped3A : memref<!tpu.dma_semaphore, #tpu.memory_space<semaphore_mem>>) src(%dma_wait3A_62 : memref<48x128xi32, #tpu.memory_space<hbm>>) dst(%arg7 : memref<48x128xi32, #tpu.memory_space<vmem>>)
      tpu.yield
    }) : () -> ()
    "tpu.region"() ({
      %run_scoped3A = tpu.sem_alloc : memref<!tpu.dma_semaphore, #tpu.memory_space<semaphore_mem>>
      %dma_start3A_47 = arith.constant 40 : i32
      %dma_start3A_48 = arith.constant 0 : i32
      %dma_start3A_49 = tpu.memref_slice %arg4[%add3A, %dma_start3A_47, %dma_start3A_48] : memref<32x88x128xi32, #tpu.memory_space<hbm>> -> memref<1x48x128xi32, #tpu.memory_space<hbm>>
      %dma_start3A_50 = tpu.memref_squeeze %dma_start3A_49 : memref<1x48x128xi32, #tpu.memory_space<hbm>> -> memref<48x128xi32, #tpu.memory_space<hbm>>
      %dma_start3A_51 = arith.constant 40 : i32
      %dma_start3A_52 = arith.constant 0 : i32
      %dma_start3A_53 = tpu.memref_slice %arg4[%add3A, %dma_start3A_51, %dma_start3A_52] : memref<32x88x128xi32, #tpu.memory_space<hbm>> -> memref<1x48x128xi32, #tpu.memory_space<hbm>>
      %dma_start3A_54 = tpu.memref_squeeze %dma_start3A_53 : memref<1x48x128xi32, #tpu.memory_space<hbm>> -> memref<48x128xi32, #tpu.memory_space<hbm>>
      tpu.enqueue_dma source(%dma_start3A_54 : memref<48x128xi32, #tpu.memory_space<hbm>>) target(%arg8 : memref<48x128xi32, #tpu.memory_space<vmem>>) target_semaphore(%run_scoped3A : memref<!tpu.dma_semaphore, #tpu.memory_space<semaphore_mem>>)
      %dma_wait3A_55 = arith.constant 40 : i32
      %dma_wait3A_56 = arith.constant 0 : i32
      %dma_wait3A_57 = tpu.memref_slice %arg4[%add3A, %dma_wait3A_55, %dma_wait3A_56] : memref<32x88x128xi32, #tpu.memory_space<hbm>> -> memref<1x48x128xi32, #tpu.memory_space<hbm>>
      %dma_wait3A_58 = tpu.memref_squeeze %dma_wait3A_57 : memref<1x48x128xi32, #tpu.memory_space<hbm>> -> memref<48x128xi32, #tpu.memory_space<hbm>>
      %dma_wait3A_59 = arith.constant 40 : i32
      %dma_wait3A_60 = arith.constant 0 : i32
      %dma_wait3A_61 = tpu.memref_slice %arg4[%add3A, %dma_wait3A_59, %dma_wait3A_60] : memref<32x88x128xi32, #tpu.memory_space<hbm>> -> memref<1x48x128xi32, #tpu.memory_space<hbm>>
      %dma_wait3A_62 = tpu.memref_squeeze %dma_wait3A_61 : memref<1x48x128xi32, #tpu.memory_space<hbm>> -> memref<48x128xi32, #tpu.memory_space<hbm>>
      tpu.wait_dma2 semaphore(%run_scoped3A : memref<!tpu.dma_semaphore, #tpu.memory_space<semaphore_mem>>) src(%dma_wait3A_62 : memref<48x128xi32, #tpu.memory_space<hbm>>) dst(%arg8 : memref<48x128xi32, #tpu.memory_space<vmem>>)
      tpu.yield
    }) : () -> ()
    %dma_start3A_26 = arith.constant 0 : i32
    %dma_start3A_27 = arith.constant 0 : i32
    %dma_start3A_28 = tpu.memref_slice %arg7[%dma_start3A_26, %dma_start3A_27] : memref<48x128xi32, #tpu.memory_space<vmem>> -> memref<1x128xi32, #tpu.memory_space<vmem>>
    %dma_start3A_29 = tpu.memref_squeeze %dma_start3A_28 : memref<1x128xi32, #tpu.memory_space<vmem>> -> memref<128xi32, #tpu.memory_space<vmem>>
    %dma_start3A_30 = arith.constant 0 : i32
    %dma_start3A_31 = arith.constant 0 : i32
    %dma_start3A_32 = tpu.memref_slice %arg2[%dma_start3A_30, %dma_start3A_31] : memref<10240x128xf32, #tpu.memory_space<hbm>> -> memref<10240x128xf32, #tpu.memory_space<hbm>>
    tpu.enqueue_indirect_dma source(%dma_start3A_32 : memref<10240x128xf32, #tpu.memory_space<hbm>>) target(%arg9 : memref<128x128xf32, #tpu.memory_space<vmem>>) offsets(%dma_start3A_29 : memref<128xi32, #tpu.memory_space<vmem>>) semaphore(%arg12 : memref<!tpu.dma_semaphore, #tpu.memory_space<semaphore_mem>>)
    %scan3A_33 = arith.constant 0 : i32
    %scan3A_34 = arith.constant 0 : i32
    %scan3A_35 = arith.constant 20 : i32
    %scan3A_36 = arith.addi %scan3A_34, %scan3A_35 : i32
    %scan3A_37 = arith.constant 1 : i32
    scf.for %scan3A_47 = %scan3A_34 to %scan3A_36 step %scan3A_37  : i32 {
      %mul3A_48 = arith.constant 2 : i32
      %mul3A_49 = arith.muli %mul3A_48, %scan3A_47 : i32
      %add3A_50 = arith.constant 1 : i32
      %add3A_51 = arith.addi %mul3A_49, %add3A_50 : i32
      %dma_start3A_52 = arith.constant 0 : i32
      %dma_start3A_53 = tpu.memref_slice %arg7[%add3A_51, %dma_start3A_52] : memref<48x128xi32, #tpu.memory_space<vmem>> -> memref<1x128xi32, #tpu.memory_space<vmem>>
      %dma_start3A_54 = tpu.memref_squeeze %dma_start3A_53 : memref<1x128xi32, #tpu.memory_space<vmem>> -> memref<128xi32, #tpu.memory_space<vmem>>
      %dma_start3A_55 = arith.constant 0 : i32
      %dma_start3A_56 = arith.constant 0 : i32
      %dma_start3A_57 = tpu.memref_slice %arg2[%dma_start3A_55, %dma_start3A_56] : memref<10240x128xf32, #tpu.memory_space<hbm>> -> memref<10240x128xf32, #tpu.memory_space<hbm>>
      tpu.enqueue_indirect_dma source(%dma_start3A_57 : memref<10240x128xf32, #tpu.memory_space<hbm>>) target(%arg10 : memref<128x128xf32, #tpu.memory_space<vmem>>) offsets(%dma_start3A_54 : memref<128xi32, #tpu.memory_space<vmem>>) semaphore(%arg13 : memref<!tpu.dma_semaphore, #tpu.memory_space<semaphore_mem>>)
      %dma_wait3A_58 = arith.constant 0 : i32
      %dma_wait3A_59 = tpu.memref_slice %arg7[%mul3A_49, %dma_wait3A_58] : memref<48x128xi32, #tpu.memory_space<vmem>> -> memref<1x128xi32, #tpu.memory_space<vmem>>
      %dma_wait3A_60 = tpu.memref_squeeze %dma_wait3A_59 : memref<1x128xi32, #tpu.memory_space<vmem>> -> memref<128xi32, #tpu.memory_space<vmem>>
      %dma_wait3A_61 = arith.constant 0 : i32
      %dma_wait3A_62 = arith.constant 0 : i32
      %dma_wait3A_63 = tpu.memref_slice %arg2[%dma_wait3A_61, %dma_wait3A_62] : memref<10240x128xf32, #tpu.memory_space<hbm>> -> memref<10240x128xf32, #tpu.memory_space<hbm>>
      tpu.wait_indirect_dma semaphore(%arg12 : memref<!tpu.dma_semaphore, #tpu.memory_space<semaphore_mem>>) src(%dma_wait3A_63 : memref<10240x128xf32, #tpu.memory_space<hbm>>) dst(%arg9 : memref<128x128xf32, #tpu.memory_space<vmem>>)
      "tpu.region"() ({
        %run_scoped3A = tpu.sem_alloc : memref<!tpu.dma_semaphore, #tpu.memory_space<semaphore_mem>>
        %dma_start3A_82 = arith.constant 0 : i32
        %dma_start3A_83 = tpu.memref_slice %arg8[%mul3A_49, %dma_start3A_82] : memref<48x128xi32, #tpu.memory_space<vmem>> -> memref<1x128xi32, #tpu.memory_space<vmem>>
        %dma_start3A_84 = tpu.memref_squeeze %dma_start3A_83 : memref<1x128xi32, #tpu.memory_space<vmem>> -> memref<128xi32, #tpu.memory_space<vmem>>
        %dma_start3A_85 = arith.constant 0 : i32
        %dma_start3A_86 = arith.constant 0 : i32
        %dma_start3A_87 = tpu.memref_slice %arg11[%dma_start3A_85, %dma_start3A_86] : memref<10240x128xf32, #tpu.memory_space<vmem_shared>> -> memref<10240x128xf32, #tpu.memory_space<vmem_shared>>
        tpu.enqueue_indirect_dma source(%arg9 : memref<128x128xf32, #tpu.memory_space<vmem>>) target(%dma_start3A_87 : memref<10240x128xf32, #tpu.memory_space<vmem_shared>>) offsets(%dma_start3A_84 : memref<128xi32, #tpu.memory_space<vmem>>) semaphore(%run_scoped3A : memref<!tpu.dma_semaphore, #tpu.memory_space<semaphore_mem>>) {add = true}
        %dma_wait3A_88 = arith.constant 0 : i32
        %dma_wait3A_89 = tpu.memref_slice %arg8[%mul3A_49, %dma_wait3A_88] : memref<48x128xi32, #tpu.memory_space<vmem>> -> memref<1x128xi32, #tpu.memory_space<vmem>>
        %dma_wait3A_90 = tpu.memref_squeeze %dma_wait3A_89 : memref<1x128xi32, #tpu.memory_space<vmem>> -> memref<128xi32, #tpu.memory_space<vmem>>
        %dma_wait3A_91 = arith.constant 0 : i32
        %dma_wait3A_92 = arith.constant 0 : i32
        %dma_wait3A_93 = tpu.memref_slice %arg11[%dma_wait3A_91, %dma_wait3A_92] : memref<10240x128xf32, #tpu.memory_space<vmem_shared>> -> memref<10240x128xf32, #tpu.memory_space<vmem_shared>>
        tpu.wait_indirect_dma semaphore(%run_scoped3A : memref<!tpu.dma_semaphore, #tpu.memory_space<semaphore_mem>>) src(%arg9 : memref<128x128xf32, #tpu.memory_space<vmem>>) dst(%dma_wait3A_93 : memref<10240x128xf32, #tpu.memory_space<vmem_shared>>)
        tpu.yield
      }) : () -> ()
      %add3A_64 = arith.constant 2 : i32
      %add3A_65 = arith.addi %mul3A_49, %add3A_64 : i32
      %dma_start3A_66 = arith.constant 0 : i32
      %dma_start3A_67 = tpu.memref_slice %arg7[%add3A_65, %dma_start3A_66] : memref<48x128xi32, #tpu.memory_space<vmem>> -> memref<1x128xi32, #tpu.memory_space<vmem>>
      %dma_start3A_68 = tpu.memref_squeeze %dma_start3A_67 : memref<1x128xi32, #tpu.memory_space<vmem>> -> memref<128xi32, #tpu.memory_space<vmem>>
      %dma_start3A_69 = arith.constant 0 : i32
      %dma_start3A_70 = arith.constant 0 : i32
      %dma_start3A_71 = tpu.memref_slice %arg2[%dma_start3A_69, %dma_start3A_70] : memref<10240x128xf32, #tpu.memory_space<hbm>> -> memref<10240x128xf32, #tpu.memory_space<hbm>>
      tpu.enqueue_indirect_dma source(%dma_start3A_71 : memref<10240x128xf32, #tpu.memory_space<hbm>>) target(%arg9 : memref<128x128xf32, #tpu.memory_space<vmem>>) offsets(%dma_start3A_68 : memref<128xi32, #tpu.memory_space<vmem>>) semaphore(%arg12 : memref<!tpu.dma_semaphore, #tpu.memory_space<semaphore_mem>>)
      %add3A_72 = arith.constant 1 : i32
      %add3A_73 = arith.addi %mul3A_49, %add3A_72 : i32
      %dma_wait3A_74 = arith.constant 0 : i32
      %dma_wait3A_75 = tpu.memref_slice %arg7[%add3A_73, %dma_wait3A_74] : memref<48x128xi32, #tpu.memory_space<vmem>> -> memref<1x128xi32, #tpu.memory_space<vmem>>
      %dma_wait3A_76 = tpu.memref_squeeze %dma_wait3A_75 : memref<1x128xi32, #tpu.memory_space<vmem>> -> memref<128xi32, #tpu.memory_space<vmem>>
      %dma_wait3A_77 = arith.constant 0 : i32
      %dma_wait3A_78 = arith.constant 0 : i32
      %dma_wait3A_79 = tpu.memref_slice %arg2[%dma_wait3A_77, %dma_wait3A_78] : memref<10240x128xf32, #tpu.memory_space<hbm>> -> memref<10240x128xf32, #tpu.memory_space<hbm>>
      tpu.wait_indirect_dma semaphore(%arg13 : memref<!tpu.dma_semaphore, #tpu.memory_space<semaphore_mem>>) src(%dma_wait3A_79 : memref<10240x128xf32, #tpu.memory_space<hbm>>) dst(%arg10 : memref<128x128xf32, #tpu.memory_space<vmem>>)
      %add3A_80 = arith.constant 1 : i32
      %add3A_81 = arith.addi %mul3A_49, %add3A_80 : i32
      "tpu.region"() ({
        %run_scoped3A = tpu.sem_alloc : memref<!tpu.dma_semaphore, #tpu.memory_space<semaphore_mem>>
        %dma_start3A_82 = arith.constant 0 : i32
        %dma_start3A_83 = tpu.memref_slice %arg8[%add3A_81, %dma_start3A_82] : memref<48x128xi32, #tpu.memory_space<vmem>> -> memref<1x128xi32, #tpu.memory_space<vmem>>
        %dma_start3A_84 = tpu.memref_squeeze %dma_start3A_83 : memref<1x128xi32, #tpu.memory_space<vmem>> -> memref<128xi32, #tpu.memory_space<vmem>>
        %dma_start3A_85 = arith.constant 0 : i32
        %dma_start3A_86 = arith.constant 0 : i32
        %dma_start3A_87 = tpu.memref_slice %arg11[%dma_start3A_85, %dma_start3A_86] : memref<10240x128xf32, #tpu.memory_space<vmem_shared>> -> memref<10240x128xf32, #tpu.memory_space<vmem_shared>>
        tpu.enqueue_indirect_dma source(%arg10 : memref<128x128xf32, #tpu.memory_space<vmem>>) target(%dma_start3A_87 : memref<10240x128xf32, #tpu.memory_space<vmem_shared>>) offsets(%dma_start3A_84 : memref<128xi32, #tpu.memory_space<vmem>>) semaphore(%run_scoped3A : memref<!tpu.dma_semaphore, #tpu.memory_space<semaphore_mem>>) {add = true}
        %dma_wait3A_88 = arith.constant 0 : i32
        %dma_wait3A_89 = tpu.memref_slice %arg8[%add3A_81, %dma_wait3A_88] : memref<48x128xi32, #tpu.memory_space<vmem>> -> memref<1x128xi32, #tpu.memory_space<vmem>>
        %dma_wait3A_90 = tpu.memref_squeeze %dma_wait3A_89 : memref<1x128xi32, #tpu.memory_space<vmem>> -> memref<128xi32, #tpu.memory_space<vmem>>
        %dma_wait3A_91 = arith.constant 0 : i32
        %dma_wait3A_92 = arith.constant 0 : i32
        %dma_wait3A_93 = tpu.memref_slice %arg11[%dma_wait3A_91, %dma_wait3A_92] : memref<10240x128xf32, #tpu.memory_space<vmem_shared>> -> memref<10240x128xf32, #tpu.memory_space<vmem_shared>>
        tpu.wait_indirect_dma semaphore(%run_scoped3A : memref<!tpu.dma_semaphore, #tpu.memory_space<semaphore_mem>>) src(%arg10 : memref<128x128xf32, #tpu.memory_space<vmem>>) dst(%dma_wait3A_93 : memref<10240x128xf32, #tpu.memory_space<vmem_shared>>)
        tpu.yield
      }) : () -> ()
    }
    %scan3A_38 = arith.constant 20 : i32
    %dma_wait3A_39 = arith.constant 40 : i32
    %dma_wait3A_40 = arith.constant 0 : i32
    %dma_wait3A_41 = tpu.memref_slice %arg7[%dma_wait3A_39, %dma_wait3A_40] : memref<48x128xi32, #tpu.memory_space<vmem>> -> memref<1x128xi32, #tpu.memory_space<vmem>>
    %dma_wait3A_42 = tpu.memref_squeeze %dma_wait3A_41 : memref<1x128xi32, #tpu.memory_space<vmem>> -> memref<128xi32, #tpu.memory_space<vmem>>
    %dma_wait3A_43 = arith.constant 0 : i32
    %dma_wait3A_44 = arith.constant 0 : i32
    %dma_wait3A_45 = tpu.memref_slice %arg2[%dma_wait3A_43, %dma_wait3A_44] : memref<10240x128xf32, #tpu.memory_space<hbm>> -> memref<10240x128xf32, #tpu.memory_space<hbm>>
    tpu.wait_indirect_dma semaphore(%arg12 : memref<!tpu.dma_semaphore, #tpu.memory_space<semaphore_mem>>) src(%dma_wait3A_45 : memref<10240x128xf32, #tpu.memory_space<hbm>>) dst(%arg9 : memref<128x128xf32, #tpu.memory_space<vmem>>)
    %barrier3A_46 = arith.constant 0 : index
    tpu.barrier barrier_id(%barrier3A_46)
    "tpu.region"() ({
      %run_scoped3A = tpu.sem_alloc : memref<!tpu.dma_semaphore, #tpu.memory_space<semaphore_mem>>
      %dma_start3A_47 = arith.constant 0 : i32
      %dma_start3A_48 = tpu.memref_slice %arg6[%arg0, %mul3A_2, %dma_start3A_47] : memref<2x10240x128xf32, #tpu.memory_space<hbm>> -> memref<1x640x128xf32, #tpu.memory_space<hbm>>
      %dma_start3A_49 = tpu.memref_squeeze %dma_start3A_48 : memref<1x640x128xf32, #tpu.memory_space<hbm>> -> memref<640x128xf32, #tpu.memory_space<hbm>>
      %dma_start3A_50 = arith.constant 0 : i32
      %dma_start3A_51 = tpu.memref_slice %arg11[%mul3A_2, %dma_start3A_50] : memref<10240x128xf32, #tpu.memory_space<vmem_shared>> -> memref<640x128xf32, #tpu.memory_space<vmem_shared>>
      tpu.enqueue_dma source(%dma_start3A_51 : memref<640x128xf32, #tpu.memory_space<vmem_shared>>) target(%dma_start3A_49 : memref<640x128xf32, #tpu.memory_space<hbm>>) target_semaphore(%run_scoped3A : memref<!tpu.dma_semaphore, #tpu.memory_space<semaphore_mem>>)
      %dma_wait3A_52 = arith.constant 0 : i32
      %dma_wait3A_53 = tpu.memref_slice %arg6[%arg0, %mul3A_2, %dma_wait3A_52] : memref<2x10240x128xf32, #tpu.memory_space<hbm>> -> memref<1x640x128xf32, #tpu.memory_space<hbm>>
      %dma_wait3A_54 = tpu.memref_squeeze %dma_wait3A_53 : memref<1x640x128xf32, #tpu.memory_space<hbm>> -> memref<640x128xf32, #tpu.memory_space<hbm>>
      %dma_wait3A_55 = arith.constant 0 : i32
      %dma_wait3A_56 = tpu.memref_slice %arg11[%mul3A_2, %dma_wait3A_55] : memref<10240x128xf32, #tpu.memory_space<vmem_shared>> -> memref<640x128xf32, #tpu.memory_space<vmem_shared>>
      tpu.wait_dma2 semaphore(%run_scoped3A : memref<!tpu.dma_semaphore, #tpu.memory_space<semaphore_mem>>) src(%dma_wait3A_56 : memref<640x128xf32, #tpu.memory_space<vmem_shared>>) dst(%dma_wait3A_54 : memref<640x128xf32, #tpu.memory_space<hbm>>)
      tpu.yield
    }) : () -> ()
    return
  }
}

#map = affine_map<(d0, d1) -> (0, 0)>
#map1 = affine_map<(d0, d1) -> (0, 0, 0)>
module attributes {stable_mosaic.version = 14 : i64} {
  func.func @_row_kernel(%arg0: i32, %arg1: i32, %arg2: memref<10240x128xf32, #tpu.memory_space<hbm>>, %arg3: memref<32x88x128xi32, #tpu.memory_space<hbm>>, %arg4: memref<32x88x128xi32, #tpu.memory_space<hbm>>, %arg5: memref<10240x128xf32, #tpu.memory_space<hbm>>, %arg6: memref<2x10240x128xf32, #tpu.memory_space<hbm>>, %arg7: memref<48x128xi32, #tpu.memory_space<vmem>>, %arg8: memref<48x128xi32, #tpu.memory_space<vmem>>, %arg9: memref<128x128xf32, #tpu.memory_space<vmem>>, %arg10: memref<128x128xf32, #tpu.memory_space<vmem>>, %arg11: memref<10240x128xf32, #tpu.memory_space<vmem_shared>>, %arg12: memref<!tpu.dma_semaphore, #tpu.memory_space<semaphore_mem>>, %arg13: memref<!tpu.dma_semaphore, #tpu.memory_space<semaphore_mem>>) attributes {dimension_semantics = [#tpu.dimension_semantics<core_parallel>, #tpu.dimension_semantics<subcore_parallel>], iteration_bounds = array<i64: 2, 16>, scalar_prefetch = 0 : i64, scratch_operands = 7 : i64, tpu.core_type = #tpu.core_type<sc_vector_subcore>, window_params = [{transform_indices = #map}, {transform_indices = #map1}, {transform_indices = #map1}, {transform_indices = #map}, {transform_indices = #map1}]} {
    %mul3A = arith.constant 2 : i32
    %mul3A_0 = arith.muli %arg1, %mul3A : i32
    %add3A = arith.addi %mul3A_0, %arg0 : i32
    %mul3A_1 = arith.constant 640 : i32
    %mul3A_2 = arith.muli %arg1, %mul3A_1 : i32
    %eq3A = arith.constant 0 : i32
    %eq3A_3 = arith.cmpi eq, %arg0, %eq3A : i32
    %convert_element_type3A = arith.extui %eq3A_3 : i1 to i32
    %cond3A = arith.constant 0 : i32
    %cond3A_4 = arith.cmpi ne, %convert_element_type3A, %cond3A : i32
    scf.if %cond3A_4 {
      "tpu.region"() ({
        %run_scoped3A = tpu.sem_alloc : memref<!tpu.dma_semaphore, #tpu.memory_space<semaphore_mem>>
        %dma_start3A_47 = arith.constant 0 : i32
        %dma_start3A_48 = tpu.memref_slice %arg11[%mul3A_2, %dma_start3A_47] : memref<10240x128xf32, #tpu.memory_space<vmem_shared>> -> memref<640x128xf32, #tpu.memory_space<vmem_shared>>
        %dma_start3A_49 = arith.constant 0 : i32
        %dma_start3A_50 = tpu.memref_slice %arg2[%mul3A_2, %dma_start3A_49] : memref<10240x128xf32, #tpu.memory_space<hbm>> -> memref<640x128xf32, #tpu.memory_space<hbm>>
        tpu.enqueue_dma source(%dma_start3A_50 : memref<640x128xf32, #tpu.memory_space<hbm>>) target(%dma_start3A_48 : memref<640x128xf32, #tpu.memory_space<vmem_shared>>) target_semaphore(%run_scoped3A : memref<!tpu.dma_semaphore, #tpu.memory_space<semaphore_mem>>)
        %dma_wait3A_51 = arith.constant 0 : i32
        %dma_wait3A_52 = tpu.memref_slice %arg11[%mul3A_2, %dma_wait3A_51] : memref<10240x128xf32, #tpu.memory_space<vmem_shared>> -> memref<640x128xf32, #tpu.memory_space<vmem_shared>>
        %dma_wait3A_53 = arith.constant 0 : i32
        %dma_wait3A_54 = tpu.memref_slice %arg2[%mul3A_2, %dma_wait3A_53] : memref<10240x128xf32, #tpu.memory_space<hbm>> -> memref<640x128xf32, #tpu.memory_space<hbm>>
        tpu.wait_dma2 semaphore(%run_scoped3A : memref<!tpu.dma_semaphore, #tpu.memory_space<semaphore_mem>>) src(%dma_wait3A_54 : memref<640x128xf32, #tpu.memory_space<hbm>>) dst(%dma_wait3A_52 : memref<640x128xf32, #tpu.memory_space<vmem_shared>>)
        tpu.yield
      }) : () -> ()
    } else {
    }
    %ne3A = arith.constant 0 : i32
    %ne3A_5 = arith.cmpi ne, %arg0, %ne3A : i32
    %convert_element_type3A_6 = arith.extui %ne3A_5 : i1 to i32
    %cond3A_7 = arith.constant 0 : i32
    %cond3A_8 = arith.cmpi ne, %convert_element_type3A_6, %cond3A_7 : i32
    scf.if %cond3A_8 {
      "tpu.region"() ({
        %run_scoped3A = tpu.sem_alloc : memref<!tpu.dma_semaphore, #tpu.memory_space<semaphore_mem>>
        %dma_start3A_47 = arith.constant 0 : i32
        %dma_start3A_48 = tpu.memref_slice %arg11[%mul3A_2, %dma_start3A_47] : memref<10240x128xf32, #tpu.memory_space<vmem_shared>> -> memref<640x128xf32, #tpu.memory_space<vmem_shared>>
        %dma_start3A_49 = arith.constant 0 : i32
        %dma_start3A_50 = tpu.memref_slice %arg5[%mul3A_2, %dma_start3A_49] : memref<10240x128xf32, #tpu.memory_space<hbm>> -> memref<640x128xf32, #tpu.memory_space<hbm>>
        tpu.enqueue_dma source(%dma_start3A_50 : memref<640x128xf32, #tpu.memory_space<hbm>>) target(%dma_start3A_48 : memref<640x128xf32, #tpu.memory_space<vmem_shared>>) target_semaphore(%run_scoped3A : memref<!tpu.dma_semaphore, #tpu.memory_space<semaphore_mem>>)
        %dma_wait3A_51 = arith.constant 0 : i32
        %dma_wait3A_52 = tpu.memref_slice %arg11[%mul3A_2, %dma_wait3A_51] : memref<10240x128xf32, #tpu.memory_space<vmem_shared>> -> memref<640x128xf32, #tpu.memory_space<vmem_shared>>
        %dma_wait3A_53 = arith.constant 0 : i32
        %dma_wait3A_54 = tpu.memref_slice %arg5[%mul3A_2, %dma_wait3A_53] : memref<10240x128xf32, #tpu.memory_space<hbm>> -> memref<640x128xf32, #tpu.memory_space<hbm>>
        tpu.wait_dma2 semaphore(%run_scoped3A : memref<!tpu.dma_semaphore, #tpu.memory_space<semaphore_mem>>) src(%dma_wait3A_54 : memref<640x128xf32, #tpu.memory_space<hbm>>) dst(%dma_wait3A_52 : memref<640x128xf32, #tpu.memory_space<vmem_shared>>)
        tpu.yield
      }) : () -> ()
    } else {
    }
    %barrier3A = arith.constant 0 : index
    tpu.barrier barrier_id(%barrier3A)
    "tpu.region"() ({
      %run_scoped3A = tpu.sem_alloc : memref<!tpu.dma_semaphore, #tpu.memory_space<semaphore_mem>>
      %dma_start3A_47 = arith.constant 0 : i32
      %dma_start3A_48 = arith.constant 0 : i32
      %dma_start3A_49 = tpu.memref_slice %arg3[%add3A, %dma_start3A_47, %dma_start3A_48] : memref<32x88x128xi32, #tpu.memory_space<hbm>> -> memref<1x48x128xi32, #tpu.memory_space<hbm>>
      %dma_start3A_50 = tpu.memref_squeeze %dma_start3A_49 : memref<1x48x128xi32, #tpu.memory_space<hbm>> -> memref<48x128xi32, #tpu.memory_space<hbm>>
      %dma_start3A_51 = arith.constant 0 : i32
      %dma_start3A_52 = arith.constant 0 : i32
      %dma_start3A_53 = tpu.memref_slice %arg3[%add3A, %dma_start3A_51, %dma_start3A_52] : memref<32x88x128xi32, #tpu.memory_space<hbm>> -> memref<1x48x128xi32, #tpu.memory_space<hbm>>
      %dma_start3A_54 = tpu.memref_squeeze %dma_start3A_53 : memref<1x48x128xi32, #tpu.memory_space<hbm>> -> memref<48x128xi32, #tpu.memory_space<hbm>>
      tpu.enqueue_dma source(%dma_start3A_54 : memref<48x128xi32, #tpu.memory_space<hbm>>) target(%arg7 : memref<48x128xi32, #tpu.memory_space<vmem>>) target_semaphore(%run_scoped3A : memref<!tpu.dma_semaphore, #tpu.memory_space<semaphore_mem>>)
      %dma_wait3A_55 = arith.constant 0 : i32
      %dma_wait3A_56 = arith.constant 0 : i32
      %dma_wait3A_57 = tpu.memref_slice %arg3[%add3A, %dma_wait3A_55, %dma_wait3A_56] : memref<32x88x128xi32, #tpu.memory_space<hbm>> -> memref<1x48x128xi32, #tpu.memory_space<hbm>>
      %dma_wait3A_58 = tpu.memref_squeeze %dma_wait3A_57 : memref<1x48x128xi32, #tpu.memory_space<hbm>> -> memref<48x128xi32, #tpu.memory_space<hbm>>
      %dma_wait3A_59 = arith.constant 0 : i32
      %dma_wait3A_60 = arith.constant 0 : i32
      %dma_wait3A_61 = tpu.memref_slice %arg3[%add3A, %dma_wait3A_59, %dma_wait3A_60] : memref<32x88x128xi32, #tpu.memory_space<hbm>> -> memref<1x48x128xi32, #tpu.memory_space<hbm>>
      %dma_wait3A_62 = tpu.memref_squeeze %dma_wait3A_61 : memref<1x48x128xi32, #tpu.memory_space<hbm>> -> memref<48x128xi32, #tpu.memory_space<hbm>>
      tpu.wait_dma2 semaphore(%run_scoped3A : memref<!tpu.dma_semaphore, #tpu.memory_space<semaphore_mem>>) src(%dma_wait3A_62 : memref<48x128xi32, #tpu.memory_space<hbm>>) dst(%arg7 : memref<48x128xi32, #tpu.memory_space<vmem>>)
      tpu.yield
    }) : () -> ()
    "tpu.region"() ({
      %run_scoped3A = tpu.sem_alloc : memref<!tpu.dma_semaphore, #tpu.memory_space<semaphore_mem>>
      %dma_start3A_47 = arith.constant 0 : i32
      %dma_start3A_48 = arith.constant 0 : i32
      %dma_start3A_49 = tpu.memref_slice %arg4[%add3A, %dma_start3A_47, %dma_start3A_48] : memref<32x88x128xi32, #tpu.memory_space<hbm>> -> memref<1x48x128xi32, #tpu.memory_space<hbm>>
      %dma_start3A_50 = tpu.memref_squeeze %dma_start3A_49 : memref<1x48x128xi32, #tpu.memory_space<hbm>> -> memref<48x128xi32, #tpu.memory_space<hbm>>
      %dma_start3A_51 = arith.constant 0 : i32
      %dma_start3A_52 = arith.constant 0 : i32
      %dma_start3A_53 = tpu.memref_slice %arg4[%add3A, %dma_start3A_51, %dma_start3A_52] : memref<32x88x128xi32, #tpu.memory_space<hbm>> -> memref<1x48x128xi32, #tpu.memory_space<hbm>>
      %dma_start3A_54 = tpu.memref_squeeze %dma_start3A_53 : memref<1x48x128xi32, #tpu.memory_space<hbm>> -> memref<48x128xi32, #tpu.memory_space<hbm>>
      tpu.enqueue_dma source(%dma_start3A_54 : memref<48x128xi32, #tpu.memory_space<hbm>>) target(%arg8 : memref<48x128xi32, #tpu.memory_space<vmem>>) target_semaphore(%run_scoped3A : memref<!tpu.dma_semaphore, #tpu.memory_space<semaphore_mem>>)
      %dma_wait3A_55 = arith.constant 0 : i32
      %dma_wait3A_56 = arith.constant 0 : i32
      %dma_wait3A_57 = tpu.memref_slice %arg4[%add3A, %dma_wait3A_55, %dma_wait3A_56] : memref<32x88x128xi32, #tpu.memory_space<hbm>> -> memref<1x48x128xi32, #tpu.memory_space<hbm>>
      %dma_wait3A_58 = tpu.memref_squeeze %dma_wait3A_57 : memref<1x48x128xi32, #tpu.memory_space<hbm>> -> memref<48x128xi32, #tpu.memory_space<hbm>>
      %dma_wait3A_59 = arith.constant 0 : i32
      %dma_wait3A_60 = arith.constant 0 : i32
      %dma_wait3A_61 = tpu.memref_slice %arg4[%add3A, %dma_wait3A_59, %dma_wait3A_60] : memref<32x88x128xi32, #tpu.memory_space<hbm>> -> memref<1x48x128xi32, #tpu.memory_space<hbm>>
      %dma_wait3A_62 = tpu.memref_squeeze %dma_wait3A_61 : memref<1x48x128xi32, #tpu.memory_space<hbm>> -> memref<48x128xi32, #tpu.memory_space<hbm>>
      tpu.wait_dma2 semaphore(%run_scoped3A : memref<!tpu.dma_semaphore, #tpu.memory_space<semaphore_mem>>) src(%dma_wait3A_62 : memref<48x128xi32, #tpu.memory_space<hbm>>) dst(%arg8 : memref<48x128xi32, #tpu.memory_space<vmem>>)
      tpu.yield
    }) : () -> ()
    %dma_start3A = arith.constant 0 : i32
    %dma_start3A_9 = arith.constant 0 : i32
    %dma_start3A_10 = tpu.memref_slice %arg7[%dma_start3A, %dma_start3A_9] : memref<48x128xi32, #tpu.memory_space<vmem>> -> memref<1x128xi32, #tpu.memory_space<vmem>>
    %dma_start3A_11 = tpu.memref_squeeze %dma_start3A_10 : memref<1x128xi32, #tpu.memory_space<vmem>> -> memref<128xi32, #tpu.memory_space<vmem>>
    %dma_start3A_12 = arith.constant 0 : i32
    %dma_start3A_13 = arith.constant 0 : i32
    %dma_start3A_14 = tpu.memref_slice %arg2[%dma_start3A_12, %dma_start3A_13] : memref<10240x128xf32, #tpu.memory_space<hbm>> -> memref<10240x128xf32, #tpu.memory_space<hbm>>
    tpu.enqueue_indirect_dma source(%dma_start3A_14 : memref<10240x128xf32, #tpu.memory_space<hbm>>) target(%arg9 : memref<128x128xf32, #tpu.memory_space<vmem>>) offsets(%dma_start3A_11 : memref<128xi32, #tpu.memory_space<vmem>>) semaphore(%arg12 : memref<!tpu.dma_semaphore, #tpu.memory_space<semaphore_mem>>)
    %scan3A = arith.constant 0 : i32
    %scan3A_15 = arith.constant 0 : i32
    %scan3A_16 = arith.constant 20 : i32
    %scan3A_17 = arith.addi %scan3A_15, %scan3A_16 : i32
    %scan3A_18 = arith.constant 1 : i32
    scf.for %scan3A_47 = %scan3A_15 to %scan3A_17 step %scan3A_18  : i32 {
      %mul3A_48 = arith.constant 2 : i32
      %mul3A_49 = arith.muli %mul3A_48, %scan3A_47 : i32
      %add3A_50 = arith.constant 1 : i32
      %add3A_51 = arith.addi %mul3A_49, %add3A_50 : i32
      %dma_start3A_52 = arith.constant 0 : i32
      %dma_start3A_53 = tpu.memref_slice %arg7[%add3A_51, %dma_start3A_52] : memref<48x128xi32, #tpu.memory_space<vmem>> -> memref<1x128xi32, #tpu.memory_space<vmem>>
      %dma_start3A_54 = tpu.memref_squeeze %dma_start3A_53 : memref<1x128xi32, #tpu.memory_space<vmem>> -> memref<128xi32, #tpu.memory_space<vmem>>
      %dma_start3A_55 = arith.constant 0 : i32
      %dma_start3A_56 = arith.constant 0 : i32
      %dma_start3A_57 = tpu.memref_slice %arg2[%dma_start3A_55, %dma_start3A_56] : memref<10240x128xf32, #tpu.memory_space<hbm>> -> memref<10240x128xf32, #tpu.memory_space<hbm>>
      tpu.enqueue_indirect_dma source(%dma_start3A_57 : memref<10240x128xf32, #tpu.memory_space<hbm>>) target(%arg10 : memref<128x128xf32, #tpu.memory_space<vmem>>) offsets(%dma_start3A_54 : memref<128xi32, #tpu.memory_space<vmem>>) semaphore(%arg13 : memref<!tpu.dma_semaphore, #tpu.memory_space<semaphore_mem>>)
      %dma_wait3A_58 = arith.constant 0 : i32
      %dma_wait3A_59 = tpu.memref_slice %arg7[%mul3A_49, %dma_wait3A_58] : memref<48x128xi32, #tpu.memory_space<vmem>> -> memref<1x128xi32, #tpu.memory_space<vmem>>
      %dma_wait3A_60 = tpu.memref_squeeze %dma_wait3A_59 : memref<1x128xi32, #tpu.memory_space<vmem>> -> memref<128xi32, #tpu.memory_space<vmem>>
      %dma_wait3A_61 = arith.constant 0 : i32
      %dma_wait3A_62 = arith.constant 0 : i32
      %dma_wait3A_63 = tpu.memref_slice %arg2[%dma_wait3A_61, %dma_wait3A_62] : memref<10240x128xf32, #tpu.memory_space<hbm>> -> memref<10240x128xf32, #tpu.memory_space<hbm>>
      tpu.wait_indirect_dma semaphore(%arg12 : memref<!tpu.dma_semaphore, #tpu.memory_space<semaphore_mem>>) src(%dma_wait3A_63 : memref<10240x128xf32, #tpu.memory_space<hbm>>) dst(%arg9 : memref<128x128xf32, #tpu.memory_space<vmem>>)
      "tpu.region"() ({
        %run_scoped3A = tpu.sem_alloc : memref<!tpu.dma_semaphore, #tpu.memory_space<semaphore_mem>>
        %dma_start3A_82 = arith.constant 0 : i32
        %dma_start3A_83 = tpu.memref_slice %arg8[%mul3A_49, %dma_start3A_82] : memref<48x128xi32, #tpu.memory_space<vmem>> -> memref<1x128xi32, #tpu.memory_space<vmem>>
        %dma_start3A_84 = tpu.memref_squeeze %dma_start3A_83 : memref<1x128xi32, #tpu.memory_space<vmem>> -> memref<128xi32, #tpu.memory_space<vmem>>
        %dma_start3A_85 = arith.constant 0 : i32
        %dma_start3A_86 = arith.constant 0 : i32
        %dma_start3A_87 = tpu.memref_slice %arg11[%dma_start3A_85, %dma_start3A_86] : memref<10240x128xf32, #tpu.memory_space<vmem_shared>> -> memref<10240x128xf32, #tpu.memory_space<vmem_shared>>
        tpu.enqueue_indirect_dma source(%arg9 : memref<128x128xf32, #tpu.memory_space<vmem>>) target(%dma_start3A_87 : memref<10240x128xf32, #tpu.memory_space<vmem_shared>>) offsets(%dma_start3A_84 : memref<128xi32, #tpu.memory_space<vmem>>) semaphore(%run_scoped3A : memref<!tpu.dma_semaphore, #tpu.memory_space<semaphore_mem>>) {add = true}
        %dma_wait3A_88 = arith.constant 0 : i32
        %dma_wait3A_89 = tpu.memref_slice %arg8[%mul3A_49, %dma_wait3A_88] : memref<48x128xi32, #tpu.memory_space<vmem>> -> memref<1x128xi32, #tpu.memory_space<vmem>>
        %dma_wait3A_90 = tpu.memref_squeeze %dma_wait3A_89 : memref<1x128xi32, #tpu.memory_space<vmem>> -> memref<128xi32, #tpu.memory_space<vmem>>
        %dma_wait3A_91 = arith.constant 0 : i32
        %dma_wait3A_92 = arith.constant 0 : i32
        %dma_wait3A_93 = tpu.memref_slice %arg11[%dma_wait3A_91, %dma_wait3A_92] : memref<10240x128xf32, #tpu.memory_space<vmem_shared>> -> memref<10240x128xf32, #tpu.memory_space<vmem_shared>>
        tpu.wait_indirect_dma semaphore(%run_scoped3A : memref<!tpu.dma_semaphore, #tpu.memory_space<semaphore_mem>>) src(%arg9 : memref<128x128xf32, #tpu.memory_space<vmem>>) dst(%dma_wait3A_93 : memref<10240x128xf32, #tpu.memory_space<vmem_shared>>)
        tpu.yield
      }) : () -> ()
      %add3A_64 = arith.constant 2 : i32
      %add3A_65 = arith.addi %mul3A_49, %add3A_64 : i32
      %dma_start3A_66 = arith.constant 0 : i32
      %dma_start3A_67 = tpu.memref_slice %arg7[%add3A_65, %dma_start3A_66] : memref<48x128xi32, #tpu.memory_space<vmem>> -> memref<1x128xi32, #tpu.memory_space<vmem>>
      %dma_start3A_68 = tpu.memref_squeeze %dma_start3A_67 : memref<1x128xi32, #tpu.memory_space<vmem>> -> memref<128xi32, #tpu.memory_space<vmem>>
      %dma_start3A_69 = arith.constant 0 : i32
      %dma_start3A_70 = arith.constant 0 : i32
      %dma_start3A_71 = tpu.memref_slice %arg2[%dma_start3A_69, %dma_start3A_70] : memref<10240x128xf32, #tpu.memory_space<hbm>> -> memref<10240x128xf32, #tpu.memory_space<hbm>>
      tpu.enqueue_indirect_dma source(%dma_start3A_71 : memref<10240x128xf32, #tpu.memory_space<hbm>>) target(%arg9 : memref<128x128xf32, #tpu.memory_space<vmem>>) offsets(%dma_start3A_68 : memref<128xi32, #tpu.memory_space<vmem>>) semaphore(%arg12 : memref<!tpu.dma_semaphore, #tpu.memory_space<semaphore_mem>>)
      %add3A_72 = arith.constant 1 : i32
      %add3A_73 = arith.addi %mul3A_49, %add3A_72 : i32
      %dma_wait3A_74 = arith.constant 0 : i32
      %dma_wait3A_75 = tpu.memref_slice %arg7[%add3A_73, %dma_wait3A_74] : memref<48x128xi32, #tpu.memory_space<vmem>> -> memref<1x128xi32, #tpu.memory_space<vmem>>
      %dma_wait3A_76 = tpu.memref_squeeze %dma_wait3A_75 : memref<1x128xi32, #tpu.memory_space<vmem>> -> memref<128xi32, #tpu.memory_space<vmem>>
      %dma_wait3A_77 = arith.constant 0 : i32
      %dma_wait3A_78 = arith.constant 0 : i32
      %dma_wait3A_79 = tpu.memref_slice %arg2[%dma_wait3A_77, %dma_wait3A_78] : memref<10240x128xf32, #tpu.memory_space<hbm>> -> memref<10240x128xf32, #tpu.memory_space<hbm>>
      tpu.wait_indirect_dma semaphore(%arg13 : memref<!tpu.dma_semaphore, #tpu.memory_space<semaphore_mem>>) src(%dma_wait3A_79 : memref<10240x128xf32, #tpu.memory_space<hbm>>) dst(%arg10 : memref<128x128xf32, #tpu.memory_space<vmem>>)
      %add3A_80 = arith.constant 1 : i32
      %add3A_81 = arith.addi %mul3A_49, %add3A_80 : i32
      "tpu.region"() ({
        %run_scoped3A = tpu.sem_alloc : memref<!tpu.dma_semaphore, #tpu.memory_space<semaphore_mem>>
        %dma_start3A_82 = arith.constant 0 : i32
        %dma_start3A_83 = tpu.memref_slice %arg8[%add3A_81, %dma_start3A_82] : memref<48x128xi32, #tpu.memory_space<vmem>> -> memref<1x128xi32, #tpu.memory_space<vmem>>
        %dma_start3A_84 = tpu.memref_squeeze %dma_start3A_83 : memref<1x128xi32, #tpu.memory_space<vmem>> -> memref<128xi32, #tpu.memory_space<vmem>>
        %dma_start3A_85 = arith.constant 0 : i32
        %dma_start3A_86 = arith.constant 0 : i32
        %dma_start3A_87 = tpu.memref_slice %arg11[%dma_start3A_85, %dma_start3A_86] : memref<10240x128xf32, #tpu.memory_space<vmem_shared>> -> memref<10240x128xf32, #tpu.memory_space<vmem_shared>>
        tpu.enqueue_indirect_dma source(%arg10 : memref<128x128xf32, #tpu.memory_space<vmem>>) target(%dma_start3A_87 : memref<10240x128xf32, #tpu.memory_space<vmem_shared>>) offsets(%dma_start3A_84 : memref<128xi32, #tpu.memory_space<vmem>>) semaphore(%run_scoped3A : memref<!tpu.dma_semaphore, #tpu.memory_space<semaphore_mem>>) {add = true}
        %dma_wait3A_88 = arith.constant 0 : i32
        %dma_wait3A_89 = tpu.memref_slice %arg8[%add3A_81, %dma_wait3A_88] : memref<48x128xi32, #tpu.memory_space<vmem>> -> memref<1x128xi32, #tpu.memory_space<vmem>>
        %dma_wait3A_90 = tpu.memref_squeeze %dma_wait3A_89 : memref<1x128xi32, #tpu.memory_space<vmem>> -> memref<128xi32, #tpu.memory_space<vmem>>
        %dma_wait3A_91 = arith.constant 0 : i32
        %dma_wait3A_92 = arith.constant 0 : i32
        %dma_wait3A_93 = tpu.memref_slice %arg11[%dma_wait3A_91, %dma_wait3A_92] : memref<10240x128xf32, #tpu.memory_space<vmem_shared>> -> memref<10240x128xf32, #tpu.memory_space<vmem_shared>>
        tpu.wait_indirect_dma semaphore(%run_scoped3A : memref<!tpu.dma_semaphore, #tpu.memory_space<semaphore_mem>>) src(%arg10 : memref<128x128xf32, #tpu.memory_space<vmem>>) dst(%dma_wait3A_93 : memref<10240x128xf32, #tpu.memory_space<vmem_shared>>)
        tpu.yield
      }) : () -> ()
    }
    %scan3A_19 = arith.constant 20 : i32
    %dma_wait3A = arith.constant 40 : i32
    %dma_wait3A_20 = arith.constant 0 : i32
    %dma_wait3A_21 = tpu.memref_slice %arg7[%dma_wait3A, %dma_wait3A_20] : memref<48x128xi32, #tpu.memory_space<vmem>> -> memref<1x128xi32, #tpu.memory_space<vmem>>
    %dma_wait3A_22 = tpu.memref_squeeze %dma_wait3A_21 : memref<1x128xi32, #tpu.memory_space<vmem>> -> memref<128xi32, #tpu.memory_space<vmem>>
    %dma_wait3A_23 = arith.constant 0 : i32
    %dma_wait3A_24 = arith.constant 0 : i32
    %dma_wait3A_25 = tpu.memref_slice %arg2[%dma_wait3A_23, %dma_wait3A_24] : memref<10240x128xf32, #tpu.memory_space<hbm>> -> memref<10240x128xf32, #tpu.memory_space<hbm>>
    tpu.wait_indirect_dma semaphore(%arg12 : memref<!tpu.dma_semaphore, #tpu.memory_space<semaphore_mem>>) src(%dma_wait3A_25 : memref<10240x128xf32, #tpu.memory_space<hbm>>) dst(%arg9 : memref<128x128xf32, #tpu.memory_space<vmem>>)
    "tpu.region"() ({
      %run_scoped3A = tpu.sem_alloc : memref<!tpu.dma_semaphore, #tpu.memory_space<semaphore_mem>>
      %dma_start3A_47 = arith.constant 40 : i32
      %dma_start3A_48 = arith.constant 0 : i32
      %dma_start3A_49 = tpu.memref_slice %arg3[%add3A, %dma_start3A_47, %dma_start3A_48] : memref<32x88x128xi32, #tpu.memory_space<hbm>> -> memref<1x48x128xi32, #tpu.memory_space<hbm>>
      %dma_start3A_50 = tpu.memref_squeeze %dma_start3A_49 : memref<1x48x128xi32, #tpu.memory_space<hbm>> -> memref<48x128xi32, #tpu.memory_space<hbm>>
      %dma_start3A_51 = arith.constant 40 : i32
      %dma_start3A_52 = arith.constant 0 : i32
      %dma_start3A_53 = tpu.memref_slice %arg3[%add3A, %dma_start3A_51, %dma_start3A_52] : memref<32x88x128xi32, #tpu.memory_space<hbm>> -> memref<1x48x128xi32, #tpu.memory_space<hbm>>
      %dma_start3A_54 = tpu.memref_squeeze %dma_start3A_53 : memref<1x48x128xi32, #tpu.memory_space<hbm>> -> memref<48x128xi32, #tpu.memory_space<hbm>>
      tpu.enqueue_dma source(%dma_start3A_54 : memref<48x128xi32, #tpu.memory_space<hbm>>) target(%arg7 : memref<48x128xi32, #tpu.memory_space<vmem>>) target_semaphore(%run_scoped3A : memref<!tpu.dma_semaphore, #tpu.memory_space<semaphore_mem>>)
      %dma_wait3A_55 = arith.constant 40 : i32
      %dma_wait3A_56 = arith.constant 0 : i32
      %dma_wait3A_57 = tpu.memref_slice %arg3[%add3A, %dma_wait3A_55, %dma_wait3A_56] : memref<32x88x128xi32, #tpu.memory_space<hbm>> -> memref<1x48x128xi32, #tpu.memory_space<hbm>>
      %dma_wait3A_58 = tpu.memref_squeeze %dma_wait3A_57 : memref<1x48x128xi32, #tpu.memory_space<hbm>> -> memref<48x128xi32, #tpu.memory_space<hbm>>
      %dma_wait3A_59 = arith.constant 40 : i32
      %dma_wait3A_60 = arith.constant 0 : i32
      %dma_wait3A_61 = tpu.memref_slice %arg3[%add3A, %dma_wait3A_59, %dma_wait3A_60] : memref<32x88x128xi32, #tpu.memory_space<hbm>> -> memref<1x48x128xi32, #tpu.memory_space<hbm>>
      %dma_wait3A_62 = tpu.memref_squeeze %dma_wait3A_61 : memref<1x48x128xi32, #tpu.memory_space<hbm>> -> memref<48x128xi32, #tpu.memory_space<hbm>>
      tpu.wait_dma2 semaphore(%run_scoped3A : memref<!tpu.dma_semaphore, #tpu.memory_space<semaphore_mem>>) src(%dma_wait3A_62 : memref<48x128xi32, #tpu.memory_space<hbm>>) dst(%arg7 : memref<48x128xi32, #tpu.memory_space<vmem>>)
      tpu.yield
    }) : () -> ()
    "tpu.region"() ({
      %run_scoped3A = tpu.sem_alloc : memref<!tpu.dma_semaphore, #tpu.memory_space<semaphore_mem>>
      %dma_start3A_47 = arith.constant 40 : i32
      %dma_start3A_48 = arith.constant 0 : i32
      %dma_start3A_49 = tpu.memref_slice %arg4[%add3A, %dma_start3A_47, %dma_start3A_48] : memref<32x88x128xi32, #tpu.memory_space<hbm>> -> memref<1x48x128xi32, #tpu.memory_space<hbm>>
      %dma_start3A_50 = tpu.memref_squeeze %dma_start3A_49 : memref<1x48x128xi32, #tpu.memory_space<hbm>> -> memref<48x128xi32, #tpu.memory_space<hbm>>
      %dma_start3A_51 = arith.constant 40 : i32
      %dma_start3A_52 = arith.constant 0 : i32
      %dma_start3A_53 = tpu.memref_slice %arg4[%add3A, %dma_start3A_51, %dma_start3A_52] : memref<32x88x128xi32, #tpu.memory_space<hbm>> -> memref<1x48x128xi32, #tpu.memory_space<hbm>>
      %dma_start3A_54 = tpu.memref_squeeze %dma_start3A_53 : memref<1x48x128xi32, #tpu.memory_space<hbm>> -> memref<48x128xi32, #tpu.memory_space<hbm>>
      tpu.enqueue_dma source(%dma_start3A_54 : memref<48x128xi32, #tpu.memory_space<hbm>>) target(%arg8 : memref<48x128xi32, #tpu.memory_space<vmem>>) target_semaphore(%run_scoped3A : memref<!tpu.dma_semaphore, #tpu.memory_space<semaphore_mem>>)
      %dma_wait3A_55 = arith.constant 40 : i32
      %dma_wait3A_56 = arith.constant 0 : i32
      %dma_wait3A_57 = tpu.memref_slice %arg4[%add3A, %dma_wait3A_55, %dma_wait3A_56] : memref<32x88x128xi32, #tpu.memory_space<hbm>> -> memref<1x48x128xi32, #tpu.memory_space<hbm>>
      %dma_wait3A_58 = tpu.memref_squeeze %dma_wait3A_57 : memref<1x48x128xi32, #tpu.memory_space<hbm>> -> memref<48x128xi32, #tpu.memory_space<hbm>>
      %dma_wait3A_59 = arith.constant 40 : i32
      %dma_wait3A_60 = arith.constant 0 : i32
      %dma_wait3A_61 = tpu.memref_slice %arg4[%add3A, %dma_wait3A_59, %dma_wait3A_60] : memref<32x88x128xi32, #tpu.memory_space<hbm>> -> memref<1x48x128xi32, #tpu.memory_space<hbm>>
      %dma_wait3A_62 = tpu.memref_squeeze %dma_wait3A_61 : memref<1x48x128xi32, #tpu.memory_space<hbm>> -> memref<48x128xi32, #tpu.memory_space<hbm>>
      tpu.wait_dma2 semaphore(%run_scoped3A : memref<!tpu.dma_semaphore, #tpu.memory_space<semaphore_mem>>) src(%dma_wait3A_62 : memref<48x128xi32, #tpu.memory_space<hbm>>) dst(%arg8 : memref<48x128xi32, #tpu.memory_space<vmem>>)
      tpu.yield
    }) : () -> ()
    %dma_start3A_26 = arith.constant 0 : i32
    %dma_start3A_27 = arith.constant 0 : i32
    %dma_start3A_28 = tpu.memref_slice %arg7[%dma_start3A_26, %dma_start3A_27] : memref<48x128xi32, #tpu.memory_space<vmem>> -> memref<1x128xi32, #tpu.memory_space<vmem>>
    %dma_start3A_29 = tpu.memref_squeeze %dma_start3A_28 : memref<1x128xi32, #tpu.memory_space<vmem>> -> memref<128xi32, #tpu.memory_space<vmem>>
    %dma_start3A_30 = arith.constant 0 : i32
    %dma_start3A_31 = arith.constant 0 : i32
    %dma_start3A_32 = tpu.memref_slice %arg2[%dma_start3A_30, %dma_start3A_31] : memref<10240x128xf32, #tpu.memory_space<hbm>> -> memref<10240x128xf32, #tpu.memory_space<hbm>>
    tpu.enqueue_indirect_dma source(%dma_start3A_32 : memref<10240x128xf32, #tpu.memory_space<hbm>>) target(%arg9 : memref<128x128xf32, #tpu.memory_space<vmem>>) offsets(%dma_start3A_29 : memref<128xi32, #tpu.memory_space<vmem>>) semaphore(%arg12 : memref<!tpu.dma_semaphore, #tpu.memory_space<semaphore_mem>>)
    %scan3A_33 = arith.constant 0 : i32
    %scan3A_34 = arith.constant 0 : i32
    %scan3A_35 = arith.constant 20 : i32
    %scan3A_36 = arith.addi %scan3A_34, %scan3A_35 : i32
    %scan3A_37 = arith.constant 1 : i32
    scf.for %scan3A_47 = %scan3A_34 to %scan3A_36 step %scan3A_37  : i32 {
      %mul3A_48 = arith.constant 2 : i32
      %mul3A_49 = arith.muli %mul3A_48, %scan3A_47 : i32
      %add3A_50 = arith.constant 1 : i32
      %add3A_51 = arith.addi %mul3A_49, %add3A_50 : i32
      %dma_start3A_52 = arith.constant 0 : i32
      %dma_start3A_53 = tpu.memref_slice %arg7[%add3A_51, %dma_start3A_52] : memref<48x128xi32, #tpu.memory_space<vmem>> -> memref<1x128xi32, #tpu.memory_space<vmem>>
      %dma_start3A_54 = tpu.memref_squeeze %dma_start3A_53 : memref<1x128xi32, #tpu.memory_space<vmem>> -> memref<128xi32, #tpu.memory_space<vmem>>
      %dma_start3A_55 = arith.constant 0 : i32
      %dma_start3A_56 = arith.constant 0 : i32
      %dma_start3A_57 = tpu.memref_slice %arg2[%dma_start3A_55, %dma_start3A_56] : memref<10240x128xf32, #tpu.memory_space<hbm>> -> memref<10240x128xf32, #tpu.memory_space<hbm>>
      tpu.enqueue_indirect_dma source(%dma_start3A_57 : memref<10240x128xf32, #tpu.memory_space<hbm>>) target(%arg10 : memref<128x128xf32, #tpu.memory_space<vmem>>) offsets(%dma_start3A_54 : memref<128xi32, #tpu.memory_space<vmem>>) semaphore(%arg13 : memref<!tpu.dma_semaphore, #tpu.memory_space<semaphore_mem>>)
      %dma_wait3A_58 = arith.constant 0 : i32
      %dma_wait3A_59 = tpu.memref_slice %arg7[%mul3A_49, %dma_wait3A_58] : memref<48x128xi32, #tpu.memory_space<vmem>> -> memref<1x128xi32, #tpu.memory_space<vmem>>
      %dma_wait3A_60 = tpu.memref_squeeze %dma_wait3A_59 : memref<1x128xi32, #tpu.memory_space<vmem>> -> memref<128xi32, #tpu.memory_space<vmem>>
      %dma_wait3A_61 = arith.constant 0 : i32
      %dma_wait3A_62 = arith.constant 0 : i32
      %dma_wait3A_63 = tpu.memref_slice %arg2[%dma_wait3A_61, %dma_wait3A_62] : memref<10240x128xf32, #tpu.memory_space<hbm>> -> memref<10240x128xf32, #tpu.memory_space<hbm>>
      tpu.wait_indirect_dma semaphore(%arg12 : memref<!tpu.dma_semaphore, #tpu.memory_space<semaphore_mem>>) src(%dma_wait3A_63 : memref<10240x128xf32, #tpu.memory_space<hbm>>) dst(%arg9 : memref<128x128xf32, #tpu.memory_space<vmem>>)
      "tpu.region"() ({
        %run_scoped3A = tpu.sem_alloc : memref<!tpu.dma_semaphore, #tpu.memory_space<semaphore_mem>>
        %dma_start3A_82 = arith.constant 0 : i32
        %dma_start3A_83 = tpu.memref_slice %arg8[%mul3A_49, %dma_start3A_82] : memref<48x128xi32, #tpu.memory_space<vmem>> -> memref<1x128xi32, #tpu.memory_space<vmem>>
        %dma_start3A_84 = tpu.memref_squeeze %dma_start3A_83 : memref<1x128xi32, #tpu.memory_space<vmem>> -> memref<128xi32, #tpu.memory_space<vmem>>
        %dma_start3A_85 = arith.constant 0 : i32
        %dma_start3A_86 = arith.constant 0 : i32
        %dma_start3A_87 = tpu.memref_slice %arg11[%dma_start3A_85, %dma_start3A_86] : memref<10240x128xf32, #tpu.memory_space<vmem_shared>> -> memref<10240x128xf32, #tpu.memory_space<vmem_shared>>
        tpu.enqueue_indirect_dma source(%arg9 : memref<128x128xf32, #tpu.memory_space<vmem>>) target(%dma_start3A_87 : memref<10240x128xf32, #tpu.memory_space<vmem_shared>>) offsets(%dma_start3A_84 : memref<128xi32, #tpu.memory_space<vmem>>) semaphore(%run_scoped3A : memref<!tpu.dma_semaphore, #tpu.memory_space<semaphore_mem>>) {add = true}
        %dma_wait3A_88 = arith.constant 0 : i32
        %dma_wait3A_89 = tpu.memref_slice %arg8[%mul3A_49, %dma_wait3A_88] : memref<48x128xi32, #tpu.memory_space<vmem>> -> memref<1x128xi32, #tpu.memory_space<vmem>>
        %dma_wait3A_90 = tpu.memref_squeeze %dma_wait3A_89 : memref<1x128xi32, #tpu.memory_space<vmem>> -> memref<128xi32, #tpu.memory_space<vmem>>
        %dma_wait3A_91 = arith.constant 0 : i32
        %dma_wait3A_92 = arith.constant 0 : i32
        %dma_wait3A_93 = tpu.memref_slice %arg11[%dma_wait3A_91, %dma_wait3A_92] : memref<10240x128xf32, #tpu.memory_space<vmem_shared>> -> memref<10240x128xf32, #tpu.memory_space<vmem_shared>>
        tpu.wait_indirect_dma semaphore(%run_scoped3A : memref<!tpu.dma_semaphore, #tpu.memory_space<semaphore_mem>>) src(%arg9 : memref<128x128xf32, #tpu.memory_space<vmem>>) dst(%dma_wait3A_93 : memref<10240x128xf32, #tpu.memory_space<vmem_shared>>)
        tpu.yield
      }) : () -> ()
      %add3A_64 = arith.constant 2 : i32
      %add3A_65 = arith.addi %mul3A_49, %add3A_64 : i32
      %dma_start3A_66 = arith.constant 0 : i32
      %dma_start3A_67 = tpu.memref_slice %arg7[%add3A_65, %dma_start3A_66] : memref<48x128xi32, #tpu.memory_space<vmem>> -> memref<1x128xi32, #tpu.memory_space<vmem>>
      %dma_start3A_68 = tpu.memref_squeeze %dma_start3A_67 : memref<1x128xi32, #tpu.memory_space<vmem>> -> memref<128xi32, #tpu.memory_space<vmem>>
      %dma_start3A_69 = arith.constant 0 : i32
      %dma_start3A_70 = arith.constant 0 : i32
      %dma_start3A_71 = tpu.memref_slice %arg2[%dma_start3A_69, %dma_start3A_70] : memref<10240x128xf32, #tpu.memory_space<hbm>> -> memref<10240x128xf32, #tpu.memory_space<hbm>>
      tpu.enqueue_indirect_dma source(%dma_start3A_71 : memref<10240x128xf32, #tpu.memory_space<hbm>>) target(%arg9 : memref<128x128xf32, #tpu.memory_space<vmem>>) offsets(%dma_start3A_68 : memref<128xi32, #tpu.memory_space<vmem>>) semaphore(%arg12 : memref<!tpu.dma_semaphore, #tpu.memory_space<semaphore_mem>>)
      %add3A_72 = arith.constant 1 : i32
      %add3A_73 = arith.addi %mul3A_49, %add3A_72 : i32
      %dma_wait3A_74 = arith.constant 0 : i32
      %dma_wait3A_75 = tpu.memref_slice %arg7[%add3A_73, %dma_wait3A_74] : memref<48x128xi32, #tpu.memory_space<vmem>> -> memref<1x128xi32, #tpu.memory_space<vmem>>
      %dma_wait3A_76 = tpu.memref_squeeze %dma_wait3A_75 : memref<1x128xi32, #tpu.memory_space<vmem>> -> memref<128xi32, #tpu.memory_space<vmem>>
      %dma_wait3A_77 = arith.constant 0 : i32
      %dma_wait3A_78 = arith.constant 0 : i32
      %dma_wait3A_79 = tpu.memref_slice %arg2[%dma_wait3A_77, %dma_wait3A_78] : memref<10240x128xf32, #tpu.memory_space<hbm>> -> memref<10240x128xf32, #tpu.memory_space<hbm>>
      tpu.wait_indirect_dma semaphore(%arg13 : memref<!tpu.dma_semaphore, #tpu.memory_space<semaphore_mem>>) src(%dma_wait3A_79 : memref<10240x128xf32, #tpu.memory_space<hbm>>) dst(%arg10 : memref<128x128xf32, #tpu.memory_space<vmem>>)
      %add3A_80 = arith.constant 1 : i32
      %add3A_81 = arith.addi %mul3A_49, %add3A_80 : i32
      "tpu.region"() ({
        %run_scoped3A = tpu.sem_alloc : memref<!tpu.dma_semaphore, #tpu.memory_space<semaphore_mem>>
        %dma_start3A_82 = arith.constant 0 : i32
        %dma_start3A_83 = tpu.memref_slice %arg8[%add3A_81, %dma_start3A_82] : memref<48x128xi32, #tpu.memory_space<vmem>> -> memref<1x128xi32, #tpu.memory_space<vmem>>
        %dma_start3A_84 = tpu.memref_squeeze %dma_start3A_83 : memref<1x128xi32, #tpu.memory_space<vmem>> -> memref<128xi32, #tpu.memory_space<vmem>>
        %dma_start3A_85 = arith.constant 0 : i32
        %dma_start3A_86 = arith.constant 0 : i32
        %dma_start3A_87 = tpu.memref_slice %arg11[%dma_start3A_85, %dma_start3A_86] : memref<10240x128xf32, #tpu.memory_space<vmem_shared>> -> memref<10240x128xf32, #tpu.memory_space<vmem_shared>>
        tpu.enqueue_indirect_dma source(%arg10 : memref<128x128xf32, #tpu.memory_space<vmem>>) target(%dma_start3A_87 : memref<10240x128xf32, #tpu.memory_space<vmem_shared>>) offsets(%dma_start3A_84 : memref<128xi32, #tpu.memory_space<vmem>>) semaphore(%run_scoped3A : memref<!tpu.dma_semaphore, #tpu.memory_space<semaphore_mem>>) {add = true}
        %dma_wait3A_88 = arith.constant 0 : i32
        %dma_wait3A_89 = tpu.memref_slice %arg8[%add3A_81, %dma_wait3A_88] : memref<48x128xi32, #tpu.memory_space<vmem>> -> memref<1x128xi32, #tpu.memory_space<vmem>>
        %dma_wait3A_90 = tpu.memref_squeeze %dma_wait3A_89 : memref<1x128xi32, #tpu.memory_space<vmem>> -> memref<128xi32, #tpu.memory_space<vmem>>
        %dma_wait3A_91 = arith.constant 0 : i32
        %dma_wait3A_92 = arith.constant 0 : i32
        %dma_wait3A_93 = tpu.memref_slice %arg11[%dma_wait3A_91, %dma_wait3A_92] : memref<10240x128xf32, #tpu.memory_space<vmem_shared>> -> memref<10240x128xf32, #tpu.memory_space<vmem_shared>>
        tpu.wait_indirect_dma semaphore(%run_scoped3A : memref<!tpu.dma_semaphore, #tpu.memory_space<semaphore_mem>>) src(%arg10 : memref<128x128xf32, #tpu.memory_space<vmem>>) dst(%dma_wait3A_93 : memref<10240x128xf32, #tpu.memory_space<vmem_shared>>)
        tpu.yield
      }) : () -> ()
    }
    %scan3A_38 = arith.constant 20 : i32
    %dma_wait3A_39 = arith.constant 40 : i32
    %dma_wait3A_40 = arith.constant 0 : i32
    %dma_wait3A_41 = tpu.memref_slice %arg7[%dma_wait3A_39, %dma_wait3A_40] : memref<48x128xi32, #tpu.memory_space<vmem>> -> memref<1x128xi32, #tpu.memory_space<vmem>>
    %dma_wait3A_42 = tpu.memref_squeeze %dma_wait3A_41 : memref<1x128xi32, #tpu.memory_space<vmem>> -> memref<128xi32, #tpu.memory_space<vmem>>
    %dma_wait3A_43 = arith.constant 0 : i32
    %dma_wait3A_44 = arith.constant 0 : i32
    %dma_wait3A_45 = tpu.memref_slice %arg2[%dma_wait3A_43, %dma_wait3A_44] : memref<10240x128xf32, #tpu.memory_space<hbm>> -> memref<10240x128xf32, #tpu.memory_space<hbm>>
    tpu.wait_indirect_dma semaphore(%arg12 : memref<!tpu.dma_semaphore, #tpu.memory_space<semaphore_mem>>) src(%dma_wait3A_45 : memref<10240x128xf32, #tpu.memory_space<hbm>>) dst(%arg9 : memref<128x128xf32, #tpu.memory_space<vmem>>)
    %barrier3A_46 = arith.constant 0 : index
    tpu.barrier barrier_id(%barrier3A_46)
    "tpu.region"() ({
      %run_scoped3A = tpu.sem_alloc : memref<!tpu.dma_semaphore, #tpu.memory_space<semaphore_mem>>
      %dma_start3A_47 = arith.constant 0 : i32
      %dma_start3A_48 = tpu.memref_slice %arg6[%arg0, %mul3A_2, %dma_start3A_47] : memref<2x10240x128xf32, #tpu.memory_space<hbm>> -> memref<1x640x128xf32, #tpu.memory_space<hbm>>
      %dma_start3A_49 = tpu.memref_squeeze %dma_start3A_48 : memref<1x640x128xf32, #tpu.memory_space<hbm>> -> memref<640x128xf32, #tpu.memory_space<hbm>>
      %dma_start3A_50 = arith.constant 0 : i32
      %dma_start3A_51 = tpu.memref_slice %arg11[%mul3A_2, %dma_start3A_50] : memref<10240x128xf32, #tpu.memory_space<vmem_shared>> -> memref<640x128xf32, #tpu.memory_space<vmem_shared>>
      tpu.enqueue_dma source(%dma_start3A_51 : memref<640x128xf32, #tpu.memory_space<vmem_shared>>) target(%dma_start3A_49 : memref<640x128xf32, #tpu.memory_space<hbm>>) target_semaphore(%run_scoped3A : memref<!tpu.dma_semaphore, #tpu.memory_space<semaphore_mem>>)
      %dma_wait3A_52 = arith.constant 0 : i32
      %dma_wait3A_53 = tpu.memref_slice %arg6[%arg0, %mul3A_2, %dma_wait3A_52] : memref<2x10240x128xf32, #tpu.memory_space<hbm>> -> memref<1x640x128xf32, #tpu.memory_space<hbm>>
      %dma_wait3A_54 = tpu.memref_squeeze %dma_wait3A_53 : memref<1x640x128xf32, #tpu.memory_space<hbm>> -> memref<640x128xf32, #tpu.memory_space<hbm>>
      %dma_wait3A_55 = arith.constant 0 : i32
      %dma_wait3A_56 = tpu.memref_slice %arg11[%mul3A_2, %dma_wait3A_55] : memref<10240x128xf32, #tpu.memory_space<vmem_shared>> -> memref<640x128xf32, #tpu.memory_space<vmem_shared>>
      tpu.wait_dma2 semaphore(%run_scoped3A : memref<!tpu.dma_semaphore, #tpu.memory_space<semaphore_mem>>) src(%dma_wait3A_56 : memref<640x128xf32, #tpu.memory_space<vmem_shared>>) dst(%dma_wait3A_54 : memref<640x128xf32, #tpu.memory_space<hbm>>)
      tpu.yield
    }) : () -> ()
    return
  }
}

#map = affine_map<(d0, d1) -> (0, 0)>
#map1 = affine_map<(d0, d1) -> (0, 0, 0)>
module attributes {stable_mosaic.version = 14 : i64} {
  func.func @_row_kernel(%arg0: i32, %arg1: i32, %arg2: memref<10240x128xf32, #tpu.memory_space<hbm>>, %arg3: memref<32x88x128xi32, #tpu.memory_space<hbm>>, %arg4: memref<32x88x128xi32, #tpu.memory_space<hbm>>, %arg5: memref<10240x128xf32, #tpu.memory_space<hbm>>, %arg6: memref<2x10240x128xf32, #tpu.memory_space<hbm>>, %arg7: memref<48x128xi32, #tpu.memory_space<vmem>>, %arg8: memref<48x128xi32, #tpu.memory_space<vmem>>, %arg9: memref<128x128xf32, #tpu.memory_space<vmem>>, %arg10: memref<128x128xf32, #tpu.memory_space<vmem>>, %arg11: memref<10240x128xf32, #tpu.memory_space<vmem_shared>>, %arg12: memref<!tpu.dma_semaphore, #tpu.memory_space<semaphore_mem>>, %arg13: memref<!tpu.dma_semaphore, #tpu.memory_space<semaphore_mem>>) attributes {dimension_semantics = [#tpu.dimension_semantics<core_parallel>, #tpu.dimension_semantics<subcore_parallel>], iteration_bounds = array<i64: 2, 16>, scalar_prefetch = 0 : i64, scratch_operands = 7 : i64, tpu.core_type = #tpu.core_type<sc_vector_subcore>, window_params = [{transform_indices = #map}, {transform_indices = #map1}, {transform_indices = #map1}, {transform_indices = #map}, {transform_indices = #map1}]} {
    %mul3A = arith.constant 2 : i32
    %mul3A_0 = arith.muli %arg1, %mul3A : i32
    %add3A = arith.addi %mul3A_0, %arg0 : i32
    %mul3A_1 = arith.constant 640 : i32
    %mul3A_2 = arith.muli %arg1, %mul3A_1 : i32
    %eq3A = arith.constant 0 : i32
    %eq3A_3 = arith.cmpi eq, %arg0, %eq3A : i32
    %convert_element_type3A = arith.extui %eq3A_3 : i1 to i32
    %cond3A = arith.constant 0 : i32
    %cond3A_4 = arith.cmpi ne, %convert_element_type3A, %cond3A : i32
    scf.if %cond3A_4 {
      "tpu.region"() ({
        %run_scoped3A = tpu.sem_alloc : memref<!tpu.dma_semaphore, #tpu.memory_space<semaphore_mem>>
        %dma_start3A_47 = arith.constant 0 : i32
        %dma_start3A_48 = tpu.memref_slice %arg11[%mul3A_2, %dma_start3A_47] : memref<10240x128xf32, #tpu.memory_space<vmem_shared>> -> memref<640x128xf32, #tpu.memory_space<vmem_shared>>
        %dma_start3A_49 = arith.constant 0 : i32
        %dma_start3A_50 = tpu.memref_slice %arg2[%mul3A_2, %dma_start3A_49] : memref<10240x128xf32, #tpu.memory_space<hbm>> -> memref<640x128xf32, #tpu.memory_space<hbm>>
        tpu.enqueue_dma source(%dma_start3A_50 : memref<640x128xf32, #tpu.memory_space<hbm>>) target(%dma_start3A_48 : memref<640x128xf32, #tpu.memory_space<vmem_shared>>) target_semaphore(%run_scoped3A : memref<!tpu.dma_semaphore, #tpu.memory_space<semaphore_mem>>)
        %dma_wait3A_51 = arith.constant 0 : i32
        %dma_wait3A_52 = tpu.memref_slice %arg11[%mul3A_2, %dma_wait3A_51] : memref<10240x128xf32, #tpu.memory_space<vmem_shared>> -> memref<640x128xf32, #tpu.memory_space<vmem_shared>>
        %dma_wait3A_53 = arith.constant 0 : i32
        %dma_wait3A_54 = tpu.memref_slice %arg2[%mul3A_2, %dma_wait3A_53] : memref<10240x128xf32, #tpu.memory_space<hbm>> -> memref<640x128xf32, #tpu.memory_space<hbm>>
        tpu.wait_dma2 semaphore(%run_scoped3A : memref<!tpu.dma_semaphore, #tpu.memory_space<semaphore_mem>>) src(%dma_wait3A_54 : memref<640x128xf32, #tpu.memory_space<hbm>>) dst(%dma_wait3A_52 : memref<640x128xf32, #tpu.memory_space<vmem_shared>>)
        tpu.yield
      }) : () -> ()
    } else {
    }
    %ne3A = arith.constant 0 : i32
    %ne3A_5 = arith.cmpi ne, %arg0, %ne3A : i32
    %convert_element_type3A_6 = arith.extui %ne3A_5 : i1 to i32
    %cond3A_7 = arith.constant 0 : i32
    %cond3A_8 = arith.cmpi ne, %convert_element_type3A_6, %cond3A_7 : i32
    scf.if %cond3A_8 {
      "tpu.region"() ({
        %run_scoped3A = tpu.sem_alloc : memref<!tpu.dma_semaphore, #tpu.memory_space<semaphore_mem>>
        %dma_start3A_47 = arith.constant 0 : i32
        %dma_start3A_48 = tpu.memref_slice %arg11[%mul3A_2, %dma_start3A_47] : memref<10240x128xf32, #tpu.memory_space<vmem_shared>> -> memref<640x128xf32, #tpu.memory_space<vmem_shared>>
        %dma_start3A_49 = arith.constant 0 : i32
        %dma_start3A_50 = tpu.memref_slice %arg5[%mul3A_2, %dma_start3A_49] : memref<10240x128xf32, #tpu.memory_space<hbm>> -> memref<640x128xf32, #tpu.memory_space<hbm>>
        tpu.enqueue_dma source(%dma_start3A_50 : memref<640x128xf32, #tpu.memory_space<hbm>>) target(%dma_start3A_48 : memref<640x128xf32, #tpu.memory_space<vmem_shared>>) target_semaphore(%run_scoped3A : memref<!tpu.dma_semaphore, #tpu.memory_space<semaphore_mem>>)
        %dma_wait3A_51 = arith.constant 0 : i32
        %dma_wait3A_52 = tpu.memref_slice %arg11[%mul3A_2, %dma_wait3A_51] : memref<10240x128xf32, #tpu.memory_space<vmem_shared>> -> memref<640x128xf32, #tpu.memory_space<vmem_shared>>
        %dma_wait3A_53 = arith.constant 0 : i32
        %dma_wait3A_54 = tpu.memref_slice %arg5[%mul3A_2, %dma_wait3A_53] : memref<10240x128xf32, #tpu.memory_space<hbm>> -> memref<640x128xf32, #tpu.memory_space<hbm>>
        tpu.wait_dma2 semaphore(%run_scoped3A : memref<!tpu.dma_semaphore, #tpu.memory_space<semaphore_mem>>) src(%dma_wait3A_54 : memref<640x128xf32, #tpu.memory_space<hbm>>) dst(%dma_wait3A_52 : memref<640x128xf32, #tpu.memory_space<vmem_shared>>)
        tpu.yield
      }) : () -> ()
    } else {
    }
    %barrier3A = arith.constant 0 : index
    tpu.barrier barrier_id(%barrier3A)
    "tpu.region"() ({
      %run_scoped3A = tpu.sem_alloc : memref<!tpu.dma_semaphore, #tpu.memory_space<semaphore_mem>>
      %dma_start3A_47 = arith.constant 0 : i32
      %dma_start3A_48 = arith.constant 0 : i32
      %dma_start3A_49 = tpu.memref_slice %arg3[%add3A, %dma_start3A_47, %dma_start3A_48] : memref<32x88x128xi32, #tpu.memory_space<hbm>> -> memref<1x48x128xi32, #tpu.memory_space<hbm>>
      %dma_start3A_50 = tpu.memref_squeeze %dma_start3A_49 : memref<1x48x128xi32, #tpu.memory_space<hbm>> -> memref<48x128xi32, #tpu.memory_space<hbm>>
      %dma_start3A_51 = arith.constant 0 : i32
      %dma_start3A_52 = arith.constant 0 : i32
      %dma_start3A_53 = tpu.memref_slice %arg3[%add3A, %dma_start3A_51, %dma_start3A_52] : memref<32x88x128xi32, #tpu.memory_space<hbm>> -> memref<1x48x128xi32, #tpu.memory_space<hbm>>
      %dma_start3A_54 = tpu.memref_squeeze %dma_start3A_53 : memref<1x48x128xi32, #tpu.memory_space<hbm>> -> memref<48x128xi32, #tpu.memory_space<hbm>>
      tpu.enqueue_dma source(%dma_start3A_54 : memref<48x128xi32, #tpu.memory_space<hbm>>) target(%arg7 : memref<48x128xi32, #tpu.memory_space<vmem>>) target_semaphore(%run_scoped3A : memref<!tpu.dma_semaphore, #tpu.memory_space<semaphore_mem>>)
      %dma_wait3A_55 = arith.constant 0 : i32
      %dma_wait3A_56 = arith.constant 0 : i32
      %dma_wait3A_57 = tpu.memref_slice %arg3[%add3A, %dma_wait3A_55, %dma_wait3A_56] : memref<32x88x128xi32, #tpu.memory_space<hbm>> -> memref<1x48x128xi32, #tpu.memory_space<hbm>>
      %dma_wait3A_58 = tpu.memref_squeeze %dma_wait3A_57 : memref<1x48x128xi32, #tpu.memory_space<hbm>> -> memref<48x128xi32, #tpu.memory_space<hbm>>
      %dma_wait3A_59 = arith.constant 0 : i32
      %dma_wait3A_60 = arith.constant 0 : i32
      %dma_wait3A_61 = tpu.memref_slice %arg3[%add3A, %dma_wait3A_59, %dma_wait3A_60] : memref<32x88x128xi32, #tpu.memory_space<hbm>> -> memref<1x48x128xi32, #tpu.memory_space<hbm>>
      %dma_wait3A_62 = tpu.memref_squeeze %dma_wait3A_61 : memref<1x48x128xi32, #tpu.memory_space<hbm>> -> memref<48x128xi32, #tpu.memory_space<hbm>>
      tpu.wait_dma2 semaphore(%run_scoped3A : memref<!tpu.dma_semaphore, #tpu.memory_space<semaphore_mem>>) src(%dma_wait3A_62 : memref<48x128xi32, #tpu.memory_space<hbm>>) dst(%arg7 : memref<48x128xi32, #tpu.memory_space<vmem>>)
      tpu.yield
    }) : () -> ()
    "tpu.region"() ({
      %run_scoped3A = tpu.sem_alloc : memref<!tpu.dma_semaphore, #tpu.memory_space<semaphore_mem>>
      %dma_start3A_47 = arith.constant 0 : i32
      %dma_start3A_48 = arith.constant 0 : i32
      %dma_start3A_49 = tpu.memref_slice %arg4[%add3A, %dma_start3A_47, %dma_start3A_48] : memref<32x88x128xi32, #tpu.memory_space<hbm>> -> memref<1x48x128xi32, #tpu.memory_space<hbm>>
      %dma_start3A_50 = tpu.memref_squeeze %dma_start3A_49 : memref<1x48x128xi32, #tpu.memory_space<hbm>> -> memref<48x128xi32, #tpu.memory_space<hbm>>
      %dma_start3A_51 = arith.constant 0 : i32
      %dma_start3A_52 = arith.constant 0 : i32
      %dma_start3A_53 = tpu.memref_slice %arg4[%add3A, %dma_start3A_51, %dma_start3A_52] : memref<32x88x128xi32, #tpu.memory_space<hbm>> -> memref<1x48x128xi32, #tpu.memory_space<hbm>>
      %dma_start3A_54 = tpu.memref_squeeze %dma_start3A_53 : memref<1x48x128xi32, #tpu.memory_space<hbm>> -> memref<48x128xi32, #tpu.memory_space<hbm>>
      tpu.enqueue_dma source(%dma_start3A_54 : memref<48x128xi32, #tpu.memory_space<hbm>>) target(%arg8 : memref<48x128xi32, #tpu.memory_space<vmem>>) target_semaphore(%run_scoped3A : memref<!tpu.dma_semaphore, #tpu.memory_space<semaphore_mem>>)
      %dma_wait3A_55 = arith.constant 0 : i32
      %dma_wait3A_56 = arith.constant 0 : i32
      %dma_wait3A_57 = tpu.memref_slice %arg4[%add3A, %dma_wait3A_55, %dma_wait3A_56] : memref<32x88x128xi32, #tpu.memory_space<hbm>> -> memref<1x48x128xi32, #tpu.memory_space<hbm>>
      %dma_wait3A_58 = tpu.memref_squeeze %dma_wait3A_57 : memref<1x48x128xi32, #tpu.memory_space<hbm>> -> memref<48x128xi32, #tpu.memory_space<hbm>>
      %dma_wait3A_59 = arith.constant 0 : i32
      %dma_wait3A_60 = arith.constant 0 : i32
      %dma_wait3A_61 = tpu.memref_slice %arg4[%add3A, %dma_wait3A_59, %dma_wait3A_60] : memref<32x88x128xi32, #tpu.memory_space<hbm>> -> memref<1x48x128xi32, #tpu.memory_space<hbm>>
      %dma_wait3A_62 = tpu.memref_squeeze %dma_wait3A_61 : memref<1x48x128xi32, #tpu.memory_space<hbm>> -> memref<48x128xi32, #tpu.memory_space<hbm>>
      tpu.wait_dma2 semaphore(%run_scoped3A : memref<!tpu.dma_semaphore, #tpu.memory_space<semaphore_mem>>) src(%dma_wait3A_62 : memref<48x128xi32, #tpu.memory_space<hbm>>) dst(%arg8 : memref<48x128xi32, #tpu.memory_space<vmem>>)
      tpu.yield
    }) : () -> ()
    %dma_start3A = arith.constant 0 : i32
    %dma_start3A_9 = arith.constant 0 : i32
    %dma_start3A_10 = tpu.memref_slice %arg7[%dma_start3A, %dma_start3A_9] : memref<48x128xi32, #tpu.memory_space<vmem>> -> memref<1x128xi32, #tpu.memory_space<vmem>>
    %dma_start3A_11 = tpu.memref_squeeze %dma_start3A_10 : memref<1x128xi32, #tpu.memory_space<vmem>> -> memref<128xi32, #tpu.memory_space<vmem>>
    %dma_start3A_12 = arith.constant 0 : i32
    %dma_start3A_13 = arith.constant 0 : i32
    %dma_start3A_14 = tpu.memref_slice %arg2[%dma_start3A_12, %dma_start3A_13] : memref<10240x128xf32, #tpu.memory_space<hbm>> -> memref<10240x128xf32, #tpu.memory_space<hbm>>
    tpu.enqueue_indirect_dma source(%dma_start3A_14 : memref<10240x128xf32, #tpu.memory_space<hbm>>) target(%arg9 : memref<128x128xf32, #tpu.memory_space<vmem>>) offsets(%dma_start3A_11 : memref<128xi32, #tpu.memory_space<vmem>>) semaphore(%arg12 : memref<!tpu.dma_semaphore, #tpu.memory_space<semaphore_mem>>)
    %scan3A = arith.constant 0 : i32
    %scan3A_15 = arith.constant 0 : i32
    %scan3A_16 = arith.constant 20 : i32
    %scan3A_17 = arith.addi %scan3A_15, %scan3A_16 : i32
    %scan3A_18 = arith.constant 1 : i32
    scf.for %scan3A_47 = %scan3A_15 to %scan3A_17 step %scan3A_18  : i32 {
      %mul3A_48 = arith.constant 2 : i32
      %mul3A_49 = arith.muli %mul3A_48, %scan3A_47 : i32
      %add3A_50 = arith.constant 1 : i32
      %add3A_51 = arith.addi %mul3A_49, %add3A_50 : i32
      %dma_start3A_52 = arith.constant 0 : i32
      %dma_start3A_53 = tpu.memref_slice %arg7[%add3A_51, %dma_start3A_52] : memref<48x128xi32, #tpu.memory_space<vmem>> -> memref<1x128xi32, #tpu.memory_space<vmem>>
      %dma_start3A_54 = tpu.memref_squeeze %dma_start3A_53 : memref<1x128xi32, #tpu.memory_space<vmem>> -> memref<128xi32, #tpu.memory_space<vmem>>
      %dma_start3A_55 = arith.constant 0 : i32
      %dma_start3A_56 = arith.constant 0 : i32
      %dma_start3A_57 = tpu.memref_slice %arg2[%dma_start3A_55, %dma_start3A_56] : memref<10240x128xf32, #tpu.memory_space<hbm>> -> memref<10240x128xf32, #tpu.memory_space<hbm>>
      tpu.enqueue_indirect_dma source(%dma_start3A_57 : memref<10240x128xf32, #tpu.memory_space<hbm>>) target(%arg10 : memref<128x128xf32, #tpu.memory_space<vmem>>) offsets(%dma_start3A_54 : memref<128xi32, #tpu.memory_space<vmem>>) semaphore(%arg13 : memref<!tpu.dma_semaphore, #tpu.memory_space<semaphore_mem>>)
      %dma_wait3A_58 = arith.constant 0 : i32
      %dma_wait3A_59 = tpu.memref_slice %arg7[%mul3A_49, %dma_wait3A_58] : memref<48x128xi32, #tpu.memory_space<vmem>> -> memref<1x128xi32, #tpu.memory_space<vmem>>
      %dma_wait3A_60 = tpu.memref_squeeze %dma_wait3A_59 : memref<1x128xi32, #tpu.memory_space<vmem>> -> memref<128xi32, #tpu.memory_space<vmem>>
      %dma_wait3A_61 = arith.constant 0 : i32
      %dma_wait3A_62 = arith.constant 0 : i32
      %dma_wait3A_63 = tpu.memref_slice %arg2[%dma_wait3A_61, %dma_wait3A_62] : memref<10240x128xf32, #tpu.memory_space<hbm>> -> memref<10240x128xf32, #tpu.memory_space<hbm>>
      tpu.wait_indirect_dma semaphore(%arg12 : memref<!tpu.dma_semaphore, #tpu.memory_space<semaphore_mem>>) src(%dma_wait3A_63 : memref<10240x128xf32, #tpu.memory_space<hbm>>) dst(%arg9 : memref<128x128xf32, #tpu.memory_space<vmem>>)
      "tpu.region"() ({
        %run_scoped3A = tpu.sem_alloc : memref<!tpu.dma_semaphore, #tpu.memory_space<semaphore_mem>>
        %dma_start3A_82 = arith.constant 0 : i32
        %dma_start3A_83 = tpu.memref_slice %arg8[%mul3A_49, %dma_start3A_82] : memref<48x128xi32, #tpu.memory_space<vmem>> -> memref<1x128xi32, #tpu.memory_space<vmem>>
        %dma_start3A_84 = tpu.memref_squeeze %dma_start3A_83 : memref<1x128xi32, #tpu.memory_space<vmem>> -> memref<128xi32, #tpu.memory_space<vmem>>
        %dma_start3A_85 = arith.constant 0 : i32
        %dma_start3A_86 = arith.constant 0 : i32
        %dma_start3A_87 = tpu.memref_slice %arg11[%dma_start3A_85, %dma_start3A_86] : memref<10240x128xf32, #tpu.memory_space<vmem_shared>> -> memref<10240x128xf32, #tpu.memory_space<vmem_shared>>
        tpu.enqueue_indirect_dma source(%arg9 : memref<128x128xf32, #tpu.memory_space<vmem>>) target(%dma_start3A_87 : memref<10240x128xf32, #tpu.memory_space<vmem_shared>>) offsets(%dma_start3A_84 : memref<128xi32, #tpu.memory_space<vmem>>) semaphore(%run_scoped3A : memref<!tpu.dma_semaphore, #tpu.memory_space<semaphore_mem>>) {add = true}
        %dma_wait3A_88 = arith.constant 0 : i32
        %dma_wait3A_89 = tpu.memref_slice %arg8[%mul3A_49, %dma_wait3A_88] : memref<48x128xi32, #tpu.memory_space<vmem>> -> memref<1x128xi32, #tpu.memory_space<vmem>>
        %dma_wait3A_90 = tpu.memref_squeeze %dma_wait3A_89 : memref<1x128xi32, #tpu.memory_space<vmem>> -> memref<128xi32, #tpu.memory_space<vmem>>
        %dma_wait3A_91 = arith.constant 0 : i32
        %dma_wait3A_92 = arith.constant 0 : i32
        %dma_wait3A_93 = tpu.memref_slice %arg11[%dma_wait3A_91, %dma_wait3A_92] : memref<10240x128xf32, #tpu.memory_space<vmem_shared>> -> memref<10240x128xf32, #tpu.memory_space<vmem_shared>>
        tpu.wait_indirect_dma semaphore(%run_scoped3A : memref<!tpu.dma_semaphore, #tpu.memory_space<semaphore_mem>>) src(%arg9 : memref<128x128xf32, #tpu.memory_space<vmem>>) dst(%dma_wait3A_93 : memref<10240x128xf32, #tpu.memory_space<vmem_shared>>)
        tpu.yield
      }) : () -> ()
      %add3A_64 = arith.constant 2 : i32
      %add3A_65 = arith.addi %mul3A_49, %add3A_64 : i32
      %dma_start3A_66 = arith.constant 0 : i32
      %dma_start3A_67 = tpu.memref_slice %arg7[%add3A_65, %dma_start3A_66] : memref<48x128xi32, #tpu.memory_space<vmem>> -> memref<1x128xi32, #tpu.memory_space<vmem>>
      %dma_start3A_68 = tpu.memref_squeeze %dma_start3A_67 : memref<1x128xi32, #tpu.memory_space<vmem>> -> memref<128xi32, #tpu.memory_space<vmem>>
      %dma_start3A_69 = arith.constant 0 : i32
      %dma_start3A_70 = arith.constant 0 : i32
      %dma_start3A_71 = tpu.memref_slice %arg2[%dma_start3A_69, %dma_start3A_70] : memref<10240x128xf32, #tpu.memory_space<hbm>> -> memref<10240x128xf32, #tpu.memory_space<hbm>>
      tpu.enqueue_indirect_dma source(%dma_start3A_71 : memref<10240x128xf32, #tpu.memory_space<hbm>>) target(%arg9 : memref<128x128xf32, #tpu.memory_space<vmem>>) offsets(%dma_start3A_68 : memref<128xi32, #tpu.memory_space<vmem>>) semaphore(%arg12 : memref<!tpu.dma_semaphore, #tpu.memory_space<semaphore_mem>>)
      %add3A_72 = arith.constant 1 : i32
      %add3A_73 = arith.addi %mul3A_49, %add3A_72 : i32
      %dma_wait3A_74 = arith.constant 0 : i32
      %dma_wait3A_75 = tpu.memref_slice %arg7[%add3A_73, %dma_wait3A_74] : memref<48x128xi32, #tpu.memory_space<vmem>> -> memref<1x128xi32, #tpu.memory_space<vmem>>
      %dma_wait3A_76 = tpu.memref_squeeze %dma_wait3A_75 : memref<1x128xi32, #tpu.memory_space<vmem>> -> memref<128xi32, #tpu.memory_space<vmem>>
      %dma_wait3A_77 = arith.constant 0 : i32
      %dma_wait3A_78 = arith.constant 0 : i32
      %dma_wait3A_79 = tpu.memref_slice %arg2[%dma_wait3A_77, %dma_wait3A_78] : memref<10240x128xf32, #tpu.memory_space<hbm>> -> memref<10240x128xf32, #tpu.memory_space<hbm>>
      tpu.wait_indirect_dma semaphore(%arg13 : memref<!tpu.dma_semaphore, #tpu.memory_space<semaphore_mem>>) src(%dma_wait3A_79 : memref<10240x128xf32, #tpu.memory_space<hbm>>) dst(%arg10 : memref<128x128xf32, #tpu.memory_space<vmem>>)
      %add3A_80 = arith.constant 1 : i32
      %add3A_81 = arith.addi %mul3A_49, %add3A_80 : i32
      "tpu.region"() ({
        %run_scoped3A = tpu.sem_alloc : memref<!tpu.dma_semaphore, #tpu.memory_space<semaphore_mem>>
        %dma_start3A_82 = arith.constant 0 : i32
        %dma_start3A_83 = tpu.memref_slice %arg8[%add3A_81, %dma_start3A_82] : memref<48x128xi32, #tpu.memory_space<vmem>> -> memref<1x128xi32, #tpu.memory_space<vmem>>
        %dma_start3A_84 = tpu.memref_squeeze %dma_start3A_83 : memref<1x128xi32, #tpu.memory_space<vmem>> -> memref<128xi32, #tpu.memory_space<vmem>>
        %dma_start3A_85 = arith.constant 0 : i32
        %dma_start3A_86 = arith.constant 0 : i32
        %dma_start3A_87 = tpu.memref_slice %arg11[%dma_start3A_85, %dma_start3A_86] : memref<10240x128xf32, #tpu.memory_space<vmem_shared>> -> memref<10240x128xf32, #tpu.memory_space<vmem_shared>>
        tpu.enqueue_indirect_dma source(%arg10 : memref<128x128xf32, #tpu.memory_space<vmem>>) target(%dma_start3A_87 : memref<10240x128xf32, #tpu.memory_space<vmem_shared>>) offsets(%dma_start3A_84 : memref<128xi32, #tpu.memory_space<vmem>>) semaphore(%run_scoped3A : memref<!tpu.dma_semaphore, #tpu.memory_space<semaphore_mem>>) {add = true}
        %dma_wait3A_88 = arith.constant 0 : i32
        %dma_wait3A_89 = tpu.memref_slice %arg8[%add3A_81, %dma_wait3A_88] : memref<48x128xi32, #tpu.memory_space<vmem>> -> memref<1x128xi32, #tpu.memory_space<vmem>>
        %dma_wait3A_90 = tpu.memref_squeeze %dma_wait3A_89 : memref<1x128xi32, #tpu.memory_space<vmem>> -> memref<128xi32, #tpu.memory_space<vmem>>
        %dma_wait3A_91 = arith.constant 0 : i32
        %dma_wait3A_92 = arith.constant 0 : i32
        %dma_wait3A_93 = tpu.memref_slice %arg11[%dma_wait3A_91, %dma_wait3A_92] : memref<10240x128xf32, #tpu.memory_space<vmem_shared>> -> memref<10240x128xf32, #tpu.memory_space<vmem_shared>>
        tpu.wait_indirect_dma semaphore(%run_scoped3A : memref<!tpu.dma_semaphore, #tpu.memory_space<semaphore_mem>>) src(%arg10 : memref<128x128xf32, #tpu.memory_space<vmem>>) dst(%dma_wait3A_93 : memref<10240x128xf32, #tpu.memory_space<vmem_shared>>)
        tpu.yield
      }) : () -> ()
    }
    %scan3A_19 = arith.constant 20 : i32
    %dma_wait3A = arith.constant 40 : i32
    %dma_wait3A_20 = arith.constant 0 : i32
    %dma_wait3A_21 = tpu.memref_slice %arg7[%dma_wait3A, %dma_wait3A_20] : memref<48x128xi32, #tpu.memory_space<vmem>> -> memref<1x128xi32, #tpu.memory_space<vmem>>
    %dma_wait3A_22 = tpu.memref_squeeze %dma_wait3A_21 : memref<1x128xi32, #tpu.memory_space<vmem>> -> memref<128xi32, #tpu.memory_space<vmem>>
    %dma_wait3A_23 = arith.constant 0 : i32
    %dma_wait3A_24 = arith.constant 0 : i32
    %dma_wait3A_25 = tpu.memref_slice %arg2[%dma_wait3A_23, %dma_wait3A_24] : memref<10240x128xf32, #tpu.memory_space<hbm>> -> memref<10240x128xf32, #tpu.memory_space<hbm>>
    tpu.wait_indirect_dma semaphore(%arg12 : memref<!tpu.dma_semaphore, #tpu.memory_space<semaphore_mem>>) src(%dma_wait3A_25 : memref<10240x128xf32, #tpu.memory_space<hbm>>) dst(%arg9 : memref<128x128xf32, #tpu.memory_space<vmem>>)
    "tpu.region"() ({
      %run_scoped3A = tpu.sem_alloc : memref<!tpu.dma_semaphore, #tpu.memory_space<semaphore_mem>>
      %dma_start3A_47 = arith.constant 40 : i32
      %dma_start3A_48 = arith.constant 0 : i32
      %dma_start3A_49 = tpu.memref_slice %arg3[%add3A, %dma_start3A_47, %dma_start3A_48] : memref<32x88x128xi32, #tpu.memory_space<hbm>> -> memref<1x48x128xi32, #tpu.memory_space<hbm>>
      %dma_start3A_50 = tpu.memref_squeeze %dma_start3A_49 : memref<1x48x128xi32, #tpu.memory_space<hbm>> -> memref<48x128xi32, #tpu.memory_space<hbm>>
      %dma_start3A_51 = arith.constant 40 : i32
      %dma_start3A_52 = arith.constant 0 : i32
      %dma_start3A_53 = tpu.memref_slice %arg3[%add3A, %dma_start3A_51, %dma_start3A_52] : memref<32x88x128xi32, #tpu.memory_space<hbm>> -> memref<1x48x128xi32, #tpu.memory_space<hbm>>
      %dma_start3A_54 = tpu.memref_squeeze %dma_start3A_53 : memref<1x48x128xi32, #tpu.memory_space<hbm>> -> memref<48x128xi32, #tpu.memory_space<hbm>>
      tpu.enqueue_dma source(%dma_start3A_54 : memref<48x128xi32, #tpu.memory_space<hbm>>) target(%arg7 : memref<48x128xi32, #tpu.memory_space<vmem>>) target_semaphore(%run_scoped3A : memref<!tpu.dma_semaphore, #tpu.memory_space<semaphore_mem>>)
      %dma_wait3A_55 = arith.constant 40 : i32
      %dma_wait3A_56 = arith.constant 0 : i32
      %dma_wait3A_57 = tpu.memref_slice %arg3[%add3A, %dma_wait3A_55, %dma_wait3A_56] : memref<32x88x128xi32, #tpu.memory_space<hbm>> -> memref<1x48x128xi32, #tpu.memory_space<hbm>>
      %dma_wait3A_58 = tpu.memref_squeeze %dma_wait3A_57 : memref<1x48x128xi32, #tpu.memory_space<hbm>> -> memref<48x128xi32, #tpu.memory_space<hbm>>
      %dma_wait3A_59 = arith.constant 40 : i32
      %dma_wait3A_60 = arith.constant 0 : i32
      %dma_wait3A_61 = tpu.memref_slice %arg3[%add3A, %dma_wait3A_59, %dma_wait3A_60] : memref<32x88x128xi32, #tpu.memory_space<hbm>> -> memref<1x48x128xi32, #tpu.memory_space<hbm>>
      %dma_wait3A_62 = tpu.memref_squeeze %dma_wait3A_61 : memref<1x48x128xi32, #tpu.memory_space<hbm>> -> memref<48x128xi32, #tpu.memory_space<hbm>>
      tpu.wait_dma2 semaphore(%run_scoped3A : memref<!tpu.dma_semaphore, #tpu.memory_space<semaphore_mem>>) src(%dma_wait3A_62 : memref<48x128xi32, #tpu.memory_space<hbm>>) dst(%arg7 : memref<48x128xi32, #tpu.memory_space<vmem>>)
      tpu.yield
    }) : () -> ()
    "tpu.region"() ({
      %run_scoped3A = tpu.sem_alloc : memref<!tpu.dma_semaphore, #tpu.memory_space<semaphore_mem>>
      %dma_start3A_47 = arith.constant 40 : i32
      %dma_start3A_48 = arith.constant 0 : i32
      %dma_start3A_49 = tpu.memref_slice %arg4[%add3A, %dma_start3A_47, %dma_start3A_48] : memref<32x88x128xi32, #tpu.memory_space<hbm>> -> memref<1x48x128xi32, #tpu.memory_space<hbm>>
      %dma_start3A_50 = tpu.memref_squeeze %dma_start3A_49 : memref<1x48x128xi32, #tpu.memory_space<hbm>> -> memref<48x128xi32, #tpu.memory_space<hbm>>
      %dma_start3A_51 = arith.constant 40 : i32
      %dma_start3A_52 = arith.constant 0 : i32
      %dma_start3A_53 = tpu.memref_slice %arg4[%add3A, %dma_start3A_51, %dma_start3A_52] : memref<32x88x128xi32, #tpu.memory_space<hbm>> -> memref<1x48x128xi32, #tpu.memory_space<hbm>>
      %dma_start3A_54 = tpu.memref_squeeze %dma_start3A_53 : memref<1x48x128xi32, #tpu.memory_space<hbm>> -> memref<48x128xi32, #tpu.memory_space<hbm>>
      tpu.enqueue_dma source(%dma_start3A_54 : memref<48x128xi32, #tpu.memory_space<hbm>>) target(%arg8 : memref<48x128xi32, #tpu.memory_space<vmem>>) target_semaphore(%run_scoped3A : memref<!tpu.dma_semaphore, #tpu.memory_space<semaphore_mem>>)
      %dma_wait3A_55 = arith.constant 40 : i32
      %dma_wait3A_56 = arith.constant 0 : i32
      %dma_wait3A_57 = tpu.memref_slice %arg4[%add3A, %dma_wait3A_55, %dma_wait3A_56] : memref<32x88x128xi32, #tpu.memory_space<hbm>> -> memref<1x48x128xi32, #tpu.memory_space<hbm>>
      %dma_wait3A_58 = tpu.memref_squeeze %dma_wait3A_57 : memref<1x48x128xi32, #tpu.memory_space<hbm>> -> memref<48x128xi32, #tpu.memory_space<hbm>>
      %dma_wait3A_59 = arith.constant 40 : i32
      %dma_wait3A_60 = arith.constant 0 : i32
      %dma_wait3A_61 = tpu.memref_slice %arg4[%add3A, %dma_wait3A_59, %dma_wait3A_60] : memref<32x88x128xi32, #tpu.memory_space<hbm>> -> memref<1x48x128xi32, #tpu.memory_space<hbm>>
      %dma_wait3A_62 = tpu.memref_squeeze %dma_wait3A_61 : memref<1x48x128xi32, #tpu.memory_space<hbm>> -> memref<48x128xi32, #tpu.memory_space<hbm>>
      tpu.wait_dma2 semaphore(%run_scoped3A : memref<!tpu.dma_semaphore, #tpu.memory_space<semaphore_mem>>) src(%dma_wait3A_62 : memref<48x128xi32, #tpu.memory_space<hbm>>) dst(%arg8 : memref<48x128xi32, #tpu.memory_space<vmem>>)
      tpu.yield
    }) : () -> ()
    %dma_start3A_26 = arith.constant 0 : i32
    %dma_start3A_27 = arith.constant 0 : i32
    %dma_start3A_28 = tpu.memref_slice %arg7[%dma_start3A_26, %dma_start3A_27] : memref<48x128xi32, #tpu.memory_space<vmem>> -> memref<1x128xi32, #tpu.memory_space<vmem>>
    %dma_start3A_29 = tpu.memref_squeeze %dma_start3A_28 : memref<1x128xi32, #tpu.memory_space<vmem>> -> memref<128xi32, #tpu.memory_space<vmem>>
    %dma_start3A_30 = arith.constant 0 : i32
    %dma_start3A_31 = arith.constant 0 : i32
    %dma_start3A_32 = tpu.memref_slice %arg2[%dma_start3A_30, %dma_start3A_31] : memref<10240x128xf32, #tpu.memory_space<hbm>> -> memref<10240x128xf32, #tpu.memory_space<hbm>>
    tpu.enqueue_indirect_dma source(%dma_start3A_32 : memref<10240x128xf32, #tpu.memory_space<hbm>>) target(%arg9 : memref<128x128xf32, #tpu.memory_space<vmem>>) offsets(%dma_start3A_29 : memref<128xi32, #tpu.memory_space<vmem>>) semaphore(%arg12 : memref<!tpu.dma_semaphore, #tpu.memory_space<semaphore_mem>>)
    %scan3A_33 = arith.constant 0 : i32
    %scan3A_34 = arith.constant 0 : i32
    %scan3A_35 = arith.constant 20 : i32
    %scan3A_36 = arith.addi %scan3A_34, %scan3A_35 : i32
    %scan3A_37 = arith.constant 1 : i32
    scf.for %scan3A_47 = %scan3A_34 to %scan3A_36 step %scan3A_37  : i32 {
      %mul3A_48 = arith.constant 2 : i32
      %mul3A_49 = arith.muli %mul3A_48, %scan3A_47 : i32
      %add3A_50 = arith.constant 1 : i32
      %add3A_51 = arith.addi %mul3A_49, %add3A_50 : i32
      %dma_start3A_52 = arith.constant 0 : i32
      %dma_start3A_53 = tpu.memref_slice %arg7[%add3A_51, %dma_start3A_52] : memref<48x128xi32, #tpu.memory_space<vmem>> -> memref<1x128xi32, #tpu.memory_space<vmem>>
      %dma_start3A_54 = tpu.memref_squeeze %dma_start3A_53 : memref<1x128xi32, #tpu.memory_space<vmem>> -> memref<128xi32, #tpu.memory_space<vmem>>
      %dma_start3A_55 = arith.constant 0 : i32
      %dma_start3A_56 = arith.constant 0 : i32
      %dma_start3A_57 = tpu.memref_slice %arg2[%dma_start3A_55, %dma_start3A_56] : memref<10240x128xf32, #tpu.memory_space<hbm>> -> memref<10240x128xf32, #tpu.memory_space<hbm>>
      tpu.enqueue_indirect_dma source(%dma_start3A_57 : memref<10240x128xf32, #tpu.memory_space<hbm>>) target(%arg10 : memref<128x128xf32, #tpu.memory_space<vmem>>) offsets(%dma_start3A_54 : memref<128xi32, #tpu.memory_space<vmem>>) semaphore(%arg13 : memref<!tpu.dma_semaphore, #tpu.memory_space<semaphore_mem>>)
      %dma_wait3A_58 = arith.constant 0 : i32
      %dma_wait3A_59 = tpu.memref_slice %arg7[%mul3A_49, %dma_wait3A_58] : memref<48x128xi32, #tpu.memory_space<vmem>> -> memref<1x128xi32, #tpu.memory_space<vmem>>
      %dma_wait3A_60 = tpu.memref_squeeze %dma_wait3A_59 : memref<1x128xi32, #tpu.memory_space<vmem>> -> memref<128xi32, #tpu.memory_space<vmem>>
      %dma_wait3A_61 = arith.constant 0 : i32
      %dma_wait3A_62 = arith.constant 0 : i32
      %dma_wait3A_63 = tpu.memref_slice %arg2[%dma_wait3A_61, %dma_wait3A_62] : memref<10240x128xf32, #tpu.memory_space<hbm>> -> memref<10240x128xf32, #tpu.memory_space<hbm>>
      tpu.wait_indirect_dma semaphore(%arg12 : memref<!tpu.dma_semaphore, #tpu.memory_space<semaphore_mem>>) src(%dma_wait3A_63 : memref<10240x128xf32, #tpu.memory_space<hbm>>) dst(%arg9 : memref<128x128xf32, #tpu.memory_space<vmem>>)
      "tpu.region"() ({
        %run_scoped3A = tpu.sem_alloc : memref<!tpu.dma_semaphore, #tpu.memory_space<semaphore_mem>>
        %dma_start3A_82 = arith.constant 0 : i32
        %dma_start3A_83 = tpu.memref_slice %arg8[%mul3A_49, %dma_start3A_82] : memref<48x128xi32, #tpu.memory_space<vmem>> -> memref<1x128xi32, #tpu.memory_space<vmem>>
        %dma_start3A_84 = tpu.memref_squeeze %dma_start3A_83 : memref<1x128xi32, #tpu.memory_space<vmem>> -> memref<128xi32, #tpu.memory_space<vmem>>
        %dma_start3A_85 = arith.constant 0 : i32
        %dma_start3A_86 = arith.constant 0 : i32
        %dma_start3A_87 = tpu.memref_slice %arg11[%dma_start3A_85, %dma_start3A_86] : memref<10240x128xf32, #tpu.memory_space<vmem_shared>> -> memref<10240x128xf32, #tpu.memory_space<vmem_shared>>
        tpu.enqueue_indirect_dma source(%arg9 : memref<128x128xf32, #tpu.memory_space<vmem>>) target(%dma_start3A_87 : memref<10240x128xf32, #tpu.memory_space<vmem_shared>>) offsets(%dma_start3A_84 : memref<128xi32, #tpu.memory_space<vmem>>) semaphore(%run_scoped3A : memref<!tpu.dma_semaphore, #tpu.memory_space<semaphore_mem>>) {add = true}
        %dma_wait3A_88 = arith.constant 0 : i32
        %dma_wait3A_89 = tpu.memref_slice %arg8[%mul3A_49, %dma_wait3A_88] : memref<48x128xi32, #tpu.memory_space<vmem>> -> memref<1x128xi32, #tpu.memory_space<vmem>>
        %dma_wait3A_90 = tpu.memref_squeeze %dma_wait3A_89 : memref<1x128xi32, #tpu.memory_space<vmem>> -> memref<128xi32, #tpu.memory_space<vmem>>
        %dma_wait3A_91 = arith.constant 0 : i32
        %dma_wait3A_92 = arith.constant 0 : i32
        %dma_wait3A_93 = tpu.memref_slice %arg11[%dma_wait3A_91, %dma_wait3A_92] : memref<10240x128xf32, #tpu.memory_space<vmem_shared>> -> memref<10240x128xf32, #tpu.memory_space<vmem_shared>>
        tpu.wait_indirect_dma semaphore(%run_scoped3A : memref<!tpu.dma_semaphore, #tpu.memory_space<semaphore_mem>>) src(%arg9 : memref<128x128xf32, #tpu.memory_space<vmem>>) dst(%dma_wait3A_93 : memref<10240x128xf32, #tpu.memory_space<vmem_shared>>)
        tpu.yield
      }) : () -> ()
      %add3A_64 = arith.constant 2 : i32
      %add3A_65 = arith.addi %mul3A_49, %add3A_64 : i32
      %dma_start3A_66 = arith.constant 0 : i32
      %dma_start3A_67 = tpu.memref_slice %arg7[%add3A_65, %dma_start3A_66] : memref<48x128xi32, #tpu.memory_space<vmem>> -> memref<1x128xi32, #tpu.memory_space<vmem>>
      %dma_start3A_68 = tpu.memref_squeeze %dma_start3A_67 : memref<1x128xi32, #tpu.memory_space<vmem>> -> memref<128xi32, #tpu.memory_space<vmem>>
      %dma_start3A_69 = arith.constant 0 : i32
      %dma_start3A_70 = arith.constant 0 : i32
      %dma_start3A_71 = tpu.memref_slice %arg2[%dma_start3A_69, %dma_start3A_70] : memref<10240x128xf32, #tpu.memory_space<hbm>> -> memref<10240x128xf32, #tpu.memory_space<hbm>>
      tpu.enqueue_indirect_dma source(%dma_start3A_71 : memref<10240x128xf32, #tpu.memory_space<hbm>>) target(%arg9 : memref<128x128xf32, #tpu.memory_space<vmem>>) offsets(%dma_start3A_68 : memref<128xi32, #tpu.memory_space<vmem>>) semaphore(%arg12 : memref<!tpu.dma_semaphore, #tpu.memory_space<semaphore_mem>>)
      %add3A_72 = arith.constant 1 : i32
      %add3A_73 = arith.addi %mul3A_49, %add3A_72 : i32
      %dma_wait3A_74 = arith.constant 0 : i32
      %dma_wait3A_75 = tpu.memref_slice %arg7[%add3A_73, %dma_wait3A_74] : memref<48x128xi32, #tpu.memory_space<vmem>> -> memref<1x128xi32, #tpu.memory_space<vmem>>
      %dma_wait3A_76 = tpu.memref_squeeze %dma_wait3A_75 : memref<1x128xi32, #tpu.memory_space<vmem>> -> memref<128xi32, #tpu.memory_space<vmem>>
      %dma_wait3A_77 = arith.constant 0 : i32
      %dma_wait3A_78 = arith.constant 0 : i32
      %dma_wait3A_79 = tpu.memref_slice %arg2[%dma_wait3A_77, %dma_wait3A_78] : memref<10240x128xf32, #tpu.memory_space<hbm>> -> memref<10240x128xf32, #tpu.memory_space<hbm>>
      tpu.wait_indirect_dma semaphore(%arg13 : memref<!tpu.dma_semaphore, #tpu.memory_space<semaphore_mem>>) src(%dma_wait3A_79 : memref<10240x128xf32, #tpu.memory_space<hbm>>) dst(%arg10 : memref<128x128xf32, #tpu.memory_space<vmem>>)
      %add3A_80 = arith.constant 1 : i32
      %add3A_81 = arith.addi %mul3A_49, %add3A_80 : i32
      "tpu.region"() ({
        %run_scoped3A = tpu.sem_alloc : memref<!tpu.dma_semaphore, #tpu.memory_space<semaphore_mem>>
        %dma_start3A_82 = arith.constant 0 : i32
        %dma_start3A_83 = tpu.memref_slice %arg8[%add3A_81, %dma_start3A_82] : memref<48x128xi32, #tpu.memory_space<vmem>> -> memref<1x128xi32, #tpu.memory_space<vmem>>
        %dma_start3A_84 = tpu.memref_squeeze %dma_start3A_83 : memref<1x128xi32, #tpu.memory_space<vmem>> -> memref<128xi32, #tpu.memory_space<vmem>>
        %dma_start3A_85 = arith.constant 0 : i32
        %dma_start3A_86 = arith.constant 0 : i32
        %dma_start3A_87 = tpu.memref_slice %arg11[%dma_start3A_85, %dma_start3A_86] : memref<10240x128xf32, #tpu.memory_space<vmem_shared>> -> memref<10240x128xf32, #tpu.memory_space<vmem_shared>>
        tpu.enqueue_indirect_dma source(%arg10 : memref<128x128xf32, #tpu.memory_space<vmem>>) target(%dma_start3A_87 : memref<10240x128xf32, #tpu.memory_space<vmem_shared>>) offsets(%dma_start3A_84 : memref<128xi32, #tpu.memory_space<vmem>>) semaphore(%run_scoped3A : memref<!tpu.dma_semaphore, #tpu.memory_space<semaphore_mem>>) {add = true}
        %dma_wait3A_88 = arith.constant 0 : i32
        %dma_wait3A_89 = tpu.memref_slice %arg8[%add3A_81, %dma_wait3A_88] : memref<48x128xi32, #tpu.memory_space<vmem>> -> memref<1x128xi32, #tpu.memory_space<vmem>>
        %dma_wait3A_90 = tpu.memref_squeeze %dma_wait3A_89 : memref<1x128xi32, #tpu.memory_space<vmem>> -> memref<128xi32, #tpu.memory_space<vmem>>
        %dma_wait3A_91 = arith.constant 0 : i32
        %dma_wait3A_92 = arith.constant 0 : i32
        %dma_wait3A_93 = tpu.memref_slice %arg11[%dma_wait3A_91, %dma_wait3A_92] : memref<10240x128xf32, #tpu.memory_space<vmem_shared>> -> memref<10240x128xf32, #tpu.memory_space<vmem_shared>>
        tpu.wait_indirect_dma semaphore(%run_scoped3A : memref<!tpu.dma_semaphore, #tpu.memory_space<semaphore_mem>>) src(%arg10 : memref<128x128xf32, #tpu.memory_space<vmem>>) dst(%dma_wait3A_93 : memref<10240x128xf32, #tpu.memory_space<vmem_shared>>)
        tpu.yield
      }) : () -> ()
    }
    %scan3A_38 = arith.constant 20 : i32
    %dma_wait3A_39 = arith.constant 40 : i32
    %dma_wait3A_40 = arith.constant 0 : i32
    %dma_wait3A_41 = tpu.memref_slice %arg7[%dma_wait3A_39, %dma_wait3A_40] : memref<48x128xi32, #tpu.memory_space<vmem>> -> memref<1x128xi32, #tpu.memory_space<vmem>>
    %dma_wait3A_42 = tpu.memref_squeeze %dma_wait3A_41 : memref<1x128xi32, #tpu.memory_space<vmem>> -> memref<128xi32, #tpu.memory_space<vmem>>
    %dma_wait3A_43 = arith.constant 0 : i32
    %dma_wait3A_44 = arith.constant 0 : i32
    %dma_wait3A_45 = tpu.memref_slice %arg2[%dma_wait3A_43, %dma_wait3A_44] : memref<10240x128xf32, #tpu.memory_space<hbm>> -> memref<10240x128xf32, #tpu.memory_space<hbm>>
    tpu.wait_indirect_dma semaphore(%arg12 : memref<!tpu.dma_semaphore, #tpu.memory_space<semaphore_mem>>) src(%dma_wait3A_45 : memref<10240x128xf32, #tpu.memory_space<hbm>>) dst(%arg9 : memref<128x128xf32, #tpu.memory_space<vmem>>)
    %barrier3A_46 = arith.constant 0 : index
    tpu.barrier barrier_id(%barrier3A_46)
    "tpu.region"() ({
      %run_scoped3A = tpu.sem_alloc : memref<!tpu.dma_semaphore, #tpu.memory_space<semaphore_mem>>
      %dma_start3A_47 = arith.constant 0 : i32
      %dma_start3A_48 = tpu.memref_slice %arg6[%arg0, %mul3A_2, %dma_start3A_47] : memref<2x10240x128xf32, #tpu.memory_space<hbm>> -> memref<1x640x128xf32, #tpu.memory_space<hbm>>
      %dma_start3A_49 = tpu.memref_squeeze %dma_start3A_48 : memref<1x640x128xf32, #tpu.memory_space<hbm>> -> memref<640x128xf32, #tpu.memory_space<hbm>>
      %dma_start3A_50 = arith.constant 0 : i32
      %dma_start3A_51 = tpu.memref_slice %arg11[%mul3A_2, %dma_start3A_50] : memref<10240x128xf32, #tpu.memory_space<vmem_shared>> -> memref<640x128xf32, #tpu.memory_space<vmem_shared>>
      tpu.enqueue_dma source(%dma_start3A_51 : memref<640x128xf32, #tpu.memory_space<vmem_shared>>) target(%dma_start3A_49 : memref<640x128xf32, #tpu.memory_space<hbm>>) target_semaphore(%run_scoped3A : memref<!tpu.dma_semaphore, #tpu.memory_space<semaphore_mem>>)
      %dma_wait3A_52 = arith.constant 0 : i32
      %dma_wait3A_53 = tpu.memref_slice %arg6[%arg0, %mul3A_2, %dma_wait3A_52] : memref<2x10240x128xf32, #tpu.memory_space<hbm>> -> memref<1x640x128xf32, #tpu.memory_space<hbm>>
      %dma_wait3A_54 = tpu.memref_squeeze %dma_wait3A_53 : memref<1x640x128xf32, #tpu.memory_space<hbm>> -> memref<640x128xf32, #tpu.memory_space<hbm>>
      %dma_wait3A_55 = arith.constant 0 : i32
      %dma_wait3A_56 = tpu.memref_slice %arg11[%mul3A_2, %dma_wait3A_55] : memref<10240x128xf32, #tpu.memory_space<vmem_shared>> -> memref<640x128xf32, #tpu.memory_space<vmem_shared>>
      tpu.wait_dma2 semaphore(%run_scoped3A : memref<!tpu.dma_semaphore, #tpu.memory_space<semaphore_mem>>) src(%dma_wait3A_56 : memref<640x128xf32, #tpu.memory_space<vmem_shared>>) dst(%dma_wait3A_54 : memref<640x128xf32, #tpu.memory_space<hbm>>)
      tpu.yield
    }) : () -> ()
    return
  }
}

module attributes {stable_mosaic.version = 14 : i64} {
  func.func @_prep_body(%arg0: i32, %arg1: memref<2560x128xf32, #tpu.memory_space<vmem>>, %arg2: memref<128x128xf32, #tpu.memory_space<vmem>>, %arg3: memref<2560x128xf32, #tpu.memory_space<vmem>>, %arg4: memref<2560x128xf32, #tpu.memory_space<vmem>>, %arg5: memref<2560x128xf32, #tpu.memory_space<vmem>>, %arg6: memref<2560x128xf32, #tpu.memory_space<vmem>>) attributes {dimension_semantics = [#tpu.dimension_semantics<arbitrary>], iteration_bounds = array<i64: 4>, scalar_prefetch = 0 : i64, scratch_operands = 0 : i64, tpu.core_type = #tpu.core_type<tc>, window_params = [{transform_indices = @transform_0, window_bounds = array<i64: 2560, 128>}, {pipeline_mode = #tpu.pipeline_mode<synchronous>, transform_indices = @transform_1, window_bounds = array<i64: 128, 128>}, {transform_indices = @transform_2, window_bounds = array<i64: 2560, 128>}, {transform_indices = @transform_3, window_bounds = array<i64: 2560, 128>}, {transform_indices = @transform_4, window_bounds = array<i64: 2560, 128>}, {transform_indices = @transform_5, window_bounds = array<i64: 2560, 128>}]} {
    %get3A = arith.constant 0 : index
    %get3A_0 = arith.constant 0 : index
    %get3A_1 = vector.load %arg3[%get3A, %get3A_0] : memref<2560x128xf32, #tpu.memory_space<vmem>>, vector<2560x1xf32>
    %get3A_2 = arith.constant 0 : index
    %get3A_3 = arith.constant 0 : index
    %get3A_4 = vector.load %arg4[%get3A_2, %get3A_3] : memref<2560x128xf32, #tpu.memory_space<vmem>>, vector<2560x1xf32>
    %add3A = arith.addf %get3A_1, %get3A_4 : vector<2560x1xf32>
    %add3A_5 = arith.constant 1.000000e+00 : f32
    %add3A_6 = vector.broadcast %add3A_5 : f32 to vector<2560x1xf32>
    %add3A_7 = arith.addf %add3A, %add3A_6 : vector<2560x1xf32>
    %rsqrt3A = math.rsqrt %add3A_7 : vector<2560x1xf32>
    %broadcast_in_dim3A = vector.shape_cast %rsqrt3A : vector<2560x1xf32> to vector<2560x1xf32>
    %broadcast_in_dim3A_8 = vector.broadcast %broadcast_in_dim3A : vector<2560x1xf32> to vector<2560x128xf32>
    %get3A_9 = arith.constant 0 : index
    %get3A_10 = arith.constant 0 : index
    %get3A_11 = vector.load %arg1[%get3A_9, %get3A_10] : memref<2560x128xf32, #tpu.memory_space<vmem>>, vector<2560x128xf32>
    %get3A_12 = arith.constant 0 : index
    %get3A_13 = arith.constant 0 : index
    %get3A_14 = vector.load %arg2[%get3A_12, %get3A_13] : memref<128x128xf32, #tpu.memory_space<vmem>>, vector<128x128xf32>
    %dot_general3A = arith.constant dense<0.000000e+00> : vector<2560x128xf32>
    %dot_general3A_15 = tpu.matmul %get3A_11, %get3A_14, %dot_general3A {dimension_numbers = #tpu.dot_dimension_numbers<[1], [0], [0], [1], [0, 0, 1, 1], [], []>, transpose_lhs_hint = false} : vector<2560x128xf32>, vector<128x128xf32>, vector<2560x128xf32> -> vector<2560x128xf32>
    %mul3A = arith.mulf %broadcast_in_dim3A_8, %dot_general3A_15 : vector<2560x128xf32>
    %swap3A = arith.constant 0 : index
    %swap3A_16 = arith.constant 0 : index
    %swap3A_17 = vector.load %arg5[%swap3A, %swap3A_16] : memref<2560x128xf32, #tpu.memory_space<vmem>>, vector<2560x128xf32>
    tpu.vector_store %arg5[%swap3A, %swap3A_16], %mul3A {strides = array<i32>} : memref<2560x128xf32, #tpu.memory_space<vmem>>, vector<2560x128xf32>,
    %swap3A_18 = arith.constant 0 : index
    %swap3A_19 = arith.constant 0 : index
    %swap3A_20 = vector.load %arg6[%swap3A_18, %swap3A_19] : memref<2560x128xf32, #tpu.memory_space<vmem>>, vector<2560x128xf32>
    tpu.vector_store %arg6[%swap3A_18, %swap3A_19], %broadcast_in_dim3A_8 {strides = array<i32>} : memref<2560x128xf32, #tpu.memory_space<vmem>>, vector<2560x128xf32>,
    return
  }
  func.func @transform_0(%arg0: i32) -> (i32, i32) {
    %c0_i32 = arith.constant 0 : i32
    %c0_i32_0 = arith.constant 0 : i32
    return %arg0, %c0_i32 : i32, i32
  }
  func.func @transform_1(%arg0: i32) -> (i32, i32) {
    %c0_i32 = arith.constant 0 : i32
    %c0_i32_0 = arith.constant 0 : i32
    %c0_i32_1 = arith.constant 0 : i32
    return %c0_i32, %c0_i32_0 : i32, i32
  }
  func.func @transform_2(%arg0: i32) -> (i32, i32) {
    %c0_i32 = arith.constant 0 : i32
    %c0_i32_0 = arith.constant 0 : i32
    return %arg0, %c0_i32 : i32, i32
  }
  func.func @transform_3(%arg0: i32) -> (i32, i32) {
    %c0_i32 = arith.constant 0 : i32
    %c0_i32_0 = arith.constant 0 : i32
    return %arg0, %c0_i32 : i32, i32
  }
  func.func @transform_4(%arg0: i32) -> (i32, i32) {
    %c0_i32 = arith.constant 0 : i32
    %c0_i32_0 = arith.constant 0 : i32
    return %arg0, %c0_i32 : i32, i32
  }
  func.func @transform_5(%arg0: i32) -> (i32, i32) {
    %c0_i32 = arith.constant 0 : i32
    %c0_i32_0 = arith.constant 0 : i32
    return %arg0, %c0_i32 : i32, i32
  }
}

module attributes {stable_mosaic.version = 14 : i64} {
  func.func @_layer_body(%arg0: i32, %arg1: memref<2560x128xf32, #tpu.memory_space<vmem>>, %arg2: memref<2560x128xf32, #tpu.memory_space<vmem>>, %arg3: memref<2560x128xf32, #tpu.memory_space<vmem>>, %arg4: memref<128x128xf32, #tpu.memory_space<vmem>>, %arg5: memref<1x128xf32, #tpu.memory_space<vmem>>, %arg6: memref<1x128xf32, #tpu.memory_space<vmem>>, %arg7: memref<1x128xf32, #tpu.memory_space<vmem>>, %arg8: memref<2560x128xf32, #tpu.memory_space<vmem>>) attributes {dimension_semantics = [#tpu.dimension_semantics<arbitrary>], iteration_bounds = array<i64: 4>, scalar_prefetch = 0 : i64, scratch_operands = 0 : i64, tpu.core_type = #tpu.core_type<tc>, window_params = [{transform_indices = @transform_0, window_bounds = array<i64: 2560, 128>}, {transform_indices = @transform_1, window_bounds = array<i64: 2560, 128>}, {transform_indices = @transform_2, window_bounds = array<i64: 2560, 128>}, {pipeline_mode = #tpu.pipeline_mode<synchronous>, transform_indices = @transform_3, window_bounds = array<i64: 128, 128>}, {pipeline_mode = #tpu.pipeline_mode<synchronous>, transform_indices = @transform_4, window_bounds = array<i64: 1, 128>}, {pipeline_mode = #tpu.pipeline_mode<synchronous>, transform_indices = @transform_5, window_bounds = array<i64: 1, 128>}, {pipeline_mode = #tpu.pipeline_mode<synchronous>, transform_indices = @transform_6, window_bounds = array<i64: 1, 128>}, {transform_indices = @transform_7, window_bounds = array<i64: 2560, 128>}]} {
    %get3A = arith.constant 0 : index
    %get3A_0 = arith.constant 0 : index
    %get3A_1 = vector.load %arg3[%get3A, %get3A_0] : memref<2560x128xf32, #tpu.memory_space<vmem>>, vector<2560x128xf32>
    %get3A_2 = arith.constant 0 : index
    %get3A_3 = arith.constant 0 : index
    %get3A_4 = vector.load %arg1[%get3A_2, %get3A_3] : memref<2560x128xf32, #tpu.memory_space<vmem>>, vector<2560x128xf32>
    %get3A_5 = arith.constant 0 : index
    %get3A_6 = arith.constant 0 : index
    %get3A_7 = vector.load %arg2[%get3A_5, %get3A_6] : memref<2560x128xf32, #tpu.memory_space<vmem>>, vector<2560x128xf32>
    %add3A = arith.addf %get3A_4, %get3A_7 : vector<2560x128xf32>
    %mul3A = arith.mulf %get3A_1, %add3A : vector<2560x128xf32>
    %get3A_8 = arith.constant 0 : index
    %get3A_9 = arith.constant 0 : index
    %get3A_10 = vector.load %arg5[%get3A_8, %get3A_9] : memref<1x128xf32, #tpu.memory_space<vmem>>, vector<1x128xf32>
    %add3A_11 = vector.broadcast %get3A_10 : vector<1x128xf32> to vector<2560x128xf32>
    %add3A_12 = arith.addf %mul3A, %add3A_11 : vector<2560x128xf32>
    %max3A = arith.constant 0.000000e+00 : f32
    %max3A_13 = vector.broadcast %max3A : f32 to vector<2560x128xf32>
    %max3A_14 = arith.maximumf %add3A_12, %max3A_13 : vector<2560x128xf32>
    %get3A_15 = arith.constant 0 : index
    %get3A_16 = arith.constant 0 : index
    %get3A_17 = vector.load %arg6[%get3A_15, %get3A_16] : memref<1x128xf32, #tpu.memory_space<vmem>>, vector<1x128xf32>
    %mul3A_18 = arith.constant 0.999994993 : f32
    %mul3A_19 = vector.broadcast %mul3A_18 : f32 to vector<1x128xf32>
    %mul3A_20 = arith.mulf %get3A_17, %mul3A_19 : vector<1x128xf32>
    %mul3A_21 = vector.broadcast %mul3A_20 : vector<1x128xf32> to vector<2560x128xf32>
    %mul3A_22 = arith.mulf %max3A_14, %mul3A_21 : vector<2560x128xf32>
    %get3A_23 = arith.constant 0 : index
    %get3A_24 = arith.constant 0 : index
    %get3A_25 = vector.load %arg7[%get3A_23, %get3A_24] : memref<1x128xf32, #tpu.memory_space<vmem>>, vector<1x128xf32>
    %add3A_26 = vector.broadcast %get3A_25 : vector<1x128xf32> to vector<2560x128xf32>
    %add3A_27 = arith.addf %mul3A_22, %add3A_26 : vector<2560x128xf32>
    %get3A_28 = arith.constant 0 : index
    %get3A_29 = arith.constant 0 : index
    %get3A_30 = vector.load %arg4[%get3A_28, %get3A_29] : memref<128x128xf32, #tpu.memory_space<vmem>>, vector<128x128xf32>
    %dot_general3A = arith.constant dense<0.000000e+00> : vector<2560x128xf32>
    %dot_general3A_31 = tpu.matmul %add3A_27, %get3A_30, %dot_general3A {dimension_numbers = #tpu.dot_dimension_numbers<[1], [0], [0], [1], [0, 0, 1, 1], [], []>, transpose_lhs_hint = false} : vector<2560x128xf32>, vector<128x128xf32>, vector<2560x128xf32> -> vector<2560x128xf32>
    %mul3A_32 = arith.mulf %get3A_1, %dot_general3A_31 : vector<2560x128xf32>
    %swap3A = arith.constant 0 : index
    %swap3A_33 = arith.constant 0 : index
    %swap3A_34 = vector.load %arg8[%swap3A, %swap3A_33] : memref<2560x128xf32, #tpu.memory_space<vmem>>, vector<2560x128xf32>
    tpu.vector_store %arg8[%swap3A, %swap3A_33], %mul3A_32 {strides = array<i32>} : memref<2560x128xf32, #tpu.memory_space<vmem>>, vector<2560x128xf32>,
    return
  }
  func.func @transform_0(%arg0: i32) -> (i32, i32) {
    %c0_i32 = arith.constant 0 : i32
    %c0_i32_0 = arith.constant 0 : i32
    return %arg0, %c0_i32 : i32, i32
  }
  func.func @transform_1(%arg0: i32) -> (i32, i32) {
    %c0_i32 = arith.constant 0 : i32
    %c0_i32_0 = arith.constant 0 : i32
    return %arg0, %c0_i32 : i32, i32
  }
  func.func @transform_2(%arg0: i32) -> (i32, i32) {
    %c0_i32 = arith.constant 0 : i32
    %c0_i32_0 = arith.constant 0 : i32
    return %arg0, %c0_i32 : i32, i32
  }
  func.func @transform_3(%arg0: i32) -> (i32, i32) {
    %c0_i32 = arith.constant 0 : i32
    %c0_i32_0 = arith.constant 0 : i32
    %c0_i32_1 = arith.constant 0 : i32
    return %c0_i32, %c0_i32_0 : i32, i32
  }
  func.func @transform_4(%arg0: i32) -> (i32, i32) {
    %c0_i32 = arith.constant 0 : i32
    %c0_i32_0 = arith.constant 0 : i32
    %c0_i32_1 = arith.constant 0 : i32
    return %c0_i32, %c0_i32_0 : i32, i32
  }
  func.func @transform_5(%arg0: i32) -> (i32, i32) {
    %c0_i32 = arith.constant 0 : i32
    %c0_i32_0 = arith.constant 0 : i32
    %c0_i32_1 = arith.constant 0 : i32
    return %c0_i32, %c0_i32_0 : i32, i32
  }
  func.func @transform_6(%arg0: i32) -> (i32, i32) {
    %c0_i32 = arith.constant 0 : i32
    %c0_i32_0 = arith.constant 0 : i32
    %c0_i32_1 = arith.constant 0 : i32
    return %c0_i32, %c0_i32_0 : i32, i32
  }
  func.func @transform_7(%arg0: i32) -> (i32, i32) {
    %c0_i32 = arith.constant 0 : i32
    %c0_i32_0 = arith.constant 0 : i32
    return %arg0, %c0_i32 : i32, i32
  }
}

module attributes {stable_mosaic.version = 14 : i64} {
  func.func @_layer_body(%arg0: i32, %arg1: memref<2560x128xf32, #tpu.memory_space<vmem>>, %arg2: memref<2560x128xf32, #tpu.memory_space<vmem>>, %arg3: memref<2560x128xf32, #tpu.memory_space<vmem>>, %arg4: memref<128x128xf32, #tpu.memory_space<vmem>>, %arg5: memref<1x128xf32, #tpu.memory_space<vmem>>, %arg6: memref<1x128xf32, #tpu.memory_space<vmem>>, %arg7: memref<1x128xf32, #tpu.memory_space<vmem>>, %arg8: memref<2560x128xf32, #tpu.memory_space<vmem>>) attributes {dimension_semantics = [#tpu.dimension_semantics<arbitrary>], iteration_bounds = array<i64: 4>, scalar_prefetch = 0 : i64, scratch_operands = 0 : i64, tpu.core_type = #tpu.core_type<tc>, window_params = [{transform_indices = @transform_0, window_bounds = array<i64: 2560, 128>}, {transform_indices = @transform_1, window_bounds = array<i64: 2560, 128>}, {transform_indices = @transform_2, window_bounds = array<i64: 2560, 128>}, {pipeline_mode = #tpu.pipeline_mode<synchronous>, transform_indices = @transform_3, window_bounds = array<i64: 128, 128>}, {pipeline_mode = #tpu.pipeline_mode<synchronous>, transform_indices = @transform_4, window_bounds = array<i64: 1, 128>}, {pipeline_mode = #tpu.pipeline_mode<synchronous>, transform_indices = @transform_5, window_bounds = array<i64: 1, 128>}, {pipeline_mode = #tpu.pipeline_mode<synchronous>, transform_indices = @transform_6, window_bounds = array<i64: 1, 128>}, {transform_indices = @transform_7, window_bounds = array<i64: 2560, 128>}]} {
    %get3A = arith.constant 0 : index
    %get3A_0 = arith.constant 0 : index
    %get3A_1 = vector.load %arg3[%get3A, %get3A_0] : memref<2560x128xf32, #tpu.memory_space<vmem>>, vector<2560x128xf32>
    %get3A_2 = arith.constant 0 : index
    %get3A_3 = arith.constant 0 : index
    %get3A_4 = vector.load %arg1[%get3A_2, %get3A_3] : memref<2560x128xf32, #tpu.memory_space<vmem>>, vector<2560x128xf32>
    %get3A_5 = arith.constant 0 : index
    %get3A_6 = arith.constant 0 : index
    %get3A_7 = vector.load %arg2[%get3A_5, %get3A_6] : memref<2560x128xf32, #tpu.memory_space<vmem>>, vector<2560x128xf32>
    %add3A = arith.addf %get3A_4, %get3A_7 : vector<2560x128xf32>
    %mul3A = arith.mulf %get3A_1, %add3A : vector<2560x128xf32>
    %get3A_8 = arith.constant 0 : index
    %get3A_9 = arith.constant 0 : index
    %get3A_10 = vector.load %arg5[%get3A_8, %get3A_9] : memref<1x128xf32, #tpu.memory_space<vmem>>, vector<1x128xf32>
    %add3A_11 = vector.broadcast %get3A_10 : vector<1x128xf32> to vector<2560x128xf32>
    %add3A_12 = arith.addf %mul3A, %add3A_11 : vector<2560x128xf32>
    %get3A_13 = arith.constant 0 : index
    %get3A_14 = arith.constant 0 : index
    %get3A_15 = vector.load %arg4[%get3A_13, %get3A_14] : memref<128x128xf32, #tpu.memory_space<vmem>>, vector<128x128xf32>
    %dot_general3A = arith.constant dense<0.000000e+00> : vector<2560x128xf32>
    %dot_general3A_16 = tpu.matmul %add3A_12, %get3A_15, %dot_general3A {dimension_numbers = #tpu.dot_dimension_numbers<[1], [0], [0], [1], [0, 0, 1, 1], [], []>, transpose_lhs_hint = false} : vector<2560x128xf32>, vector<128x128xf32>, vector<2560x128xf32> -> vector<2560x128xf32>
    %mul3A_17 = arith.mulf %get3A_1, %dot_general3A_16 : vector<2560x128xf32>
    %swap3A = arith.constant 0 : index
    %swap3A_18 = arith.constant 0 : index
    %swap3A_19 = vector.load %arg8[%swap3A, %swap3A_18] : memref<2560x128xf32, #tpu.memory_space<vmem>>, vector<2560x128xf32>
    tpu.vector_store %arg8[%swap3A, %swap3A_18], %mul3A_17 {strides = array<i32>} : memref<2560x128xf32, #tpu.memory_space<vmem>>, vector<2560x128xf32>,
    return
  }
  func.func @transform_0(%arg0: i32) -> (i32, i32) {
    %c0_i32 = arith.constant 0 : i32
    %c0_i32_0 = arith.constant 0 : i32
    return %arg0, %c0_i32 : i32, i32
  }
  func.func @transform_1(%arg0: i32) -> (i32, i32) {
    %c0_i32 = arith.constant 0 : i32
    %c0_i32_0 = arith.constant 0 : i32
    return %arg0, %c0_i32 : i32, i32
  }
  func.func @transform_2(%arg0: i32) -> (i32, i32) {
    %c0_i32 = arith.constant 0 : i32
    %c0_i32_0 = arith.constant 0 : i32
    return %arg0, %c0_i32 : i32, i32
  }
  func.func @transform_3(%arg0: i32) -> (i32, i32) {
    %c0_i32 = arith.constant 0 : i32
    %c0_i32_0 = arith.constant 0 : i32
    %c0_i32_1 = arith.constant 0 : i32
    return %c0_i32, %c0_i32_0 : i32, i32
  }
  func.func @transform_4(%arg0: i32) -> (i32, i32) {
    %c0_i32 = arith.constant 0 : i32
    %c0_i32_0 = arith.constant 0 : i32
    %c0_i32_1 = arith.constant 0 : i32
    return %c0_i32, %c0_i32_0 : i32, i32
  }
  func.func @transform_5(%arg0: i32) -> (i32, i32) {
    %c0_i32 = arith.constant 0 : i32
    %c0_i32_0 = arith.constant 0 : i32
    %c0_i32_1 = arith.constant 0 : i32
    return %c0_i32, %c0_i32_0 : i32, i32
  }
  func.func @transform_6(%arg0: i32) -> (i32, i32) {
    %c0_i32 = arith.constant 0 : i32
    %c0_i32_0 = arith.constant 0 : i32
    %c0_i32_1 = arith.constant 0 : i32
    return %c0_i32, %c0_i32_0 : i32, i32
  }
  func.func @transform_7(%arg0: i32) -> (i32, i32) {
    %c0_i32 = arith.constant 0 : i32
    %c0_i32_0 = arith.constant 0 : i32
    return %arg0, %c0_i32 : i32, i32
  }
}

module attributes {stable_mosaic.version = 14 : i64} {
  func.func @_final_body(%arg0: i32, %arg1: memref<2560x128xf32, #tpu.memory_space<vmem>>, %arg2: memref<2560x128xf32, #tpu.memory_space<vmem>>, %arg3: memref<2560x128xf32, #tpu.memory_space<vmem>>, %arg4: memref<1x128xf32, #tpu.memory_space<vmem>>, %arg5: memref<1x128xf32, #tpu.memory_space<vmem>>, %arg6: memref<1x128xf32, #tpu.memory_space<vmem>>, %arg7: memref<2560x128xf32, #tpu.memory_space<vmem>>) attributes {dimension_semantics = [#tpu.dimension_semantics<arbitrary>], iteration_bounds = array<i64: 4>, scalar_prefetch = 0 : i64, scratch_operands = 0 : i64, tpu.core_type = #tpu.core_type<tc>, window_params = [{transform_indices = @transform_0, window_bounds = array<i64: 2560, 128>}, {transform_indices = @transform_1, window_bounds = array<i64: 2560, 128>}, {transform_indices = @transform_2, window_bounds = array<i64: 2560, 128>}, {pipeline_mode = #tpu.pipeline_mode<synchronous>, transform_indices = @transform_3, window_bounds = array<i64: 1, 128>}, {pipeline_mode = #tpu.pipeline_mode<synchronous>, transform_indices = @transform_4, window_bounds = array<i64: 1, 128>}, {pipeline_mode = #tpu.pipeline_mode<synchronous>, transform_indices = @transform_5, window_bounds = array<i64: 1, 128>}, {transform_indices = @transform_6, window_bounds = array<i64: 2560, 128>}]} {
    %get3A = arith.constant 0 : index
    %get3A_0 = arith.constant 0 : index
    %get3A_1 = vector.load %arg3[%get3A, %get3A_0] : memref<2560x128xf32, #tpu.memory_space<vmem>>, vector<2560x128xf32>
    %get3A_2 = arith.constant 0 : index
    %get3A_3 = arith.constant 0 : index
    %get3A_4 = vector.load %arg1[%get3A_2, %get3A_3] : memref<2560x128xf32, #tpu.memory_space<vmem>>, vector<2560x128xf32>
    %get3A_5 = arith.constant 0 : index
    %get3A_6 = arith.constant 0 : index
    %get3A_7 = vector.load %arg2[%get3A_5, %get3A_6] : memref<2560x128xf32, #tpu.memory_space<vmem>>, vector<2560x128xf32>
    %add3A = arith.addf %get3A_4, %get3A_7 : vector<2560x128xf32>
    %mul3A = arith.mulf %get3A_1, %add3A : vector<2560x128xf32>
    %get3A_8 = arith.constant 0 : index
    %get3A_9 = arith.constant 0 : index
    %get3A_10 = vector.load %arg4[%get3A_8, %get3A_9] : memref<1x128xf32, #tpu.memory_space<vmem>>, vector<1x128xf32>
    %add3A_11 = vector.broadcast %get3A_10 : vector<1x128xf32> to vector<2560x128xf32>
    %add3A_12 = arith.addf %mul3A, %add3A_11 : vector<2560x128xf32>
    %max3A = arith.constant 0.000000e+00 : f32
    %max3A_13 = vector.broadcast %max3A : f32 to vector<2560x128xf32>
    %max3A_14 = arith.maximumf %add3A_12, %max3A_13 : vector<2560x128xf32>
    %get3A_15 = arith.constant 0 : index
    %get3A_16 = arith.constant 0 : index
    %get3A_17 = vector.load %arg5[%get3A_15, %get3A_16] : memref<1x128xf32, #tpu.memory_space<vmem>>, vector<1x128xf32>
    %mul3A_18 = arith.constant 0.999994993 : f32
    %mul3A_19 = vector.broadcast %mul3A_18 : f32 to vector<1x128xf32>
    %mul3A_20 = arith.mulf %get3A_17, %mul3A_19 : vector<1x128xf32>
    %mul3A_21 = vector.broadcast %mul3A_20 : vector<1x128xf32> to vector<2560x128xf32>
    %mul3A_22 = arith.mulf %max3A_14, %mul3A_21 : vector<2560x128xf32>
    %get3A_23 = arith.constant 0 : index
    %get3A_24 = arith.constant 0 : index
    %get3A_25 = vector.load %arg6[%get3A_23, %get3A_24] : memref<1x128xf32, #tpu.memory_space<vmem>>, vector<1x128xf32>
    %add3A_26 = vector.broadcast %get3A_25 : vector<1x128xf32> to vector<2560x128xf32>
    %add3A_27 = arith.addf %mul3A_22, %add3A_26 : vector<2560x128xf32>
    %reduce_max3A = arith.constant dense<0xFF800000> : vector<2560xf32>
    %reduce_max3A_28 = vector.multi_reduction <maximumf>, %add3A_27, %reduce_max3A [1] : vector<2560x128xf32> to vector<2560xf32>
    %broadcast_in_dim3A = vector.shape_cast %reduce_max3A_28 : vector<2560xf32> to vector<2560x1xf32>
    %sub3A = vector.broadcast %broadcast_in_dim3A : vector<2560x1xf32> to vector<2560x128xf32>
    %sub3A_29 = arith.subf %add3A_27, %sub3A : vector<2560x128xf32>
    %exp3A = math.exp %sub3A_29 : vector<2560x128xf32>
    %reduce_sum3A = arith.constant dense<0.000000e+00> : vector<2560xf32>
    %reduce_sum3A_30 = vector.multi_reduction <add>, %exp3A, %reduce_sum3A [1] : vector<2560x128xf32> to vector<2560xf32>
    %broadcast_in_dim3A_31 = vector.shape_cast %reduce_sum3A_30 : vector<2560xf32> to vector<2560x1xf32>
    %log3A = math.log %broadcast_in_dim3A_31 : vector<2560x1xf32>
    %add3A_32 = arith.addf %broadcast_in_dim3A, %log3A : vector<2560x1xf32>
    %sub3A_33 = vector.broadcast %add3A_32 : vector<2560x1xf32> to vector<2560x128xf32>
    %sub3A_34 = arith.subf %add3A_27, %sub3A_33 : vector<2560x128xf32>
    %swap3A = arith.constant 0 : index
    %swap3A_35 = arith.constant 0 : index
    %swap3A_36 = vector.load %arg7[%swap3A, %swap3A_35] : memref<2560x128xf32, #tpu.memory_space<vmem>>, vector<2560x128xf32>
    tpu.vector_store %arg7[%swap3A, %swap3A_35], %sub3A_34 {strides = array<i32>} : memref<2560x128xf32, #tpu.memory_space<vmem>>, vector<2560x128xf32>,
    return
  }
  func.func @transform_0(%arg0: i32) -> (i32, i32) {
    %c0_i32 = arith.constant 0 : i32
    %c0_i32_0 = arith.constant 0 : i32
    return %arg0, %c0_i32 : i32, i32
  }
  func.func @transform_1(%arg0: i32) -> (i32, i32) {
    %c0_i32 = arith.constant 0 : i32
    %c0_i32_0 = arith.constant 0 : i32
    return %arg0, %c0_i32 : i32, i32
  }
  func.func @transform_2(%arg0: i32) -> (i32, i32) {
    %c0_i32 = arith.constant 0 : i32
    %c0_i32_0 = arith.constant 0 : i32
    return %arg0, %c0_i32 : i32, i32
  }
  func.func @transform_3(%arg0: i32) -> (i32, i32) {
    %c0_i32 = arith.constant 0 : i32
    %c0_i32_0 = arith.constant 0 : i32
    %c0_i32_1 = arith.constant 0 : i32
    return %c0_i32, %c0_i32_0 : i32, i32
  }
  func.func @transform_4(%arg0: i32) -> (i32, i32) {
    %c0_i32 = arith.constant 0 : i32
    %c0_i32_0 = arith.constant 0 : i32
    %c0_i32_1 = arith.constant 0 : i32
    return %c0_i32, %c0_i32_0 : i32, i32
  }
  func.func @transform_5(%arg0: i32) -> (i32, i32) {
    %c0_i32 = arith.constant 0 : i32
    %c0_i32_0 = arith.constant 0 : i32
    %c0_i32_1 = arith.constant 0 : i32
    return %c0_i32, %c0_i32_0 : i32, i32
  }
  func.func @transform_6(%arg0: i32) -> (i32, i32) {
    %c0_i32 = arith.constant 0 : i32
    %c0_i32_0 = arith.constant 0 : i32
    return %arg0, %c0_i32 : i32, i32
  }
}

</mosaic_0001>

<sc_bundles>
// kernel: kernel.12.cloned.1.call-start
scs
__scs_entry_jumppad:
0x0: {  	(pc) =	sbr.rel $0x88, $3  }
0x1: {  	(tag) =	ssettag $0x0;
	lr =	simm.s32 $0x1  }
0x2: {  	[smem:$0x3F95] =	sst lr;
	_ =	strace $0xD0000000  }
0x3: {  	_ = 	snop  }
0x4: {  	_ = 	snop  }
0x5: {  	_ = 	snop  }
0x6: {  	_ = 	snop  }
0x7: {  	_ = 	snop  }
__scs_overlays_trampoline_lowered:
0x8: {  	[smem:$0x3FA4] =	sst s0  }
0x9: {  	[smem:$0x3FA5] =	sst s1  }
0xa: {  	[smem:$0x3FA6] =	sst s2  }
0xb: {  	[smem:$0x3FA7] =	sst s3  }
0xc: {  	[smem:$0x3FA8] =	sst s4  }
0xd: {  	[smem:$0x3FA9] =	sst s5  }
0xe: {  	[smem:$0x3FAA] =	sst s6  }
0xf: {  	[smem:$0x3FAB] =	sst s7  }
0x10: {  	[smem:$0x3FAC] =	sst s8  }
0x11: {  	[smem:$0x3FAD] =	sst s9;
	s0 =	simm.s32 @!p0 $0x0  }
0x12: {  	s1 =	sld [smem:$0x3F93];
	s0 =	simm.s32 @p0 $0x1  }
0x13: {  	[smem:$0x3FAE] =	sst s0;
	s0 =	simm.s32 @!p1 $0x0  }
0x14: {  	s2 =	sld [smem:$0x3F92];
	s0 =	simm.s32 @p1 $0x1  }
0x15: {  	[smem:$0x3FAF] =	sst s0;
	s0 =	simm.s32 @!p2 $0x0  }
0x16: {  	s3 =	sld [smem:$0x3FDB];
	s0 =	simm.s32 @p2 $0x1  }
0x17: {  	s4 =	simm.s32 $0x1BF5;
	[smem:$0x3FB1] =	sst s0  }
0x18: {  	s0 =	sld [smem:$0x3F94];
	_ =	swait.ge [sflag:s4], $0x0  }
0x19: {  	s7 =	sld [smem:$0x3F95]  }
0x1a: {  	s8 =	sadd.s32 $0xFFFFE003, lr  }
0x1b: {  	s9 =	sadd.s32 $0xFFFFFEF7, lr;
	s5 =	simm.s32 $0xFFFFFFFF;
	p2 =	slt.u32 s8, $0xFFFFF086  }
0x1c: {  	p1 =	slt.u32 s9, $0xF7A;
	s5 =	simm.s32 @!p2 $0x0  }
0x1d: {  	s5 =	simm.s32 @p1 $0x1;
	p0 =	seq.s32 s7, s2  }
0x1e: {  	s7 =	smul.u32 @!p0 $0xF7A, s2;
	p2 =	seq.s32 @!p0 s5, $0x0  }
0x1f: {  	s9 =	smul.u32 $0xF7A, s1;
	s8 =	simm.s32 @!p0 $0x1BF5;
	p2 =	por !p2, p0  }
0x20: {  	[sflag:s8] =	ssyncset.s32 @!p0 $0xFFFFF086;
	s6 =	sadd.s32 @!p0 s3, s7;
	s7 =	simm.s32 @!p0 $0x108  }
0x21: {  	s3 =	sadd.s32 s3, s9;
	s6 =	sadd.s32 @!p0 $0x88, s6;
	s7 =	simm.s32 @p2 $0x1082  }
0x22: {  	[simem:s7], [sflag:s8] =	dma.local @!p0 [hbm:s6], $0xF7A  }
0x23: {  	s9 =	sor.u32 $0xD0000000, s2;
	s6 =	simm.s32 $0x108;
	_ =	swait.ge @!p0 [sflag:s8], $0x0  }
0x24: {  	s3 =	sadd.s32 $0x88, s3;
	s6 =	simm.s32 @!p1 $0x1082;
	[sflag:s4] =	ssyncset.s32 $0xFFFFF086  }
0x25: {  	[simem:s6], [sflag:s4] =	dma.local [hbm:s3], $0xF7A  }
0x26: {  	[smem:$0x3F95] =	sst s1;
	(tag) =	ssettag s2;
	_ =	strace s9  }
0x27: {  	s1 =	sld [smem:$0x3FA5]  }
0x28: {  	s2 =	sld [smem:$0x3FA6]  }
0x29: {  	s4 =	sld [smem:$0x3FA8]  }
0x2a: {  	p0 =	seq.s32 s5, $0x0;
	s5 =	sld [smem:$0x3FA9]  }
0x2b: {  	s6 =	sld [smem:$0x3FAA]  }
0x2c: {  	s7 =	sld [smem:$0x3FAB]  }
0x2d: {  	s3 =	simm.s32 $0x108;
	s8 =	sld [smem:$0x3FAC]  }
0x2e: {  	s3 =	simm.s32 @!p0 $0x1082;
	s9 =	sld [smem:$0x3FAD]  }
0x2f: {  	lr =	sadd.s32 s0, s3;
	s0 =	sld [smem:$0x3FA4]  }
0x30: {  	s3 =	sld [smem:$0x3FA7]  }
0x31: {  	[smem:$0x3FB0] =	sst s10  }
0x32: {  	s10 =	sld [smem:$0x3FAE];
	_ =	sdelay $0x3  }
0x33: {  	p0 =	seq.s32 s10, $0x1;
	s10 =	sld [smem:$0x3FB0];
	_ =	sdelay $0x3  }
0x34: {  	[smem:$0x3FB0] =	sst s10  }
0x35: {  	s10 =	sld [smem:$0x3FAF];
	_ =	sdelay $0x3  }
0x36: {  	p1 =	seq.s32 s10, $0x1;
	s10 =	sld [smem:$0x3FB0];
	_ =	sdelay $0x3  }
0x37: {  	[smem:$0x3FB0] =	sst s10  }
0x38: {  	s10 =	sld [smem:$0x3FB1]  }
0x39: {  	_ = 	snop;
	(pc) =	sbr.ind lr, $3  }
0x3a: {  	_ = 	snop  }
0x3b: {  	_ = 	snop  }
0x3c: {  	p2 =	seq.s32 s10, $0x1;
	s10 =	sld [smem:$0x3FB0]  }
0x3d: {  	_ =	shalt  }
0x3e: {  	_ =	shalt  }
0x3f: {  	_ =	shalt  }
0x40: {  	_ =	shalt  }
0x41: {  	_ =	shalt  }
0x42: {  	_ =	shalt  }
0x43: {  	_ =	shalt  }
0x44: {  	_ =	shalt  }
0x45: {  	_ =	shalt  }
0x46: {  	_ =	shalt  }
0x47: {  	_ =	shalt  }
0x48: {  	_ =	shalt  }
0x49: {  	_ =	shalt  }
0x4a: {  	_ =	shalt  }
0x4b: {  	_ =	shalt  }
0x4c: {  	_ =	shalt  }
0x4d: {  	_ =	shalt  }
0x4e: {  	_ =	shalt  }
0x4f: {  	_ =	shalt  }
0x50: {  	_ =	shalt  }
0x51: {  	_ =	shalt  }
0x52: {  	_ =	shalt  }
0x53: {  	_ =	shalt  }
0x54: {  	_ =	shalt  }
0x55: {  	_ =	shalt  }
0x56: {  	_ =	shalt  }
0x57: {  	_ =	shalt  }
0x58: {  	_ =	shalt  }
0x59: {  	_ =	shalt  }
0x5a: {  	_ =	shalt  }
0x5b: {  	_ =	shalt  }
0x5c: {  	_ =	shalt  }
0x5d: {  	_ =	shalt  }
0x5e: {  	_ =	shalt  }
0x5f: {  	_ =	shalt  }
0x60: {  	_ =	shalt  }
0x61: {  	_ =	shalt  }
0x62: {  	_ =	shalt  }
0x63: {  	_ =	shalt  }
0x64: {  	_ =	shalt  }
0x65: {  	_ =	shalt  }
0x66: {  	_ =	shalt  }
0x67: {  	_ =	shalt  }
0x68: {  	_ =	shalt  }
0x69: {  	_ =	shalt  }
0x6a: {  	_ =	shalt  }
0x6b: {  	_ =	shalt  }
0x6c: {  	_ =	shalt  }
0x6d: {  	_ =	shalt  }
0x6e: {  	_ =	shalt  }
0x6f: {  	_ =	shalt  }
0x70: {  	_ =	shalt  }
0x71: {  	_ =	shalt  }
0x72: {  	_ =	shalt  }
0x73: {  	_ =	shalt  }
0x74: {  	_ =	shalt  }
0x75: {  	_ =	shalt  }
0x76: {  	_ =	shalt  }
0x77: {  	_ =	shalt  }
0x78: {  	_ =	shalt  }
0x79: {  	_ =	shalt  }
0x7a: {  	_ =	shalt  }
0x7b: {  	_ =	shalt  }
0x7c: {  	_ =	shalt  }
0x7d: {  	_ =	shalt  }
0x7e: {  	_ =	shalt  }
0x7f: {  	_ =	shalt  }
0x80: {  	_ =	shalt  }
0x81: {  	_ =	shalt  }
0x82: {  	_ =	shalt  }
0x83: {  	_ =	shalt  }
0x84: {  	_ =	shalt  }
0x85: {  	_ =	shalt  }
0x86: {  	_ =	shalt  }
0x87: {  	_ =	shalt  }
.Lfunc_end0:
.L_simem_size_0:
called_computation_lowered:
.L_overlay_start_0:
0x88: {  	s2 =	sld [smem:$0x3FD9]  }
0x89: {  	s3 =	sld [smem:$0x3FFE];
	_ =	sdelay $0x1  }
0x8a: {  	s1 =	srdreg.scid  }
0x8b: {  	s0 =	sand.u32 $0x1, s1  }
0x8c: {  	s16 =	sshll.u32 s0, $0xA;
	s2 =	sadd.s32 s3, s2  }
0x8d: {  	s2 =	sadd.s32 s2, s16  }
0x8e: {  	[smem:$0x3FBC] =	sst s2  }
0x8f: {  	_ = 	snop  }
0x90: {  	(tm) =	ssettm $0x1  }
0x91: {  	s17 =	sld [smem:$0x3FFB];
	_ =	sdelay $0x3  }
0x92: {  	_ =	strace s17  }
0x93: {  	s2 =	sld [smem:$0x3FFC];
	_ =	sdelay $0x3  }
0x94: {  	_ =	strace s2  }
0x95: {  	s2 =	sld [smem:$0x3FFD];
	_ =	sdelay $0x3  }
0x96: {  	_ =	strace s2  }
0x97: {  	_ =	strace $0x8FFFFFFF  }
0x98: {  	s18 =	sld [smem:$0x3FDB];
	_ =	sdelay $0x1  }
0x99: {  	s19 =	simm.s32 $_scs_section_size  }
0x9a: {  	s4 =	simm.s32 $_size__tile_overlayer_lowered;
	s5 =	simm.s32 $_tile_overlayer_lowered  }
0x9b: {  	s22 =	simm.s32 $0x1BFF;
	s21 =	sshll.u32 s5, $0x1;
	s2 =	sadd.s32 s19, s18  }
0x9c: {  	s6 =	simm.s32 $0x0;
	s20 =	sshll.u32 s4, $0x1;
	s4 =	sadd.s32 s21, s2  }
0x9d: {  	[timem:s6], [sflag:s22] =	dma.local [hbm:s4], s20  }
0x9e: {  	_ =	swait.ge [sflag:s22], s20  }
0x9f: {  	s3 =	ssub.s32 $0x0, s20;
	[sflag:s22] =	ssyncset.done $0x0  }
0xa0: {  	[sflag:s22] =	ssyncadd.s32 s3;
	_ =	sdelay $0x1  }
0xa1: {  	s23 =	simm.s32 $0x1B8B  }
0xa2: {  	_ =	swait.ge [sflag:s23], $0x1  }
0xa3: {  	[sflag:s23] =	ssyncset.done $0x0  }
0xa4: {  	s25 =	simm.s32 $0x1B8E;
	s24 =	sld [smem:$0x3FFE];
	[sflag:s23] =	ssyncadd.s32 $0xFFFFFFFF  }
0xa5: {  	s26 =	simm.s32 $execute0_lowered;
	[smem:$0x3FD2] =	sst s25  }
0xa6: {  	s4 =	sshll.u32 s26, $0x1;
	_ =	strace $0x80000046;
	[dreg:$0x1] =	wrdreg $0xFFFFFFFF  }
0xa7: {  	s28 =	simm.s32 $_size_execute0_lowered;
	s2 =	sadd.s32 s2, s4;
	[dreg:$0x0] =	wrdreg $0x0  }
0xa8: {  	s4 =	sshll.u32 s28, $0x1;
	[dreg:$0x2] =	wrdreg s2  }
0xa9: {  	[dreg:$0x3] =	wrdreg s4  }
0xaa: {  	[dreg:$0x4] =	wrdreg $0xC0  }
0xab: {  	_ =	task [dreg:s6], $0x5FFFF  }
0xac: {  	[dreg:$0x1] =	wrdreg $0xFFFFFFFF  }
0xad: {  	[dreg:$0x0] =	wrdreg $0x60  }
0xae: {  	[dreg:$0x2] =	wrdreg s24  }
0xaf: {  	[dreg:$0x3] =	wrdreg $0x6C000  }
0xb0: {  	[dreg:$0x4] =	wrdreg $0x9  }
0xb1: {  	_ =	task.clear_ibuf [dreg:s6], $0x5FFFF;
	_ =	strace $0x90000046  }
0xb2: {  	s29 =	simm.s32 $0x9;
	_ =	strace $0x80000048  }
0xb3: {  	_ =	swait.ge [sflag:s29], $0x1  }
0xb4: {  	[sflag:s29] =	ssyncadd.s32 $0xFFFFFFFF  }
0xb5: {  	_ =	strace $0x90000048  }
0xb6: {  	_ =	sfence  }
0xb7: {  	s30 =	sld [smem:$0x0];
	_ =	sdelay $0x2  }
0xb8: {  	s31 =	sshll.u32 s1, $0xD;
	s1 =	sshrl.u32 s1, $0x2  }
0xb9: {  	s3 =	sand.u32 $0x4000, s31;
	s1 =	sadd.s32 s1, s30  }
0xba: {  	s0 =	sor.u32 s3, s0;
	s1 =	sshll.u32 s1, $0x11  }
0xbb: {  	s0 =	sor.u32 s1, s0  }
0xbc: {  	s0 =	sadd.s32 $0x8F2B, s0  }
0xbd: {  	[sflag:s0] =	ssyncadd.remote.s32 $0x1  }
0xbe: {  	_ =	sfence.sel $0xFFFF  }
0xbf: {  	[dreg:$0x0] =	wrdreg $0xFFFFFFFF;
	(pc) =	sbr.abs _section_cstart, $3  }
0xc0: {  	[dreg:$0x1] =	wrdreg $0xFFFFFFFF  }
0xc1: {  	_ =	task.clear_ibuf [dreg:s6], $0x2FFFF;
	_ =	strace $0x9FFFFFFF  }
0xc2: {  	(tm) =	ssettm $0x7FFFFFFF  }
0xc3: {  	_ =	shalt  }
tec
execute0_lowered:
.L_overlay_start_1:
0x0: {  	(tag) =	ssettag $0x1  }
0x1: {  	s1 =	srdreg.scid;
	s5 =	rddreg [dreg:$0x0]  }
0x2: {  	s0 =	stileid.u32;
	s2 =	rddreg [dreg:$0x1];
	s3 =	simm.s32 $0x0  }
0x3: {  	s14 =	simm.s32 $0x0;
	s6 =	sand.u32 $0x1, s1;
	s1 =	rddreg [dreg:$0x2]  }
0x4: {  	s28 =	sshll.u32 s0, $0x1;
	[smem:$0x7FF] =	sst s3;
	s7 =	smul.u32 $0x14000, s0  }
0x5: {  	s29 =	smul.u32 $0x50000, s0;
	s31 =	sshll.u32 s0, $0x6;
	s4 =	sor.u32 s6, s28  }
0x6: {  	_ =	strace $0x80000047;
	s8 =	smul.u32 $0x140000, s6;
	s6 =	ssub.s32 $0x2, s6  }
0x7: {  	s4 =	smul.u32 $0x580, s4;
	s10 =	sshrl.u32 s7, $0x3;
	s11 =	sshrl.u32 s6, $0x1  }
0x8: {  	s30 =	sshrl.u32 s29, $0x2;
	s7 =	sadd.s32 s7, s8;
	s10 =	sadd.s32 s10, s5  }
0x9: {  	s11 =	ssub.s32 s6, s11;
	s13 =	sadd.s32 s30, s2;
	s6 =	sor.u32 $0x1C01, s31  }
0xa: {  	s9 =	sadd.s32 s4, s5;
	s4 =	sadd.s32 $0xF000, s5;
	s7 =	sshrl.u32 s7, $0x3  }
0xb: {  	s12 =	sadd.s32 s7, s5;
	s5 =	sadd.s32 $0xF800, s10;
	s7 =	sadd.s32 $0x4000, s9  }
0xc: {  	s9 =	smax.u32 s11, $0x1;
	s10 =	sshrl.u32 s13, $0x3;
	s11 =	simm.s32 $0x1  }
0xd: {  	s13 =	simm.s32 $0x80;
	s8 =	sadd.s32 $0x37800, s12;
	s12 =	simm.s32 $0x2C00  }
.LBB2_1:
0xe: {  	[spmem:s10], [sflag:s6] =	dma.local [hbm:s5], $0x2800  }
0xf: {  	_ =	swait.ge [sflag:s11], $0x2800  }
0x10: {  	[sflag:s11] =	ssyncset.done $0x0  }
0x11: {  	[sflag:s11] =	ssyncadd.s32 $0xFFFFD800  }
0x12: {  	[tilespmem:s12], [sflag:$0x1] =	stream.linear.gather [hbm4b:s4+s3], $0x4000, $0x38;
	[tilespmem:$0x1AC00] =	vst v63  }
0x13: {  	_ =	swait.ge [sflag:s11], $0x4000  }
0x14: {  	[sflag:s11] =	ssyncset.done $0x0  }
0x15: {  	[sflag:s11] =	ssyncadd.s32 $0xFFFFC000  }
0x16: {  	[tilespmem:s3], [sflag:$0x1] =	stream.linear.gather [hbm4b:s7+s3], $0x2C00, $0x38;
	[tilespmem:$0x1AC00] =	vst v63  }
0x17: {  	_ =	swait.ge [sflag:s11], $0x2C00  }
0x18: {  	[sflag:s11] =	ssyncset.done $0x0  }
0x19: {  	[sflag:s11] =	ssyncadd.s32 $0xFFFFD400  }
0x1a: {  	s15 =	simm.s32 $0x0;
	[bflag:$0x0] =	sbarrier.arrive $0xFFFF  }
0x1b: {  	[spmem:s2] =	stream.indirect.scatter.add.f32 [tilespmem:s12], [sflag:$0x1], $0x80, s15, s13, $0xb8;
	[tilespmem:$0x1AC00] =	vst v63  }
0x1c: {  	_ =	swait.ge [sflag:s11], $0x4000  }
0x1d: {  	s15 =	simm.s32 $0x200;
	[sflag:s11] =	ssyncset.done $0x0  }
.LBB2_2:
0x1e: {  	s16 =	sshra.s32 s15, $0x2;
	[sflag:s11] =	ssyncadd.s32 $0xFFFFC000;
	p0 =	sne.s32 s15, $0x9E00  }
0x1f: {  	[spmem:s2] =	stream.indirect.scatter.add.f32 [tilespmem:s12], [sflag:$0x1], $0x80, s16, s13, $0xb8;
	[tilespmem:$0x1AC00] =	vst v63  }
.Ltmp0:
0x20: {  	_ = 	snop;
	(pc) =	sbr.rel @p0 .LBB2_2-.Ltmp0, $4  }
0x21: {  	_ = 	snop  }
0x22: {  	s15 =	sadd.s32 $0x200, s15  }
0x23: {  	_ =	swait.ge [sflag:s11], $0x4000  }
0x24: {  	[sflag:s11] =	ssyncset.done $0x0  }
0x25: {  	s14 =	sadd.s32 $0x1, s14  }
0x26: {  	[sflag:s11] =	ssyncadd.s32 $0xFFFFC000;
	p0 =	sne.s32 s14, s9  }
.Ltmp1:
0x27: {  	[bflag:$0x0] =	sbarrier.arrive $0xFFFF;
	(pc) =	sbr.rel @p0 .LBB2_1-.Ltmp1, $4  }
0x28: {  	[hbm:s8], [sflag:s6] =	dma.local [spmem:s10], $0x2800  }
0x29: {  	_ =	swait.ge [sflag:s11], $0x2800  }
0x2a: {  	[sflag:s11] =	ssyncset.done $0x0  }
0x2b: {  	[sflag:s11] =	ssyncadd.s32 $0xFFFFD800  }
0x2c: {  	_ =	sfence.sel $0x180000  }
0x2d: {  	[bflag:$0x0] =	sbarrier.arrive $0xFFFF  }
0x2e: {  	p0 =	sne.s32 s0, $0x0;
	_ =	strace $0x90000047  }
0x2f: {  	s0 =	sadd.s32 @!p0 $0x100000, s1;
	[bflag:$0x2] =	sbarrier.arrive $0xFFFF  }
0x30: {  	[sflag:s0] =	ssyncadd.tile.s32 @!p0 $0x1;
	_ =	shalt  }
.Lfunc_end2:
_tile_overlayer_lowered:
.L_overlay_start_2:
0x31: {  	(tag) =	ssettag $0x2  }
0x32: {  	s0 =	rddreg [dreg:$0x0];
	s2 =	stileid.u32  }
0x33: {  	s1 =	rddreg [dreg:$0x1];
	p0 =	sne.s32 s2, $0x0  }
0x34: {  	s3 =	rddreg [dreg:$0x2];
	[bflag:$0x3] =	sbarrier.arrive $0xFFFF;
	s2 =	simm.s32 @!p0 $0x1C01  }
0x35: {  	[timem:s3], [sflag:s2] =	dma.local @!p0 [hbm:s0], s1  }
0x36: {  	s0 =	simm.s32 @!p0 $0x1  }
0x37: {  	_ =	swait.ge @!p0 [sflag:s0], s1  }
0x38: {  	s1 =	ssub.s32 @!p0 $0x0, s1;
	[sflag:s0] =	ssyncset.done @!p0 $0x0  }
0x39: {  	[sflag:s0] =	ssyncadd.s32 @!p0 s1  }
0x3a: {  	[bflag:$0x3] =	sbarrier.arrive $0xFFFF  }
0x3b: {  	_ =	shalt  }

// kernel: kernel.15.cloned.1.call-start
scs
__scs_entry_jumppad:
0x0: {  	(pc) =	sbr.rel $0x88, $3  }
0x1: {  	(tag) =	ssettag $0x0;
	lr =	simm.s32 $0x1  }
0x2: {  	[smem:$0x3F95] =	sst lr;
	_ =	strace $0xD0000000  }
0x3: {  	_ = 	snop  }
0x4: {  	_ = 	snop  }
0x5: {  	_ = 	snop  }
0x6: {  	_ = 	snop  }
0x7: {  	_ = 	snop  }
__scs_overlays_trampoline_lowered:
0x8: {  	[smem:$0x3FA4] =	sst s0  }
0x9: {  	[smem:$0x3FA5] =	sst s1  }
0xa: {  	[smem:$0x3FA6] =	sst s2  }
0xb: {  	[smem:$0x3FA7] =	sst s3  }
0xc: {  	[smem:$0x3FA8] =	sst s4  }
0xd: {  	[smem:$0x3FA9] =	sst s5  }
0xe: {  	[smem:$0x3FAA] =	sst s6  }
0xf: {  	[smem:$0x3FAB] =	sst s7  }
0x10: {  	[smem:$0x3FAC] =	sst s8  }
0x11: {  	[smem:$0x3FAD] =	sst s9;
	s0 =	simm.s32 @!p0 $0x0  }
0x12: {  	s1 =	sld [smem:$0x3F93];
	s0 =	simm.s32 @p0 $0x1  }
0x13: {  	[smem:$0x3FAE] =	sst s0;
	s0 =	simm.s32 @!p1 $0x0  }
0x14: {  	s2 =	sld [smem:$0x3F92];
	s0 =	simm.s32 @p1 $0x1  }
0x15: {  	[smem:$0x3FAF] =	sst s0;
	s0 =	simm.s32 @!p2 $0x0  }
0x16: {  	s3 =	sld [smem:$0x3FDB];
	s0 =	simm.s32 @p2 $0x1  }
0x17: {  	s4 =	simm.s32 $0x1BF5;
	[smem:$0x3FB1] =	sst s0  }
0x18: {  	s0 =	sld [smem:$0x3F94];
	_ =	swait.ge [sflag:s4], $0x0  }
0x19: {  	s7 =	sld [smem:$0x3F95]  }
0x1a: {  	s8 =	sadd.s32 $0xFFFFE003, lr  }
0x1b: {  	s9 =	sadd.s32 $0xFFFFFEF7, lr;
	s5 =	simm.s32 $0xFFFFFFFF;
	p2 =	slt.u32 s8, $0xFFFFF086  }
0x1c: {  	p1 =	slt.u32 s9, $0xF7A;
	s5 =	simm.s32 @!p2 $0x0  }
0x1d: {  	s5 =	simm.s32 @p1 $0x1;
	p0 =	seq.s32 s7, s2  }
0x1e: {  	s7 =	smul.u32 @!p0 $0xF7A, s2;
	p2 =	seq.s32 @!p0 s5, $0x0  }
0x1f: {  	s9 =	smul.u32 $0xF7A, s1;
	s8 =	simm.s32 @!p0 $0x1BF5;
	p2 =	por !p2, p0  }
0x20: {  	[sflag:s8] =	ssyncset.s32 @!p0 $0xFFFFF086;
	s6 =	sadd.s32 @!p0 s3, s7;
	s7 =	simm.s32 @!p0 $0x108  }
0x21: {  	s3 =	sadd.s32 s3, s9;
	s6 =	sadd.s32 @!p0 $0x88, s6;
	s7 =	simm.s32 @p2 $0x1082  }
0x22: {  	[simem:s7], [sflag:s8] =	dma.local @!p0 [hbm:s6], $0xF7A  }
0x23: {  	s9 =	sor.u32 $0xD0000000, s2;
	s6 =	simm.s32 $0x108;
	_ =	swait.ge @!p0 [sflag:s8], $0x0  }
0x24: {  	s3 =	sadd.s32 $0x88, s3;
	s6 =	simm.s32 @!p1 $0x1082;
	[sflag:s4] =	ssyncset.s32 $0xFFFFF086  }
0x25: {  	[simem:s6], [sflag:s4] =	dma.local [hbm:s3], $0xF7A  }
0x26: {  	[smem:$0x3F95] =	sst s1;
	(tag) =	ssettag s2;
	_ =	strace s9  }
0x27: {  	s1 =	sld [smem:$0x3FA5]  }
0x28: {  	s2 =	sld [smem:$0x3FA6]  }
0x29: {  	s4 =	sld [smem:$0x3FA8]  }
0x2a: {  	p0 =	seq.s32 s5, $0x0;
	s5 =	sld [smem:$0x3FA9]  }
0x2b: {  	s6 =	sld [smem:$0x3FAA]  }
0x2c: {  	s7 =	sld [smem:$0x3FAB]  }
0x2d: {  	s3 =	simm.s32 $0x108;
	s8 =	sld [smem:$0x3FAC]  }
0x2e: {  	s3 =	simm.s32 @!p0 $0x1082;
	s9 =	sld [smem:$0x3FAD]  }
0x2f: {  	lr =	sadd.s32 s0, s3;
	s0 =	sld [smem:$0x3FA4]  }
0x30: {  	s3 =	sld [smem:$0x3FA7]  }
0x31: {  	[smem:$0x3FB0] =	sst s10  }
0x32: {  	s10 =	sld [smem:$0x3FAE];
	_ =	sdelay $0x3  }
0x33: {  	p0 =	seq.s32 s10, $0x1;
	s10 =	sld [smem:$0x3FB0];
	_ =	sdelay $0x3  }
0x34: {  	[smem:$0x3FB0] =	sst s10  }
0x35: {  	s10 =	sld [smem:$0x3FAF];
	_ =	sdelay $0x3  }
0x36: {  	p1 =	seq.s32 s10, $0x1;
	s10 =	sld [smem:$0x3FB0];
	_ =	sdelay $0x3  }
0x37: {  	[smem:$0x3FB0] =	sst s10  }
0x38: {  	s10 =	sld [smem:$0x3FB1]  }
0x39: {  	_ = 	snop;
	(pc) =	sbr.ind lr, $3  }
0x3a: {  	_ = 	snop  }
0x3b: {  	_ = 	snop  }
0x3c: {  	p2 =	seq.s32 s10, $0x1;
	s10 =	sld [smem:$0x3FB0]  }
0x3d: {  	_ =	shalt  }
0x3e: {  	_ =	shalt  }
0x3f: {  	_ =	shalt  }
0x40: {  	_ =	shalt  }
0x41: {  	_ =	shalt  }
0x42: {  	_ =	shalt  }
0x43: {  	_ =	shalt  }
0x44: {  	_ =	shalt  }
0x45: {  	_ =	shalt  }
0x46: {  	_ =	shalt  }
0x47: {  	_ =	shalt  }
0x48: {  	_ =	shalt  }
0x49: {  	_ =	shalt  }
0x4a: {  	_ =	shalt  }
0x4b: {  	_ =	shalt  }
0x4c: {  	_ =	shalt  }
0x4d: {  	_ =	shalt  }
0x4e: {  	_ =	shalt  }
0x4f: {  	_ =	shalt  }
0x50: {  	_ =	shalt  }
0x51: {  	_ =	shalt  }
0x52: {  	_ =	shalt  }
0x53: {  	_ =	shalt  }
0x54: {  	_ =	shalt  }
0x55: {  	_ =	shalt  }
0x56: {  	_ =	shalt  }
0x57: {  	_ =	shalt  }
0x58: {  	_ =	shalt  }
0x59: {  	_ =	shalt  }
0x5a: {  	_ =	shalt  }
0x5b: {  	_ =	shalt  }
0x5c: {  	_ =	shalt  }
0x5d: {  	_ =	shalt  }
0x5e: {  	_ =	shalt  }
0x5f: {  	_ =	shalt  }
0x60: {  	_ =	shalt  }
0x61: {  	_ =	shalt  }
0x62: {  	_ =	shalt  }
0x63: {  	_ =	shalt  }
0x64: {  	_ =	shalt  }
0x65: {  	_ =	shalt  }
0x66: {  	_ =	shalt  }
0x67: {  	_ =	shalt  }
0x68: {  	_ =	shalt  }
0x69: {  	_ =	shalt  }
0x6a: {  	_ =	shalt  }
0x6b: {  	_ =	shalt  }
0x6c: {  	_ =	shalt  }
0x6d: {  	_ =	shalt  }
0x6e: {  	_ =	shalt  }
0x6f: {  	_ =	shalt  }
0x70: {  	_ =	shalt  }
0x71: {  	_ =	shalt  }
0x72: {  	_ =	shalt  }
0x73: {  	_ =	shalt  }
0x74: {  	_ =	shalt  }
0x75: {  	_ =	shalt  }
0x76: {  	_ =	shalt  }
0x77: {  	_ =	shalt  }
0x78: {  	_ =	shalt  }
0x79: {  	_ =	shalt  }
0x7a: {  	_ =	shalt  }
0x7b: {  	_ =	shalt  }
0x7c: {  	_ =	shalt  }
0x7d: {  	_ =	shalt  }
0x7e: {  	_ =	shalt  }
0x7f: {  	_ =	shalt  }
0x80: {  	_ =	shalt  }
0x81: {  	_ =	shalt  }
0x82: {  	_ =	shalt  }
0x83: {  	_ =	shalt  }
0x84: {  	_ =	shalt  }
0x85: {  	_ =	shalt  }
0x86: {  	_ =	shalt  }
0x87: {  	_ =	shalt  }
.Lfunc_end0:
.L_simem_size_0:
called_computation.1_lowered:
.L_overlay_start_0:
0x88: {  	s2 =	sld [smem:$0x3FD9]  }
0x89: {  	s3 =	sld [smem:$0x3FFE];
	_ =	sdelay $0x1  }
0x8a: {  	s1 =	srdreg.scid  }
0x8b: {  	s0 =	sand.u32 $0x1, s1  }
0x8c: {  	s17 =	sshll.u32 s0, $0xA;
	s2 =	sadd.s32 s3, s2  }
0x8d: {  	s2 =	sadd.s32 s2, s17  }
0x8e: {  	[smem:$0x3FBC] =	sst s2  }
0x8f: {  	_ = 	snop  }
0x90: {  	s2 =	sld [smem:$0x3FD0];
	(tm) =	ssettm $0x1  }
0x91: {  	s18 =	sld [smem:$0x3FFB];
	_ =	sdelay $0x3  }
0x92: {  	_ =	strace s18  }
0x93: {  	s3 =	sld [smem:$0x3FFC];
	_ =	sdelay $0x3  }
0x94: {  	_ =	strace s3  }
0x95: {  	s3 =	sld [smem:$0x3FFD];
	_ =	sdelay $0x3  }
0x96: {  	_ =	strace s3  }
0x97: {  	_ =	strace $0x8FFFFFFF  }
0x98: {  	s19 =	sld [smem:$0x3FDB];
	_ =	sdelay $0x1  }
0x99: {  	s4 =	simm.s32 $_scs_section_size  }
0x9a: {  	s5 =	simm.s32 $_size__tile_overlayer_lowered;
	s6 =	simm.s32 $_tile_overlayer_lowered  }
0x9b: {  	s22 =	simm.s32 $0x1BFF;
	s21 =	sshll.u32 s6, $0x1;
	s3 =	sadd.s32 s4, s19  }
0x9c: {  	s7 =	simm.s32 $0x0;
	s20 =	sshll.u32 s5, $0x1;
	s5 =	sadd.s32 s21, s3  }
0x9d: {  	[timem:s7], [sflag:s22] =	dma.local [hbm:s5], s20  }
0x9e: {  	_ =	swait.ge [sflag:s22], s20  }
0x9f: {  	s4 =	ssub.s32 $0x0, s20;
	[sflag:s22] =	ssyncset.done $0x0  }
0xa0: {  	[sflag:s22] =	ssyncadd.s32 s4;
	_ =	sdelay $0x1  }
0xa1: {  	s23 =	simm.s32 $0x1B8B  }
0xa2: {  	_ =	swait.ge [sflag:s23], $0x1  }
0xa3: {  	[sflag:s23] =	ssyncset.done $0x0  }
0xa4: {  	s25 =	simm.s32 $0x1B8E;
	s24 =	sld [smem:$0x3FFE];
	[sflag:s23] =	ssyncadd.s32 $0xFFFFFFFF  }
0xa5: {  	s26 =	simm.s32 $execute0_lowered;
	[smem:$0x3FD2] =	sst s25  }
0xa6: {  	s5 =	sshll.u32 s26, $0x1;
	_ =	strace $0x80000049;
	[dreg:$0x1] =	wrdreg $0xFFFFFFFF  }
0xa7: {  	s28 =	simm.s32 $_size_execute0_lowered;
	s3 =	sadd.s32 s3, s5;
	[dreg:$0x0] =	wrdreg $0x0  }
0xa8: {  	s5 =	sshll.u32 s28, $0x1;
	[dreg:$0x2] =	wrdreg s3  }
0xa9: {  	[dreg:$0x3] =	wrdreg s5  }
0xaa: {  	[dreg:$0x4] =	wrdreg $0xC0  }
0xab: {  	_ =	task [dreg:s7], $0x5FFFF  }
0xac: {  	[dreg:$0x1] =	wrdreg $0xFFFFFFFF  }
0xad: {  	[dreg:$0x0] =	wrdreg $0x60  }
0xae: {  	[dreg:$0x2] =	wrdreg s24  }
0xaf: {  	[dreg:$0x3] =	wrdreg s2  }
0xb0: {  	[dreg:$0x4] =	wrdreg $0xB0000  }
0xb1: {  	[dreg:$0x5] =	wrdreg $0x9  }
0xb2: {  	_ =	task.clear_ibuf [dreg:s7], $0x6FFFF;
	_ =	strace $0x90000049  }
0xb3: {  	s29 =	simm.s32 $0x9;
	_ =	strace $0x8000004B  }
0xb4: {  	_ =	swait.ge [sflag:s29], $0x1  }
0xb5: {  	[sflag:s29] =	ssyncadd.s32 $0xFFFFFFFF  }
0xb6: {  	_ =	strace $0x9000004B  }
0xb7: {  	_ =	sfence  }
0xb8: {  	s30 =	sld [smem:$0x0];
	_ =	sdelay $0x2  }
0xb9: {  	s31 =	sshll.u32 s1, $0xD;
	s1 =	sshrl.u32 s1, $0x2  }
0xba: {  	s3 =	sand.u32 $0x4000, s31;
	s1 =	sadd.s32 s1, s30  }
0xbb: {  	s0 =	sor.u32 s3, s0;
	s1 =	sshll.u32 s1, $0x11  }
0xbc: {  	s0 =	sor.u32 s1, s0  }
0xbd: {  	s0 =	sadd.s32 $0x8F2B, s0  }
0xbe: {  	[sflag:s0] =	ssyncadd.remote.s32 $0x1  }
0xbf: {  	_ =	sfence.sel $0xFFFF  }
0xc0: {  	[dreg:$0x0] =	wrdreg $0xFFFFFFFF;
	(pc) =	sbr.abs _section_cstart, $3  }
0xc1: {  	[dreg:$0x1] =	wrdreg $0xFFFFFFFF  }
0xc2: {  	_ =	task.clear_ibuf [dreg:s7], $0x2FFFF;
	_ =	strace $0x9FFFFFFF  }
0xc3: {  	(tm) =	ssettm $0x7FFFFFFF  }
tec
execute0_lowered:
.L_overlay_start_1:
0x0: {  	(tag) =	ssettag $0x1  }
0x1: {  	s5 =	rddreg [dreg:$0x0]  }
0x2: {  	s7 =	rddreg [dreg:$0x1]  }
0x3: {  	s1 =	rddreg [dreg:$0x2]  }
0x4: {  	s2 =	srdreg.scid;
	s0 =	rddreg [dreg:$0x3]  }
0x5: {  	s3 =	simm.s32 $0x0;
	s16 =	simm.s32 $0x80;
	s17 =	simm.s32 $0x3000  }
0x6: {  	s18 =	simm.s32 $0x7000;
	s19 =	simm.s32 $0x1;
	s20 =	simm.s32 $0x2  }
0x7: {  	s21 =	simm.s32 $0x0;
	s6 =	sand.u32 $0x1, s2;
	s2 =	stileid.u32  }
0x8: {  	[smem:$0x7FF] =	sst s3;
	s4 =	sadd.s32 $0x37800, s5;
	s8 =	smul.u32 $0x140000, s6  }
0x9: {  	s10 =	sadd.s32 $0x4000, s5;
	s11 =	sadd.s32 $0xF800, s5;
	s9 =	smul.u32 $0x14000, s2  }
0xa: {  	_ =	strace $0x8000004A;
	s25 =	sshll.u32 s2, $0x1;
	s13 =	smul.u32 $0x50000, s2  }
0xb: {  	s12 =	ssub.s32 $0x2, s6;
	p0 =	seq.s32 s6, $0x0;
	s29 =	smul.u32 $0x2800, s2  }
0xc: {  	s31 =	sshll.u32 s2, $0x6;
	s14 =	sshrl.u32 s12, $0x1;
	s11 =	smov.u32 @p0 s4  }
0xd: {  	s8 =	sadd.s32 s9, s8;
	s9 =	sor.u32 s6, s25;
	s12 =	ssub.s32 s12, s14  }
0xe: {  	s26 =	sshrl.u32 s13, $0x2;
	s11 =	sadd.s32 s11, s29;
	s9 =	smul.u32 $0x2C00, s9  }
0xf: {  	s14 =	simm.s32 $0x3;
	s8 =	sshrl.u32 s8, $0x3;
	s13 =	sadd.s32 s26, s1  }
0x10: {  	s15 =	sadd.s32 s8, s5;
	s13 =	sshrl.u32 s13, $0x3;
	s28 =	sshrl.u32 s9, $0x3  }
0x11: {  	s9 =	sadd.s32 $0x5F800, s15;
	s15 =	simm.s32 $0x1800;
	s30 =	sadd.s32 $0x280, s28  }
0x12: {  	s5 =	sadd.s32 s7, s28;
	s6 =	sadd.s32 s10, s28;
	s7 =	sadd.s32 s7, s30  }
0x13: {  	s8 =	sadd.s32 s10, s30;
	s10 =	smax.u32 s12, $0x1;
	s12 =	sor.u32 $0x1C03, s31  }
.LBB2_1:
0x14: {  	[spmem:s13], [sflag:s12] =	dma.local [hbm:s11], $0x2800  }
0x15: {  	_ =	swait.ge [sflag:s14], $0x2800  }
0x16: {  	[sflag:s14] =	ssyncset.done $0x0  }
0x17: {  	[sflag:s14] =	ssyncadd.s32 $0xFFFFD800  }
0x18: {  	[bflag:$0x0] =	sbarrier.arrive $0xFFFF  }
0x19: {  	[tilespmem:s3], [sflag:$0x3] =	stream.linear.gather [hbm4b:s5+s3], $0x1800, $0x38;
	[tilespmem:$0x1F000] =	vst v63  }
0x1a: {  	_ =	swait.ge [sflag:s14], $0x1800  }
0x1b: {  	[sflag:s14] =	ssyncset.done $0x0  }
0x1c: {  	[sflag:s14] =	ssyncadd.s32 $0xFFFFE800  }
0x1d: {  	[tilespmem:s15], [sflag:$0x3] =	stream.linear.gather [hbm4b:s6+s3], $0x1800, $0x38;
	[tilespmem:$0x1F000] =	vst v63  }
0x1e: {  	_ =	swait.ge [sflag:s14], $0x1800  }
0x1f: {  	[sflag:s14] =	ssyncset.done $0x0  }
0x20: {  	[sflag:s14] =	ssyncadd.s32 $0xFFFFE800  }
0x21: {  	[tilespmem:s17], [sflag:$0x1] =	stream.indirect.gather [hbm4b:s4+s16], $0x80, s3, s16, $0xb8;
	[tilespmem:$0x1F000] =	vst v63  }
0x22: {  	s22 =	simm.s32 $0x80  }
0x23: {  	[tilespmem:s18], [sflag:$0x2] =	stream.indirect.gather [hbm4b:s4+s16], $0x80, s22, s16, $0xb8;
	[tilespmem:$0x1F000] =	vst v63  }
0x24: {  	_ =	swait.ge [sflag:s19], $0x4000  }
0x25: {  	[sflag:s19] =	ssyncset.done $0x0  }
0x26: {  	s29 =	simm.s32 $0x1800;
	[sflag:s19] =	ssyncadd.s32 $0xFFFFC000  }
0x27: {  	[spmem:s1] =	stream.indirect.scatter.add.f32 [tilespmem:s17], [sflag:$0x3], $0x80, s29, s16, $0xb8;
	[tilespmem:$0x1F000] =	vst v63  }
0x28: {  	_ =	swait.ge [sflag:s14], $0x4000  }
0x29: {  	[sflag:s14] =	ssyncset.done $0x0  }
0x2a: {  	s30 =	simm.s32 $0x100;
	[sflag:s14] =	ssyncadd.s32 $0xFFFFC000  }
0x2b: {  	[tilespmem:s17], [sflag:$0x1] =	stream.indirect.gather [hbm4b:s4+s16], $0x80, s30, s16, $0xb8;
	[tilespmem:$0x1F000] =	vst v63  }
0x2c: {  	_ =	swait.ge [sflag:s20], $0x4000  }
0x2d: {  	[sflag:s20] =	ssyncset.done $0x0  }
0x2e: {  	s31 =	simm.s32 $0x1880;
	[sflag:s20] =	ssyncadd.s32 $0xFFFFC000  }
0x2f: {  	[spmem:s1] =	stream.indirect.scatter.add.f32 [tilespmem:s18], [sflag:$0x3], $0x80, s31, s16, $0xb8;
	[tilespmem:$0x1F000] =	vst v63  }
0x30: {  	_ =	swait.ge [sflag:s14], $0x4000  }
0x31: {  	s23 =	simm.s32 $0x800;
	s22 =	simm.s32 $0x100;
	[sflag:s14] =	ssyncset.done $0x0  }
.LBB2_2:
0x32: {  	s24 =	sadd.s32 $0x80, s22  }
0x33: {  	[sflag:s14] =	ssyncadd.s32 $0xFFFFC000;
	s25 =	smov.u32 s23;
	s26 =	sadd.s32 $0x400, s23  }
0x34: {  	[tilespmem:s18], [sflag:$0x2] =	stream.indirect.gather [hbm4b:s4+s16], $0x80, s24, s16, $0xb8;
	[tilespmem:$0x1F000] =	vst v63  }
0x35: {  	p0 =	sne.s32 s23, $0x4C00;
	_ =	swait.ge [sflag:s19], $0x4000  }
0x36: {  	[sflag:s19] =	ssyncset.done $0x0  }
0x37: {  	s23 =	sadd.s32 $0x1800, s22;
	[sflag:s19] =	ssyncadd.s32 $0xFFFFC000  }
0x38: {  	[spmem:s1] =	stream.indirect.scatter.add.f32 [tilespmem:s17], [sflag:$0x3], $0x80, s23, s16, $0xb8;
	[tilespmem:$0x1F000] =	vst v63  }
0x39: {  	_ =	swait.ge [sflag:s14], $0x4000  }
0x3a: {  	[sflag:s14] =	ssyncset.done $0x0  }
0x3b: {  	s23 =	sadd.s32 $0x100, s22;
	[sflag:s14] =	ssyncadd.s32 $0xFFFFC000  }
0x3c: {  	[tilespmem:s17], [sflag:$0x1] =	stream.indirect.gather [hbm4b:s4+s16], $0x80, s23, s16, $0xb8;
	[tilespmem:$0x1F000] =	vst v63  }
0x3d: {  	_ =	swait.ge [sflag:s20], $0x4000  }
.Ltmp0:
0x3e: {  	[sflag:s20] =	ssyncset.done $0x0;
	(pc) =	sbr.rel @p0 .LBB2_2-.Ltmp0, $4  }
0x3f: {  	s22 =	sadd.s32 $0x1880, s22;
	[sflag:s20] =	ssyncadd.s32 $0xFFFFC000  }
0x40: {  	[spmem:s1] =	stream.indirect.scatter.add.f32 [tilespmem:s18], [sflag:$0x3], $0x80, s22, s16, $0xb8;
	[tilespmem:$0x1F000] =	vst v63  }
0x41: {  	_ =	swait.ge [sflag:s14], $0x4000  }
0x42: {  	s23 =	smov.u32 s26;
	s22 =	sshra.s32 s25, $0x2;
	[sflag:s14] =	ssyncset.done $0x0  }
0x43: {  	s23 =	sadd.s32 $0x80, s22;
	[sflag:s14] =	ssyncadd.s32 $0xFFFFC000  }
0x44: {  	[tilespmem:s18], [sflag:$0x2] =	stream.indirect.gather [hbm4b:s4+s16], $0x80, s23, s16, $0xb8;
	[tilespmem:$0x1F000] =	vst v63  }
0x45: {  	_ =	swait.ge [sflag:s19], $0x4000  }
0x46: {  	[sflag:s19] =	ssyncset.done $0x0  }
0x47: {  	s31 =	sadd.s32 $0x1800, s22;
	[sflag:s19] =	ssyncadd.s32 $0xFFFFC000  }
0x48: {  	[spmem:s1] =	stream.indirect.scatter.add.f32 [tilespmem:s17], [sflag:$0x3], $0x80, s31, s16, $0xb8;
	[tilespmem:$0x1F000] =	vst v63  }
0x49: {  	_ =	swait.ge [sflag:s14], $0x4000  }
0x4a: {  	[sflag:s14] =	ssyncset.done $0x0  }
0x4b: {  	s24 =	sadd.s32 $0x100, s22;
	[sflag:s14] =	ssyncadd.s32 $0xFFFFC000  }
0x4c: {  	[tilespmem:s17], [sflag:$0x1] =	stream.indirect.gather [hbm4b:s4+s16], $0x80, s24, s16, $0xb8;
	[tilespmem:$0x1F000] =	vst v63  }
0x4d: {  	_ =	swait.ge [sflag:s20], $0x4000  }
0x4e: {  	[sflag:s20] =	ssyncset.done $0x0  }
0x4f: {  	s25 =	sadd.s32 $0x1880, s22;
	[sflag:s20] =	ssyncadd.s32 $0xFFFFC000  }
0x50: {  	[spmem:s1] =	stream.indirect.scatter.add.f32 [tilespmem:s18], [sflag:$0x3], $0x80, s25, s16, $0xb8;
	[tilespmem:$0x1F000] =	vst v63  }
0x51: {  	_ =	swait.ge [sflag:s14], $0x4000  }
0x52: {  	[sflag:s14] =	ssyncset.done $0x0  }
0x53: {  	[sflag:s14] =	ssyncadd.s32 $0xFFFFC000  }
0x54: {  	_ =	swait.ge [sflag:s19], $0x4000  }
0x55: {  	[sflag:s19] =	ssyncset.done $0x0  }
0x56: {  	s26 =	simm.s32 $0x0;
	[sflag:s19] =	ssyncadd.s32 $0xFFFFC000  }
0x57: {  	[tilespmem:s26], [sflag:$0x3] =	stream.linear.gather [hbm4b:s7+s26], $0x1800, $0x38;
	[tilespmem:$0x1F000] =	vst v63  }
0x58: {  	_ =	swait.ge [sflag:s14], $0x1800  }
0x59: {  	[sflag:s14] =	ssyncset.done $0x0  }
0x5a: {  	[sflag:s14] =	ssyncadd.s32 $0xFFFFE800  }
0x5b: {  	[tilespmem:s15], [sflag:$0x3] =	stream.linear.gather [hbm4b:s8+s26], $0x1800, $0x38;
	[tilespmem:$0x1F000] =	vst v63  }
0x5c: {  	_ =	swait.ge [sflag:s14], $0x1800  }
0x5d: {  	[sflag:s14] =	ssyncset.done $0x0  }
0x5e: {  	[sflag:s14] =	ssyncadd.s32 $0xFFFFE800  }
0x5f: {  	[tilespmem:s17], [sflag:$0x1] =	stream.indirect.gather [hbm4b:s4+s16], $0x80, s26, s16, $0xb8;
	[tilespmem:$0x1F000] =	vst v63  }
0x60: {  	s28 =	simm.s32 $0x80  }
0x61: {  	[tilespmem:s18], [sflag:$0x2] =	stream.indirect.gather [hbm4b:s4+s16], $0x80, s28, s16, $0xb8;
	[tilespmem:$0x1F000] =	vst v63  }
0x62: {  	_ =	swait.ge [sflag:s19], $0x4000  }
0x63: {  	[sflag:s19] =	ssyncset.done $0x0  }
0x64: {  	s29 =	simm.s32 $0x1800;
	[sflag:s19] =	ssyncadd.s32 $0xFFFFC000  }
0x65: {  	[spmem:s1] =	stream.indirect.scatter.add.f32 [tilespmem:s17], [sflag:$0x3], $0x80, s29, s16, $0xb8;
	[tilespmem:$0x1F000] =	vst v63  }
0x66: {  	_ =	swait.ge [sflag:s14], $0x4000  }
0x67: {  	[sflag:s14] =	ssyncset.done $0x0  }
0x68: {  	s30 =	simm.s32 $0x100;
	[sflag:s14] =	ssyncadd.s32 $0xFFFFC000  }
0x69: {  	[tilespmem:s17], [sflag:$0x1] =	stream.indirect.gather [hbm4b:s4+s16], $0x80, s30, s16, $0xb8;
	[tilespmem:$0x1F000] =	vst v63  }
0x6a: {  	_ =	swait.ge [sflag:s20], $0x4000  }
0x6b: {  	[sflag:s20] =	ssyncset.done $0x0  }
0x6c: {  	s31 =	simm.s32 $0x1880;
	[sflag:s20] =	ssyncadd.s32 $0xFFFFC000  }
0x6d: {  	[spmem:s1] =	stream.indirect.scatter.add.f32 [tilespmem:s18], [sflag:$0x3], $0x80, s31, s16, $0xb8;
	[tilespmem:$0x1F000] =	vst v63  }
0x6e: {  	_ =	swait.ge [sflag:s14], $0x4000  }
0x6f: {  	s22 =	simm.s32 $0x100;
	s23 =	simm.s32 $0x800;
	[sflag:s14] =	ssyncset.done $0x0  }
.LBB2_4:
0x70: {  	s24 =	sadd.s32 $0x80, s22  }
0x71: {  	[sflag:s14] =	ssyncadd.s32 $0xFFFFC000;
	s25 =	smov.u32 s23;
	s26 =	sadd.s32 $0x400, s23  }
0x72: {  	[tilespmem:s18], [sflag:$0x2] =	stream.indirect.gather [hbm4b:s4+s16], $0x80, s24, s16, $0xb8;
	[tilespmem:$0x1F000] =	vst v63  }
0x73: {  	p0 =	sne.s32 s23, $0x4C00;
	_ =	swait.ge [sflag:s19], $0x4000  }
0x74: {  	[sflag:s19] =	ssyncset.done $0x0  }
0x75: {  	s23 =	sadd.s32 $0x1800, s22;
	[sflag:s19] =	ssyncadd.s32 $0xFFFFC000  }
0x76: {  	[spmem:s1] =	stream.indirect.scatter.add.f32 [tilespmem:s17], [sflag:$0x3], $0x80, s23, s16, $0xb8;
	[tilespmem:$0x1F000] =	vst v63  }
0x77: {  	_ =	swait.ge [sflag:s14], $0x4000  }
0x78: {  	[sflag:s14] =	ssyncset.done $0x0  }
0x79: {  	s23 =	sadd.s32 $0x100, s22;
	[sflag:s14] =	ssyncadd.s32 $0xFFFFC000  }
0x7a: {  	[tilespmem:s17], [sflag:$0x1] =	stream.indirect.gather [hbm4b:s4+s16], $0x80, s23, s16, $0xb8;
	[tilespmem:$0x1F000] =	vst v63  }
0x7b: {  	_ =	swait.ge [sflag:s20], $0x4000  }
.Ltmp1:
0x7c: {  	[sflag:s20] =	ssyncset.done $0x0;
	(pc) =	sbr.rel @p0 .LBB2_4-.Ltmp1, $4  }
0x7d: {  	s22 =	sadd.s32 $0x1880, s22;
	[sflag:s20] =	ssyncadd.s32 $0xFFFFC000  }
0x7e: {  	[spmem:s1] =	stream.indirect.scatter.add.f32 [tilespmem:s18], [sflag:$0x3], $0x80, s22, s16, $0xb8;
	[tilespmem:$0x1F000] =	vst v63  }
0x7f: {  	_ =	swait.ge [sflag:s14], $0x4000  }
0x80: {  	s23 =	smov.u32 s26;
	s22 =	sshra.s32 s25, $0x2;
	[sflag:s14] =	ssyncset.done $0x0  }
0x81: {  	s23 =	sadd.s32 $0x80, s22;
	[sflag:s14] =	ssyncadd.s32 $0xFFFFC000  }
0x82: {  	[tilespmem:s18], [sflag:$0x2] =	stream.indirect.gather [hbm4b:s4+s16], $0x80, s23, s16, $0xb8;
	[tilespmem:$0x1F000] =	vst v63  }
0x83: {  	_ =	swait.ge [sflag:s19], $0x4000  }
0x84: {  	[sflag:s19] =	ssyncset.done $0x0  }
0x85: {  	s29 =	sadd.s32 $0x1800, s22;
	[sflag:s19] =	ssyncadd.s32 $0xFFFFC000  }
0x86: {  	[spmem:s1] =	stream.indirect.scatter.add.f32 [tilespmem:s17], [sflag:$0x3], $0x80, s29, s16, $0xb8;
	[tilespmem:$0x1F000] =	vst v63  }
0x87: {  	_ =	swait.ge [sflag:s14], $0x4000  }
0x88: {  	[sflag:s14] =	ssyncset.done $0x0  }
0x89: {  	s30 =	sadd.s32 $0x100, s22;
	[sflag:s14] =	ssyncadd.s32 $0xFFFFC000  }
0x8a: {  	[tilespmem:s17], [sflag:$0x1] =	stream.indirect.gather [hbm4b:s4+s16], $0x80, s30, s16, $0xb8;
	[tilespmem:$0x1F000] =	vst v63  }
0x8b: {  	_ =	swait.ge [sflag:s20], $0x4000  }
0x8c: {  	[sflag:s20] =	ssyncset.done $0x0  }
0x8d: {  	s31 =	sadd.s32 $0x1880, s22;
	[sflag:s20] =	ssyncadd.s32 $0xFFFFC000  }
0x8e: {  	[spmem:s1] =	stream.indirect.scatter.add.f32 [tilespmem:s18], [sflag:$0x3], $0x80, s31, s16, $0xb8;
	[tilespmem:$0x1F000] =	vst v63  }
0x8f: {  	_ =	swait.ge [sflag:s14], $0x4000  }
0x90: {  	[sflag:s14] =	ssyncset.done $0x0  }
0x91: {  	[sflag:s14] =	ssyncadd.s32 $0xFFFFC000  }
0x92: {  	_ =	swait.ge [sflag:s19], $0x4000  }
0x93: {  	s21 =	sadd.s32 $0x1, s21;
	[sflag:s19] =	ssyncset.done $0x0  }
0x94: {  	p0 =	sne.s32 s21, s10;
	[sflag:s19] =	ssyncadd.s32 $0xFFFFC000  }
.Ltmp2:
0x95: {  	[bflag:$0x0] =	sbarrier.arrive $0xFFFF;
	(pc) =	sbr.rel @p0 .LBB2_1-.Ltmp2, $4  }
0x96: {  	[hbm:s9], [sflag:s12] =	dma.local [spmem:s13], $0x2800  }
0x97: {  	_ =	swait.ge [sflag:s14], $0x2800  }
0x98: {  	[sflag:s14] =	ssyncset.done $0x0  }
0x99: {  	[sflag:s14] =	ssyncadd.s32 $0xFFFFD800  }
0x9a: {  	_ =	sfence.sel $0x180000  }
0x9b: {  	[bflag:$0x0] =	sbarrier.arrive $0xFFFF  }
0x9c: {  	p0 =	sne.s32 s2, $0x0;
	_ =	strace $0x9000004A  }
0x9d: {  	s0 =	sadd.s32 @!p0 $0x100000, s0;
	[bflag:$0x2] =	sbarrier.arrive $0xFFFF  }
0x9e: {  	[sflag:s0] =	ssyncadd.tile.s32 @!p0 $0x1;
	_ =	shalt  }
.Lfunc_end2:
_tile_overlayer_lowered:
.L_overlay_start_2:
0x9f: {  	(tag) =	ssettag $0x2  }
0xa0: {  	s0 =	rddreg [dreg:$0x0];
	s2 =	stileid.u32  }
0xa1: {  	s1 =	rddreg [dreg:$0x1];
	p0 =	sne.s32 s2, $0x0  }
0xa2: {  	s3 =	rddreg [dreg:$0x2];
	[bflag:$0x3] =	sbarrier.arrive $0xFFFF;
	s2 =	simm.s32 @!p0 $0x1C03  }
0xa3: {  	[timem:s3], [sflag:s2] =	dma.local @!p0 [hbm:s0], s1  }
0xa4: {  	s0 =	simm.s32 @!p0 $0x3  }
0xa5: {  	_ =	swait.ge @!p0 [sflag:s0], s1  }
0xa6: {  	s1 =	ssub.s32 @!p0 $0x0, s1;
	[sflag:s0] =	ssyncset.done @!p0 $0x0  }
0xa7: {  	[sflag:s0] =	ssyncadd.s32 @!p0 s1  }
0xa8: {  	[bflag:$0x3] =	sbarrier.arrive $0xFFFF  }
0xa9: {  	_ =	shalt  }

// kernel: kernel.18.cloned.1.call-start
scs
__scs_entry_jumppad:
0x0: {  	(pc) =	sbr.rel $0x88, $3  }
0x1: {  	(tag) =	ssettag $0x0;
	lr =	simm.s32 $0x1  }
0x2: {  	[smem:$0x3F95] =	sst lr;
	_ =	strace $0xD0000000  }
0x3: {  	_ = 	snop  }
0x4: {  	_ = 	snop  }
0x5: {  	_ = 	snop  }
0x6: {  	_ = 	snop  }
0x7: {  	_ = 	snop  }
__scs_overlays_trampoline_lowered:
0x8: {  	[smem:$0x3FA4] =	sst s0  }
0x9: {  	[smem:$0x3FA5] =	sst s1  }
0xa: {  	[smem:$0x3FA6] =	sst s2  }
0xb: {  	[smem:$0x3FA7] =	sst s3  }
0xc: {  	[smem:$0x3FA8] =	sst s4  }
0xd: {  	[smem:$0x3FA9] =	sst s5  }
0xe: {  	[smem:$0x3FAA] =	sst s6  }
0xf: {  	[smem:$0x3FAB] =	sst s7  }
0x10: {  	[smem:$0x3FAC] =	sst s8  }
0x11: {  	[smem:$0x3FAD] =	sst s9;
	s0 =	simm.s32 @!p0 $0x0  }
0x12: {  	s1 =	sld [smem:$0x3F93];
	s0 =	simm.s32 @p0 $0x1  }
0x13: {  	[smem:$0x3FAE] =	sst s0;
	s0 =	simm.s32 @!p1 $0x0  }
0x14: {  	s2 =	sld [smem:$0x3F92];
	s0 =	simm.s32 @p1 $0x1  }
0x15: {  	[smem:$0x3FAF] =	sst s0;
	s0 =	simm.s32 @!p2 $0x0  }
0x16: {  	s3 =	sld [smem:$0x3FDB];
	s0 =	simm.s32 @p2 $0x1  }
0x17: {  	s4 =	simm.s32 $0x1BF5;
	[smem:$0x3FB1] =	sst s0  }
0x18: {  	s0 =	sld [smem:$0x3F94];
	_ =	swait.ge [sflag:s4], $0x0  }
0x19: {  	s7 =	sld [smem:$0x3F95]  }
0x1a: {  	s8 =	sadd.s32 $0xFFFFE003, lr  }
0x1b: {  	s9 =	sadd.s32 $0xFFFFFEF7, lr;
	s5 =	simm.s32 $0xFFFFFFFF;
	p2 =	slt.u32 s8, $0xFFFFF086  }
0x1c: {  	p1 =	slt.u32 s9, $0xF7A;
	s5 =	simm.s32 @!p2 $0x0  }
0x1d: {  	s5 =	simm.s32 @p1 $0x1;
	p0 =	seq.s32 s7, s2  }
0x1e: {  	s7 =	smul.u32 @!p0 $0xF7A, s2;
	p2 =	seq.s32 @!p0 s5, $0x0  }
0x1f: {  	s9 =	smul.u32 $0xF7A, s1;
	s8 =	simm.s32 @!p0 $0x1BF5;
	p2 =	por !p2, p0  }
0x20: {  	[sflag:s8] =	ssyncset.s32 @!p0 $0xFFFFF086;
	s6 =	sadd.s32 @!p0 s3, s7;
	s7 =	simm.s32 @!p0 $0x108  }
0x21: {  	s3 =	sadd.s32 s3, s9;
	s6 =	sadd.s32 @!p0 $0x88, s6;
	s7 =	simm.s32 @p2 $0x1082  }
0x22: {  	[simem:s7], [sflag:s8] =	dma.local @!p0 [hbm:s6], $0xF7A  }
0x23: {  	s9 =	sor.u32 $0xD0000000, s2;
	s6 =	simm.s32 $0x108;
	_ =	swait.ge @!p0 [sflag:s8], $0x0  }
0x24: {  	s3 =	sadd.s32 $0x88, s3;
	s6 =	simm.s32 @!p1 $0x1082;
	[sflag:s4] =	ssyncset.s32 $0xFFFFF086  }
0x25: {  	[simem:s6], [sflag:s4] =	dma.local [hbm:s3], $0xF7A  }
0x26: {  	[smem:$0x3F95] =	sst s1;
	(tag) =	ssettag s2;
	_ =	strace s9  }
0x27: {  	s1 =	sld [smem:$0x3FA5]  }
0x28: {  	s2 =	sld [smem:$0x3FA6]  }
0x29: {  	s4 =	sld [smem:$0x3FA8]  }
0x2a: {  	p0 =	seq.s32 s5, $0x0;
	s5 =	sld [smem:$0x3FA9]  }
0x2b: {  	s6 =	sld [smem:$0x3FAA]  }
0x2c: {  	s7 =	sld [smem:$0x3FAB]  }
0x2d: {  	s3 =	simm.s32 $0x108;
	s8 =	sld [smem:$0x3FAC]  }
0x2e: {  	s3 =	simm.s32 @!p0 $0x1082;
	s9 =	sld [smem:$0x3FAD]  }
0x2f: {  	lr =	sadd.s32 s0, s3;
	s0 =	sld [smem:$0x3FA4]  }
0x30: {  	s3 =	sld [smem:$0x3FA7]  }
0x31: {  	[smem:$0x3FB0] =	sst s10  }
0x32: {  	s10 =	sld [smem:$0x3FAE];
	_ =	sdelay $0x3  }
0x33: {  	p0 =	seq.s32 s10, $0x1;
	s10 =	sld [smem:$0x3FB0];
	_ =	sdelay $0x3  }
0x34: {  	[smem:$0x3FB0] =	sst s10  }
0x35: {  	s10 =	sld [smem:$0x3FAF];
	_ =	sdelay $0x3  }
0x36: {  	p1 =	seq.s32 s10, $0x1;
	s10 =	sld [smem:$0x3FB0];
	_ =	sdelay $0x3  }
0x37: {  	[smem:$0x3FB0] =	sst s10  }
0x38: {  	s10 =	sld [smem:$0x3FB1]  }
0x39: {  	_ = 	snop;
	(pc) =	sbr.ind lr, $3  }
0x3a: {  	_ = 	snop  }
0x3b: {  	_ = 	snop  }
0x3c: {  	p2 =	seq.s32 s10, $0x1;
	s10 =	sld [smem:$0x3FB0]  }
0x3d: {  	_ =	shalt  }
0x3e: {  	_ =	shalt  }
0x3f: {  	_ =	shalt  }
0x40: {  	_ =	shalt  }
0x41: {  	_ =	shalt  }
0x42: {  	_ =	shalt  }
0x43: {  	_ =	shalt  }
0x44: {  	_ =	shalt  }
0x45: {  	_ =	shalt  }
0x46: {  	_ =	shalt  }
0x47: {  	_ =	shalt  }
0x48: {  	_ =	shalt  }
0x49: {  	_ =	shalt  }
0x4a: {  	_ =	shalt  }
0x4b: {  	_ =	shalt  }
0x4c: {  	_ =	shalt  }
0x4d: {  	_ =	shalt  }
0x4e: {  	_ =	shalt  }
0x4f: {  	_ =	shalt  }
0x50: {  	_ =	shalt  }
0x51: {  	_ =	shalt  }
0x52: {  	_ =	shalt  }
0x53: {  	_ =	shalt  }
0x54: {  	_ =	shalt  }
0x55: {  	_ =	shalt  }
0x56: {  	_ =	shalt  }
0x57: {  	_ =	shalt  }
0x58: {  	_ =	shalt  }
0x59: {  	_ =	shalt  }
0x5a: {  	_ =	shalt  }
0x5b: {  	_ =	shalt  }
0x5c: {  	_ =	shalt  }
0x5d: {  	_ =	shalt  }
0x5e: {  	_ =	shalt  }
0x5f: {  	_ =	shalt  }
0x60: {  	_ =	shalt  }
0x61: {  	_ =	shalt  }
0x62: {  	_ =	shalt  }
0x63: {  	_ =	shalt  }
0x64: {  	_ =	shalt  }
0x65: {  	_ =	shalt  }
0x66: {  	_ =	shalt  }
0x67: {  	_ =	shalt  }
0x68: {  	_ =	shalt  }
0x69: {  	_ =	shalt  }
0x6a: {  	_ =	shalt  }
0x6b: {  	_ =	shalt  }
0x6c: {  	_ =	shalt  }
0x6d: {  	_ =	shalt  }
0x6e: {  	_ =	shalt  }
0x6f: {  	_ =	shalt  }
0x70: {  	_ =	shalt  }
0x71: {  	_ =	shalt  }
0x72: {  	_ =	shalt  }
0x73: {  	_ =	shalt  }
0x74: {  	_ =	shalt  }
0x75: {  	_ =	shalt  }
0x76: {  	_ =	shalt  }
0x77: {  	_ =	shalt  }
0x78: {  	_ =	shalt  }
0x79: {  	_ =	shalt  }
0x7a: {  	_ =	shalt  }
0x7b: {  	_ =	shalt  }
0x7c: {  	_ =	shalt  }
0x7d: {  	_ =	shalt  }
0x7e: {  	_ =	shalt  }
0x7f: {  	_ =	shalt  }
0x80: {  	_ =	shalt  }
0x81: {  	_ =	shalt  }
0x82: {  	_ =	shalt  }
0x83: {  	_ =	shalt  }
0x84: {  	_ =	shalt  }
0x85: {  	_ =	shalt  }
0x86: {  	_ =	shalt  }
0x87: {  	_ =	shalt  }
.Lfunc_end0:
.L_simem_size_0:
called_computation.2_lowered:
.L_overlay_start_0:
0x88: {  	s2 =	sld [smem:$0x3FD9]  }
0x89: {  	s3 =	sld [smem:$0x3FFE];
	_ =	sdelay $0x1  }
0x8a: {  	s1 =	srdreg.scid  }
0x8b: {  	s0 =	sand.u32 $0x1, s1  }
0x8c: {  	s17 =	sshll.u32 s0, $0xA;
	s2 =	sadd.s32 s3, s2  }
0x8d: {  	s2 =	sadd.s32 s2, s17  }
0x8e: {  	[smem:$0x3FBC] =	sst s2  }
0x8f: {  	_ = 	snop  }
0x90: {  	s2 =	sld [smem:$0x3FD0];
	(tm) =	ssettm $0x1  }
0x91: {  	s18 =	sld [smem:$0x3FFB];
	_ =	sdelay $0x3  }
0x92: {  	_ =	strace s18  }
0x93: {  	s3 =	sld [smem:$0x3FFC];
	_ =	sdelay $0x3  }
0x94: {  	_ =	strace s3  }
0x95: {  	s3 =	sld [smem:$0x3FFD];
	_ =	sdelay $0x3  }
0x96: {  	_ =	strace s3  }
0x97: {  	_ =	strace $0x8FFFFFFF  }
0x98: {  	s19 =	sld [smem:$0x3FDB];
	_ =	sdelay $0x1  }
0x99: {  	s4 =	simm.s32 $_scs_section_size  }
0x9a: {  	s5 =	simm.s32 $_size__tile_overlayer_lowered;
	s6 =	simm.s32 $_tile_overlayer_lowered  }
0x9b: {  	s22 =	simm.s32 $0x1BFF;
	s21 =	sshll.u32 s6, $0x1;
	s3 =	sadd.s32 s4, s19  }
0x9c: {  	s7 =	simm.s32 $0x0;
	s20 =	sshll.u32 s5, $0x1;
	s5 =	sadd.s32 s21, s3  }
0x9d: {  	[timem:s7], [sflag:s22] =	dma.local [hbm:s5], s20  }
0x9e: {  	_ =	swait.ge [sflag:s22], s20  }
0x9f: {  	s4 =	ssub.s32 $0x0, s20;
	[sflag:s22] =	ssyncset.done $0x0  }
0xa0: {  	[sflag:s22] =	ssyncadd.s32 s4;
	_ =	sdelay $0x1  }
0xa1: {  	s23 =	simm.s32 $0x1B8B  }
0xa2: {  	_ =	swait.ge [sflag:s23], $0x1  }
0xa3: {  	[sflag:s23] =	ssyncset.done $0x0  }
0xa4: {  	s25 =	simm.s32 $0x1B8E;
	s24 =	sld [smem:$0x3FFE];
	[sflag:s23] =	ssyncadd.s32 $0xFFFFFFFF  }
0xa5: {  	s26 =	simm.s32 $execute0_lowered;
	[smem:$0x3FD2] =	sst s25  }
0xa6: {  	s5 =	sshll.u32 s26, $0x1;
	_ =	strace $0x8000004C;
	[dreg:$0x1] =	wrdreg $0xFFFFFFFF  }
0xa7: {  	s28 =	simm.s32 $_size_execute0_lowered;
	s3 =	sadd.s32 s3, s5;
	[dreg:$0x0] =	wrdreg $0x0  }
0xa8: {  	s5 =	sshll.u32 s28, $0x1;
	[dreg:$0x2] =	wrdreg s3  }
0xa9: {  	[dreg:$0x3] =	wrdreg s5  }
0xaa: {  	[dreg:$0x4] =	wrdreg $0xC0  }
0xab: {  	_ =	task [dreg:s7], $0x5FFFF  }
0xac: {  	[dreg:$0x1] =	wrdreg $0xFFFFFFFF  }
0xad: {  	[dreg:$0x0] =	wrdreg $0x60  }
0xae: {  	[dreg:$0x2] =	wrdreg s24  }
0xaf: {  	[dreg:$0x3] =	wrdreg s2  }
0xb0: {  	[dreg:$0x4] =	wrdreg $0xB0000  }
0xb1: {  	[dreg:$0x5] =	wrdreg $0x9  }
0xb2: {  	_ =	task.clear_ibuf [dreg:s7], $0x6FFFF;
	_ =	strace $0x9000004C  }
0xb3: {  	s29 =	simm.s32 $0x9;
	_ =	strace $0x8000004E  }
0xb4: {  	_ =	swait.ge [sflag:s29], $0x1  }
0xb5: {  	[sflag:s29] =	ssyncadd.s32 $0xFFFFFFFF  }
0xb6: {  	_ =	strace $0x9000004E  }
0xb7: {  	_ =	sfence  }
0xb8: {  	s30 =	sld [smem:$0x0];
	_ =	sdelay $0x2  }
0xb9: {  	s31 =	sshll.u32 s1, $0xD;
	s1 =	sshrl.u32 s1, $0x2  }
0xba: {  	s3 =	sand.u32 $0x4000, s31;
	s1 =	sadd.s32 s1, s30  }
0xbb: {  	s0 =	sor.u32 s3, s0;
	s1 =	sshll.u32 s1, $0x11  }
0xbc: {  	s0 =	sor.u32 s1, s0  }
0xbd: {  	s0 =	sadd.s32 $0x8F2B, s0  }
0xbe: {  	[sflag:s0] =	ssyncadd.remote.s32 $0x1  }
0xbf: {  	_ =	sfence.sel $0xFFFF  }
0xc0: {  	[dreg:$0x0] =	wrdreg $0xFFFFFFFF;
	(pc) =	sbr.abs _section_cstart, $3  }
0xc1: {  	[dreg:$0x1] =	wrdreg $0xFFFFFFFF  }
0xc2: {  	_ =	task.clear_ibuf [dreg:s7], $0x2FFFF;
	_ =	strace $0x9FFFFFFF  }
0xc3: {  	(tm) =	ssettm $0x7FFFFFFF  }
tec
execute0_lowered:
.L_overlay_start_1:
0x0: {  	(tag) =	ssettag $0x1  }
0x1: {  	s5 =	rddreg [dreg:$0x0]  }
0x2: {  	s7 =	rddreg [dreg:$0x1]  }
0x3: {  	s1 =	rddreg [dreg:$0x2]  }
0x4: {  	s2 =	srdreg.scid;
	s0 =	rddreg [dreg:$0x3]  }
0x5: {  	s3 =	simm.s32 $0x0;
	s16 =	simm.s32 $0x80;
	s17 =	simm.s32 $0x3000  }
0x6: {  	s18 =	simm.s32 $0x7000;
	s19 =	simm.s32 $0x1;
	s20 =	simm.s32 $0x2  }
0x7: {  	s21 =	simm.s32 $0x0;
	s6 =	sand.u32 $0x1, s2;
	s2 =	stileid.u32  }
0x8: {  	[smem:$0x7FF] =	sst s3;
	s4 =	sadd.s32 $0x37800, s5;
	s8 =	smul.u32 $0x140000, s6  }
0x9: {  	s10 =	sadd.s32 $0x4000, s5;
	s11 =	sadd.s32 $0xF800, s5;
	s9 =	smul.u32 $0x14000, s2  }
0xa: {  	_ =	strace $0x8000004D;
	s25 =	sshll.u32 s2, $0x1;
	s13 =	smul.u32 $0x50000, s2  }
0xb: {  	s12 =	ssub.s32 $0x2, s6;
	p0 =	seq.s32 s6, $0x0;
	s29 =	smul.u32 $0x2800, s2  }
0xc: {  	s31 =	sshll.u32 s2, $0x6;
	s14 =	sshrl.u32 s12, $0x1;
	s11 =	smov.u32 @p0 s4  }
0xd: {  	s8 =	sadd.s32 s9, s8;
	s9 =	sor.u32 s6, s25;
	s12 =	ssub.s32 s12, s14  }
0xe: {  	s26 =	sshrl.u32 s13, $0x2;
	s11 =	sadd.s32 s11, s29;
	s9 =	smul.u32 $0x2C00, s9  }
0xf: {  	s14 =	simm.s32 $0x3;
	s8 =	sshrl.u32 s8, $0x3;
	s13 =	sadd.s32 s26, s1  }
0x10: {  	s15 =	sadd.s32 s8, s5;
	s13 =	sshrl.u32 s13, $0x3;
	s28 =	sshrl.u32 s9, $0x3  }
0x11: {  	s9 =	sadd.s32 $0x5F800, s15;
	s15 =	simm.s32 $0x1800;
	s30 =	sadd.s32 $0x280, s28  }
0x12: {  	s5 =	sadd.s32 s7, s28;
	s6 =	sadd.s32 s10, s28;
	s7 =	sadd.s32 s7, s30  }
0x13: {  	s8 =	sadd.s32 s10, s30;
	s10 =	smax.u32 s12, $0x1;
	s12 =	sor.u32 $0x1C03, s31  }
.LBB2_1:
0x14: {  	[spmem:s13], [sflag:s12] =	dma.local [hbm:s11], $0x2800  }
0x15: {  	_ =	swait.ge [sflag:s14], $0x2800  }
0x16: {  	[sflag:s14] =	ssyncset.done $0x0  }
0x17: {  	[sflag:s14] =	ssyncadd.s32 $0xFFFFD800  }
0x18: {  	[bflag:$0x0] =	sbarrier.arrive $0xFFFF  }
0x19: {  	[tilespmem:s3], [sflag:$0x3] =	stream.linear.gather [hbm4b:s5+s3], $0x1800, $0x38;
	[tilespmem:$0x1F000] =	vst v63  }
0x1a: {  	_ =	swait.ge [sflag:s14], $0x1800  }
0x1b: {  	[sflag:s14] =	ssyncset.done $0x0  }
0x1c: {  	[sflag:s14] =	ssyncadd.s32 $0xFFFFE800  }
0x1d: {  	[tilespmem:s15], [sflag:$0x3] =	stream.linear.gather [hbm4b:s6+s3], $0x1800, $0x38;
	[tilespmem:$0x1F000] =	vst v63  }
0x1e: {  	_ =	swait.ge [sflag:s14], $0x1800  }
0x1f: {  	[sflag:s14] =	ssyncset.done $0x0  }
0x20: {  	[sflag:s14] =	ssyncadd.s32 $0xFFFFE800  }
0x21: {  	[tilespmem:s17], [sflag:$0x1] =	stream.indirect.gather [hbm4b:s4+s16], $0x80, s3, s16, $0xb8;
	[tilespmem:$0x1F000] =	vst v63  }
0x22: {  	s22 =	simm.s32 $0x80  }
0x23: {  	[tilespmem:s18], [sflag:$0x2] =	stream.indirect.gather [hbm4b:s4+s16], $0x80, s22, s16, $0xb8;
	[tilespmem:$0x1F000] =	vst v63  }
0x24: {  	_ =	swait.ge [sflag:s19], $0x4000  }
0x25: {  	[sflag:s19] =	ssyncset.done $0x0  }
0x26: {  	s29 =	simm.s32 $0x1800;
	[sflag:s19] =	ssyncadd.s32 $0xFFFFC000  }
0x27: {  	[spmem:s1] =	stream.indirect.scatter.add.f32 [tilespmem:s17], [sflag:$0x3], $0x80, s29, s16, $0xb8;
	[tilespmem:$0x1F000] =	vst v63  }
0x28: {  	_ =	swait.ge [sflag:s14], $0x4000  }
0x29: {  	[sflag:s14] =	ssyncset.done $0x0  }
0x2a: {  	s30 =	simm.s32 $0x100;
	[sflag:s14] =	ssyncadd.s32 $0xFFFFC000  }
0x2b: {  	[tilespmem:s17], [sflag:$0x1] =	stream.indirect.gather [hbm4b:s4+s16], $0x80, s30, s16, $0xb8;
	[tilespmem:$0x1F000] =	vst v63  }
0x2c: {  	_ =	swait.ge [sflag:s20], $0x4000  }
0x2d: {  	[sflag:s20] =	ssyncset.done $0x0  }
0x2e: {  	s31 =	simm.s32 $0x1880;
	[sflag:s20] =	ssyncadd.s32 $0xFFFFC000  }
0x2f: {  	[spmem:s1] =	stream.indirect.scatter.add.f32 [tilespmem:s18], [sflag:$0x3], $0x80, s31, s16, $0xb8;
	[tilespmem:$0x1F000] =	vst v63  }
0x30: {  	_ =	swait.ge [sflag:s14], $0x4000  }
0x31: {  	s23 =	simm.s32 $0x800;
	s22 =	simm.s32 $0x100;
	[sflag:s14] =	ssyncset.done $0x0  }
.LBB2_2:
0x32: {  	s24 =	sadd.s32 $0x80, s22  }
0x33: {  	[sflag:s14] =	ssyncadd.s32 $0xFFFFC000;
	s25 =	smov.u32 s23;
	s26 =	sadd.s32 $0x400, s23  }
0x34: {  	[tilespmem:s18], [sflag:$0x2] =	stream.indirect.gather [hbm4b:s4+s16], $0x80, s24, s16, $0xb8;
	[tilespmem:$0x1F000] =	vst v63  }
0x35: {  	p0 =	sne.s32 s23, $0x4C00;
	_ =	swait.ge [sflag:s19], $0x4000  }
0x36: {  	[sflag:s19] =	ssyncset.done $0x0  }
0x37: {  	s23 =	sadd.s32 $0x1800, s22;
	[sflag:s19] =	ssyncadd.s32 $0xFFFFC000  }
0x38: {  	[spmem:s1] =	stream.indirect.scatter.add.f32 [tilespmem:s17], [sflag:$0x3], $0x80, s23, s16, $0xb8;
	[tilespmem:$0x1F000] =	vst v63  }
0x39: {  	_ =	swait.ge [sflag:s14], $0x4000  }
0x3a: {  	[sflag:s14] =	ssyncset.done $0x0  }
0x3b: {  	s23 =	sadd.s32 $0x100, s22;
	[sflag:s14] =	ssyncadd.s32 $0xFFFFC000  }
0x3c: {  	[tilespmem:s17], [sflag:$0x1] =	stream.indirect.gather [hbm4b:s4+s16], $0x80, s23, s16, $0xb8;
	[tilespmem:$0x1F000] =	vst v63  }
0x3d: {  	_ =	swait.ge [sflag:s20], $0x4000  }
.Ltmp0:
0x3e: {  	[sflag:s20] =	ssyncset.done $0x0;
	(pc) =	sbr.rel @p0 .LBB2_2-.Ltmp0, $4  }
0x3f: {  	s22 =	sadd.s32 $0x1880, s22;
	[sflag:s20] =	ssyncadd.s32 $0xFFFFC000  }
0x40: {  	[spmem:s1] =	stream.indirect.scatter.add.f32 [tilespmem:s18], [sflag:$0x3], $0x80, s22, s16, $0xb8;
	[tilespmem:$0x1F000] =	vst v63  }
0x41: {  	_ =	swait.ge [sflag:s14], $0x4000  }
0x42: {  	s23 =	smov.u32 s26;
	s22 =	sshra.s32 s25, $0x2;
	[sflag:s14] =	ssyncset.done $0x0  }
0x43: {  	s23 =	sadd.s32 $0x80, s22;
	[sflag:s14] =	ssyncadd.s32 $0xFFFFC000  }
0x44: {  	[tilespmem:s18], [sflag:$0x2] =	stream.indirect.gather [hbm4b:s4+s16], $0x80, s23, s16, $0xb8;
	[tilespmem:$0x1F000] =	vst v63  }
0x45: {  	_ =	swait.ge [sflag:s19], $0x4000  }
0x46: {  	[sflag:s19] =	ssyncset.done $0x0  }
0x47: {  	s31 =	sadd.s32 $0x1800, s22;
	[sflag:s19] =	ssyncadd.s32 $0xFFFFC000  }
0x48: {  	[spmem:s1] =	stream.indirect.scatter.add.f32 [tilespmem:s17], [sflag:$0x3], $0x80, s31, s16, $0xb8;
	[tilespmem:$0x1F000] =	vst v63  }
0x49: {  	_ =	swait.ge [sflag:s14], $0x4000  }
0x4a: {  	[sflag:s14] =	ssyncset.done $0x0  }
0x4b: {  	s24 =	sadd.s32 $0x100, s22;
	[sflag:s14] =	ssyncadd.s32 $0xFFFFC000  }
0x4c: {  	[tilespmem:s17], [sflag:$0x1] =	stream.indirect.gather [hbm4b:s4+s16], $0x80, s24, s16, $0xb8;
	[tilespmem:$0x1F000] =	vst v63  }
0x4d: {  	_ =	swait.ge [sflag:s20], $0x4000  }
0x4e: {  	[sflag:s20] =	ssyncset.done $0x0  }
0x4f: {  	s25 =	sadd.s32 $0x1880, s22;
	[sflag:s20] =	ssyncadd.s32 $0xFFFFC000  }
0x50: {  	[spmem:s1] =	stream.indirect.scatter.add.f32 [tilespmem:s18], [sflag:$0x3], $0x80, s25, s16, $0xb8;
	[tilespmem:$0x1F000] =	vst v63  }
0x51: {  	_ =	swait.ge [sflag:s14], $0x4000  }
0x52: {  	[sflag:s14] =	ssyncset.done $0x0  }
0x53: {  	[sflag:s14] =	ssyncadd.s32 $0xFFFFC000  }
0x54: {  	_ =	swait.ge [sflag:s19], $0x4000  }
0x55: {  	[sflag:s19] =	ssyncset.done $0x0  }
0x56: {  	s26 =	simm.s32 $0x0;
	[sflag:s19] =	ssyncadd.s32 $0xFFFFC000  }
0x57: {  	[tilespmem:s26], [sflag:$0x3] =	stream.linear.gather [hbm4b:s7+s26], $0x1800, $0x38;
	[tilespmem:$0x1F000] =	vst v63  }
0x58: {  	_ =	swait.ge [sflag:s14], $0x1800  }
0x59: {  	[sflag:s14] =	ssyncset.done $0x0  }
0x5a: {  	[sflag:s14] =	ssyncadd.s32 $0xFFFFE800  }
0x5b: {  	[tilespmem:s15], [sflag:$0x3] =	stream.linear.gather [hbm4b:s8+s26], $0x1800, $0x38;
	[tilespmem:$0x1F000] =	vst v63  }
0x5c: {  	_ =	swait.ge [sflag:s14], $0x1800  }
0x5d: {  	[sflag:s14] =	ssyncset.done $0x0  }
0x5e: {  	[sflag:s14] =	ssyncadd.s32 $0xFFFFE800  }
0x5f: {  	[tilespmem:s17], [sflag:$0x1] =	stream.indirect.gather [hbm4b:s4+s16], $0x80, s26, s16, $0xb8;
	[tilespmem:$0x1F000] =	vst v63  }
0x60: {  	s28 =	simm.s32 $0x80  }
0x61: {  	[tilespmem:s18], [sflag:$0x2] =	stream.indirect.gather [hbm4b:s4+s16], $0x80, s28, s16, $0xb8;
	[tilespmem:$0x1F000] =	vst v63  }
0x62: {  	_ =	swait.ge [sflag:s19], $0x4000  }
0x63: {  	[sflag:s19] =	ssyncset.done $0x0  }
0x64: {  	s29 =	simm.s32 $0x1800;
	[sflag:s19] =	ssyncadd.s32 $0xFFFFC000  }
0x65: {  	[spmem:s1] =	stream.indirect.scatter.add.f32 [tilespmem:s17], [sflag:$0x3], $0x80, s29, s16, $0xb8;
	[tilespmem:$0x1F000] =	vst v63  }
0x66: {  	_ =	swait.ge [sflag:s14], $0x4000  }
0x67: {  	[sflag:s14] =	ssyncset.done $0x0  }
0x68: {  	s30 =	simm.s32 $0x100;
	[sflag:s14] =	ssyncadd.s32 $0xFFFFC000  }
0x69: {  	[tilespmem:s17], [sflag:$0x1] =	stream.indirect.gather [hbm4b:s4+s16], $0x80, s30, s16, $0xb8;
	[tilespmem:$0x1F000] =	vst v63  }
0x6a: {  	_ =	swait.ge [sflag:s20], $0x4000  }
0x6b: {  	[sflag:s20] =	ssyncset.done $0x0  }
0x6c: {  	s31 =	simm.s32 $0x1880;
	[sflag:s20] =	ssyncadd.s32 $0xFFFFC000  }
0x6d: {  	[spmem:s1] =	stream.indirect.scatter.add.f32 [tilespmem:s18], [sflag:$0x3], $0x80, s31, s16, $0xb8;
	[tilespmem:$0x1F000] =	vst v63  }
0x6e: {  	_ =	swait.ge [sflag:s14], $0x4000  }
0x6f: {  	s22 =	simm.s32 $0x100;
	s23 =	simm.s32 $0x800;
	[sflag:s14] =	ssyncset.done $0x0  }
.LBB2_4:
0x70: {  	s24 =	sadd.s32 $0x80, s22  }
0x71: {  	[sflag:s14] =	ssyncadd.s32 $0xFFFFC000;
	s25 =	smov.u32 s23;
	s26 =	sadd.s32 $0x400, s23  }
0x72: {  	[tilespmem:s18], [sflag:$0x2] =	stream.indirect.gather [hbm4b:s4+s16], $0x80, s24, s16, $0xb8;
	[tilespmem:$0x1F000] =	vst v63  }
0x73: {  	p0 =	sne.s32 s23, $0x4C00;
	_ =	swait.ge [sflag:s19], $0x4000  }
0x74: {  	[sflag:s19] =	ssyncset.done $0x0  }
0x75: {  	s23 =	sadd.s32 $0x1800, s22;
	[sflag:s19] =	ssyncadd.s32 $0xFFFFC000  }
0x76: {  	[spmem:s1] =	stream.indirect.scatter.add.f32 [tilespmem:s17], [sflag:$0x3], $0x80, s23, s16, $0xb8;
	[tilespmem:$0x1F000] =	vst v63  }
0x77: {  	_ =	swait.ge [sflag:s14], $0x4000  }
0x78: {  	[sflag:s14] =	ssyncset.done $0x0  }
0x79: {  	s23 =	sadd.s32 $0x100, s22;
	[sflag:s14] =	ssyncadd.s32 $0xFFFFC000  }
0x7a: {  	[tilespmem:s17], [sflag:$0x1] =	stream.indirect.gather [hbm4b:s4+s16], $0x80, s23, s16, $0xb8;
	[tilespmem:$0x1F000] =	vst v63  }
0x7b: {  	_ =	swait.ge [sflag:s20], $0x4000  }
.Ltmp1:
0x7c: {  	[sflag:s20] =	ssyncset.done $0x0;
	(pc) =	sbr.rel @p0 .LBB2_4-.Ltmp1, $4  }
0x7d: {  	s22 =	sadd.s32 $0x1880, s22;
	[sflag:s20] =	ssyncadd.s32 $0xFFFFC000  }
0x7e: {  	[spmem:s1] =	stream.indirect.scatter.add.f32 [tilespmem:s18], [sflag:$0x3], $0x80, s22, s16, $0xb8;
	[tilespmem:$0x1F000] =	vst v63  }
0x7f: {  	_ =	swait.ge [sflag:s14], $0x4000  }
0x80: {  	s23 =	smov.u32 s26;
	s22 =	sshra.s32 s25, $0x2;
	[sflag:s14] =	ssyncset.done $0x0  }
0x81: {  	s23 =	sadd.s32 $0x80, s22;
	[sflag:s14] =	ssyncadd.s32 $0xFFFFC000  }
0x82: {  	[tilespmem:s18], [sflag:$0x2] =	stream.indirect.gather [hbm4b:s4+s16], $0x80, s23, s16, $0xb8;
	[tilespmem:$0x1F000] =	vst v63  }
0x83: {  	_ =	swait.ge [sflag:s19], $0x4000  }
0x84: {  	[sflag:s19] =	ssyncset.done $0x0  }
0x85: {  	s29 =	sadd.s32 $0x1800, s22;
	[sflag:s19] =	ssyncadd.s32 $0xFFFFC000  }
0x86: {  	[spmem:s1] =	stream.indirect.scatter.add.f32 [tilespmem:s17], [sflag:$0x3], $0x80, s29, s16, $0xb8;
	[tilespmem:$0x1F000] =	vst v63  }
0x87: {  	_ =	swait.ge [sflag:s14], $0x4000  }
0x88: {  	[sflag:s14] =	ssyncset.done $0x0  }
0x89: {  	s30 =	sadd.s32 $0x100, s22;
	[sflag:s14] =	ssyncadd.s32 $0xFFFFC000  }
0x8a: {  	[tilespmem:s17], [sflag:$0x1] =	stream.indirect.gather [hbm4b:s4+s16], $0x80, s30, s16, $0xb8;
	[tilespmem:$0x1F000] =	vst v63  }
0x8b: {  	_ =	swait.ge [sflag:s20], $0x4000  }
0x8c: {  	[sflag:s20] =	ssyncset.done $0x0  }
0x8d: {  	s31 =	sadd.s32 $0x1880, s22;
	[sflag:s20] =	ssyncadd.s32 $0xFFFFC000  }
0x8e: {  	[spmem:s1] =	stream.indirect.scatter.add.f32 [tilespmem:s18], [sflag:$0x3], $0x80, s31, s16, $0xb8;
	[tilespmem:$0x1F000] =	vst v63  }
0x8f: {  	_ =	swait.ge [sflag:s14], $0x4000  }
0x90: {  	[sflag:s14] =	ssyncset.done $0x0  }
0x91: {  	[sflag:s14] =	ssyncadd.s32 $0xFFFFC000  }
0x92: {  	_ =	swait.ge [sflag:s19], $0x4000  }
0x93: {  	s21 =	sadd.s32 $0x1, s21;
	[sflag:s19] =	ssyncset.done $0x0  }
0x94: {  	p0 =	sne.s32 s21, s10;
	[sflag:s19] =	ssyncadd.s32 $0xFFFFC000  }
.Ltmp2:
0x95: {  	[bflag:$0x0] =	sbarrier.arrive $0xFFFF;
	(pc) =	sbr.rel @p0 .LBB2_1-.Ltmp2, $4  }
0x96: {  	[hbm:s9], [sflag:s12] =	dma.local [spmem:s13], $0x2800  }
0x97: {  	_ =	swait.ge [sflag:s14], $0x2800  }
0x98: {  	[sflag:s14] =	ssyncset.done $0x0  }
0x99: {  	[sflag:s14] =	ssyncadd.s32 $0xFFFFD800  }
0x9a: {  	_ =	sfence.sel $0x180000  }
0x9b: {  	[bflag:$0x0] =	sbarrier.arrive $0xFFFF  }
0x9c: {  	p0 =	sne.s32 s2, $0x0;
	_ =	strace $0x9000004D  }
0x9d: {  	s0 =	sadd.s32 @!p0 $0x100000, s0;
	[bflag:$0x2] =	sbarrier.arrive $0xFFFF  }
0x9e: {  	[sflag:s0] =	ssyncadd.tile.s32 @!p0 $0x1;
	_ =	shalt  }
.Lfunc_end2:
_tile_overlayer_lowered:
.L_overlay_start_2:
0x9f: {  	(tag) =	ssettag $0x2  }
0xa0: {  	s0 =	rddreg [dreg:$0x0];
	s2 =	stileid.u32  }
0xa1: {  	s1 =	rddreg [dreg:$0x1];
	p0 =	sne.s32 s2, $0x0  }
0xa2: {  	s3 =	rddreg [dreg:$0x2];
	[bflag:$0x3] =	sbarrier.arrive $0xFFFF;
	s2 =	simm.s32 @!p0 $0x1C03  }
0xa3: {  	[timem:s3], [sflag:s2] =	dma.local @!p0 [hbm:s0], s1  }
0xa4: {  	s0 =	simm.s32 @!p0 $0x3  }
0xa5: {  	_ =	swait.ge @!p0 [sflag:s0], s1  }
0xa6: {  	s1 =	ssub.s32 @!p0 $0x0, s1;
	[sflag:s0] =	ssyncset.done @!p0 $0x0  }
0xa7: {  	[sflag:s0] =	ssyncadd.s32 @!p0 s1  }
0xa8: {  	[bflag:$0x3] =	sbarrier.arrive $0xFFFF  }
0xa9: {  	_ =	shalt  }

// kernel: kernel.21.cloned.1.call-start
scs
__scs_entry_jumppad:
0x0: {  	(pc) =	sbr.rel $0x88, $3  }
0x1: {  	(tag) =	ssettag $0x0;
	lr =	simm.s32 $0x1  }
0x2: {  	[smem:$0x3F95] =	sst lr;
	_ =	strace $0xD0000000  }
0x3: {  	_ = 	snop  }
0x4: {  	_ = 	snop  }
0x5: {  	_ = 	snop  }
0x6: {  	_ = 	snop  }
0x7: {  	_ = 	snop  }
__scs_overlays_trampoline_lowered:
0x8: {  	[smem:$0x3FA4] =	sst s0  }
0x9: {  	[smem:$0x3FA5] =	sst s1  }
0xa: {  	[smem:$0x3FA6] =	sst s2  }
0xb: {  	[smem:$0x3FA7] =	sst s3  }
0xc: {  	[smem:$0x3FA8] =	sst s4  }
0xd: {  	[smem:$0x3FA9] =	sst s5  }
0xe: {  	[smem:$0x3FAA] =	sst s6  }
0xf: {  	[smem:$0x3FAB] =	sst s7  }
0x10: {  	[smem:$0x3FAC] =	sst s8  }
0x11: {  	[smem:$0x3FAD] =	sst s9;
	s0 =	simm.s32 @!p0 $0x0  }
0x12: {  	s1 =	sld [smem:$0x3F93];
	s0 =	simm.s32 @p0 $0x1  }
0x13: {  	[smem:$0x3FAE] =	sst s0;
	s0 =	simm.s32 @!p1 $0x0  }
0x14: {  	s2 =	sld [smem:$0x3F92];
	s0 =	simm.s32 @p1 $0x1  }
0x15: {  	[smem:$0x3FAF] =	sst s0;
	s0 =	simm.s32 @!p2 $0x0  }
0x16: {  	s3 =	sld [smem:$0x3FDB];
	s0 =	simm.s32 @p2 $0x1  }
0x17: {  	s4 =	simm.s32 $0x1BF5;
	[smem:$0x3FB1] =	sst s0  }
0x18: {  	s0 =	sld [smem:$0x3F94];
	_ =	swait.ge [sflag:s4], $0x0  }
0x19: {  	s7 =	sld [smem:$0x3F95]  }
0x1a: {  	s8 =	sadd.s32 $0xFFFFE003, lr  }
0x1b: {  	s9 =	sadd.s32 $0xFFFFFEF7, lr;
	s5 =	simm.s32 $0xFFFFFFFF;
	p2 =	slt.u32 s8, $0xFFFFF086  }
0x1c: {  	p1 =	slt.u32 s9, $0xF7A;
	s5 =	simm.s32 @!p2 $0x0  }
0x1d: {  	s5 =	simm.s32 @p1 $0x1;
	p0 =	seq.s32 s7, s2  }
0x1e: {  	s7 =	smul.u32 @!p0 $0xF7A, s2;
	p2 =	seq.s32 @!p0 s5, $0x0  }
0x1f: {  	s9 =	smul.u32 $0xF7A, s1;
	s8 =	simm.s32 @!p0 $0x1BF5;
	p2 =	por !p2, p0  }
0x20: {  	[sflag:s8] =	ssyncset.s32 @!p0 $0xFFFFF086;
	s6 =	sadd.s32 @!p0 s3, s7;
	s7 =	simm.s32 @!p0 $0x108  }
0x21: {  	s3 =	sadd.s32 s3, s9;
	s6 =	sadd.s32 @!p0 $0x88, s6;
	s7 =	simm.s32 @p2 $0x1082  }
0x22: {  	[simem:s7], [sflag:s8] =	dma.local @!p0 [hbm:s6], $0xF7A  }
0x23: {  	s9 =	sor.u32 $0xD0000000, s2;
	s6 =	simm.s32 $0x108;
	_ =	swait.ge @!p0 [sflag:s8], $0x0  }
0x24: {  	s3 =	sadd.s32 $0x88, s3;
	s6 =	simm.s32 @!p1 $0x1082;
	[sflag:s4] =	ssyncset.s32 $0xFFFFF086  }
0x25: {  	[simem:s6], [sflag:s4] =	dma.local [hbm:s3], $0xF7A  }
0x26: {  	[smem:$0x3F95] =	sst s1;
	(tag) =	ssettag s2;
	_ =	strace s9  }
0x27: {  	s1 =	sld [smem:$0x3FA5]  }
0x28: {  	s2 =	sld [smem:$0x3FA6]  }
0x29: {  	s4 =	sld [smem:$0x3FA8]  }
0x2a: {  	p0 =	seq.s32 s5, $0x0;
	s5 =	sld [smem:$0x3FA9]  }
0x2b: {  	s6 =	sld [smem:$0x3FAA]  }
0x2c: {  	s7 =	sld [smem:$0x3FAB]  }
0x2d: {  	s3 =	simm.s32 $0x108;
	s8 =	sld [smem:$0x3FAC]  }
0x2e: {  	s3 =	simm.s32 @!p0 $0x1082;
	s9 =	sld [smem:$0x3FAD]  }
0x2f: {  	lr =	sadd.s32 s0, s3;
	s0 =	sld [smem:$0x3FA4]  }
0x30: {  	s3 =	sld [smem:$0x3FA7]  }
0x31: {  	[smem:$0x3FB0] =	sst s10  }
0x32: {  	s10 =	sld [smem:$0x3FAE];
	_ =	sdelay $0x3  }
0x33: {  	p0 =	seq.s32 s10, $0x1;
	s10 =	sld [smem:$0x3FB0];
	_ =	sdelay $0x3  }
0x34: {  	[smem:$0x3FB0] =	sst s10  }
0x35: {  	s10 =	sld [smem:$0x3FAF];
	_ =	sdelay $0x3  }
0x36: {  	p1 =	seq.s32 s10, $0x1;
	s10 =	sld [smem:$0x3FB0];
	_ =	sdelay $0x3  }
0x37: {  	[smem:$0x3FB0] =	sst s10  }
0x38: {  	s10 =	sld [smem:$0x3FB1]  }
0x39: {  	_ = 	snop;
	(pc) =	sbr.ind lr, $3  }
0x3a: {  	_ = 	snop  }
0x3b: {  	_ = 	snop  }
0x3c: {  	p2 =	seq.s32 s10, $0x1;
	s10 =	sld [smem:$0x3FB0]  }
0x3d: {  	_ =	shalt  }
0x3e: {  	_ =	shalt  }
0x3f: {  	_ =	shalt  }
0x40: {  	_ =	shalt  }
0x41: {  	_ =	shalt  }
0x42: {  	_ =	shalt  }
0x43: {  	_ =	shalt  }
0x44: {  	_ =	shalt  }
0x45: {  	_ =	shalt  }
0x46: {  	_ =	shalt  }
0x47: {  	_ =	shalt  }
0x48: {  	_ =	shalt  }
0x49: {  	_ =	shalt  }
0x4a: {  	_ =	shalt  }
0x4b: {  	_ =	shalt  }
0x4c: {  	_ =	shalt  }
0x4d: {  	_ =	shalt  }
0x4e: {  	_ =	shalt  }
0x4f: {  	_ =	shalt  }
0x50: {  	_ =	shalt  }
0x51: {  	_ =	shalt  }
0x52: {  	_ =	shalt  }
0x53: {  	_ =	shalt  }
0x54: {  	_ =	shalt  }
0x55: {  	_ =	shalt  }
0x56: {  	_ =	shalt  }
0x57: {  	_ =	shalt  }
0x58: {  	_ =	shalt  }
0x59: {  	_ =	shalt  }
0x5a: {  	_ =	shalt  }
0x5b: {  	_ =	shalt  }
0x5c: {  	_ =	shalt  }
0x5d: {  	_ =	shalt  }
0x5e: {  	_ =	shalt  }
0x5f: {  	_ =	shalt  }
0x60: {  	_ =	shalt  }
0x61: {  	_ =	shalt  }
0x62: {  	_ =	shalt  }
0x63: {  	_ =	shalt  }
0x64: {  	_ =	shalt  }
0x65: {  	_ =	shalt  }
0x66: {  	_ =	shalt  }
0x67: {  	_ =	shalt  }
0x68: {  	_ =	shalt  }
0x69: {  	_ =	shalt  }
0x6a: {  	_ =	shalt  }
0x6b: {  	_ =	shalt  }
0x6c: {  	_ =	shalt  }
0x6d: {  	_ =	shalt  }
0x6e: {  	_ =	shalt  }
0x6f: {  	_ =	shalt  }
0x70: {  	_ =	shalt  }
0x71: {  	_ =	shalt  }
0x72: {  	_ =	shalt  }
0x73: {  	_ =	shalt  }
0x74: {  	_ =	shalt  }
0x75: {  	_ =	shalt  }
0x76: {  	_ =	shalt  }
0x77: {  	_ =	shalt  }
0x78: {  	_ =	shalt  }
0x79: {  	_ =	shalt  }
0x7a: {  	_ =	shalt  }
0x7b: {  	_ =	shalt  }
0x7c: {  	_ =	shalt  }
0x7d: {  	_ =	shalt  }
0x7e: {  	_ =	shalt  }
0x7f: {  	_ =	shalt  }
0x80: {  	_ =	shalt  }
0x81: {  	_ =	shalt  }
0x82: {  	_ =	shalt  }
0x83: {  	_ =	shalt  }
0x84: {  	_ =	shalt  }
0x85: {  	_ =	shalt  }
0x86: {  	_ =	shalt  }
0x87: {  	_ =	shalt  }
.Lfunc_end0:
.L_simem_size_0:
called_computation.3_lowered:
.L_overlay_start_0:
0x88: {  	s2 =	sld [smem:$0x3FD9]  }
0x89: {  	s3 =	sld [smem:$0x3FFE];
	_ =	sdelay $0x1  }
0x8a: {  	s1 =	srdreg.scid  }
0x8b: {  	s0 =	sand.u32 $0x1, s1  }
0x8c: {  	s17 =	sshll.u32 s0, $0xA;
	s2 =	sadd.s32 s3, s2  }
0x8d: {  	s2 =	sadd.s32 s2, s17  }
0x8e: {  	[smem:$0x3FBC] =	sst s2  }
0x8f: {  	_ = 	snop  }
0x90: {  	s2 =	sld [smem:$0x3FD0];
	(tm) =	ssettm $0x1  }
0x91: {  	s18 =	sld [smem:$0x3FFB];
	_ =	sdelay $0x3  }
0x92: {  	_ =	strace s18  }
0x93: {  	s3 =	sld [smem:$0x3FFC];
	_ =	sdelay $0x3  }
0x94: {  	_ =	strace s3  }
0x95: {  	s3 =	sld [smem:$0x3FFD];
	_ =	sdelay $0x3  }
0x96: {  	_ =	strace s3  }
0x97: {  	_ =	strace $0x8FFFFFFF  }
0x98: {  	s19 =	sld [smem:$0x3FDB];
	_ =	sdelay $0x1  }
0x99: {  	s4 =	simm.s32 $_scs_section_size  }
0x9a: {  	s5 =	simm.s32 $_size__tile_overlayer_lowered;
	s6 =	simm.s32 $_tile_overlayer_lowered  }
0x9b: {  	s22 =	simm.s32 $0x1BFF;
	s21 =	sshll.u32 s6, $0x1;
	s3 =	sadd.s32 s4, s19  }
0x9c: {  	s7 =	simm.s32 $0x0;
	s20 =	sshll.u32 s5, $0x1;
	s5 =	sadd.s32 s21, s3  }
0x9d: {  	[timem:s7], [sflag:s22] =	dma.local [hbm:s5], s20  }
0x9e: {  	_ =	swait.ge [sflag:s22], s20  }
0x9f: {  	s4 =	ssub.s32 $0x0, s20;
	[sflag:s22] =	ssyncset.done $0x0  }
0xa0: {  	[sflag:s22] =	ssyncadd.s32 s4;
	_ =	sdelay $0x1  }
0xa1: {  	s23 =	simm.s32 $0x1B8B  }
0xa2: {  	_ =	swait.ge [sflag:s23], $0x1  }
0xa3: {  	[sflag:s23] =	ssyncset.done $0x0  }
0xa4: {  	s25 =	simm.s32 $0x1B8E;
	s24 =	sld [smem:$0x3FFE];
	[sflag:s23] =	ssyncadd.s32 $0xFFFFFFFF  }
0xa5: {  	s26 =	simm.s32 $execute0_lowered;
	[smem:$0x3FD2] =	sst s25  }
0xa6: {  	s5 =	sshll.u32 s26, $0x1;
	_ =	strace $0x8000004F;
	[dreg:$0x1] =	wrdreg $0xFFFFFFFF  }
0xa7: {  	s28 =	simm.s32 $_size_execute0_lowered;
	s3 =	sadd.s32 s3, s5;
	[dreg:$0x0] =	wrdreg $0x0  }
0xa8: {  	s5 =	sshll.u32 s28, $0x1;
	[dreg:$0x2] =	wrdreg s3  }
0xa9: {  	[dreg:$0x3] =	wrdreg s5  }
0xaa: {  	[dreg:$0x4] =	wrdreg $0xC0  }
0xab: {  	_ =	task [dreg:s7], $0x5FFFF  }
0xac: {  	[dreg:$0x1] =	wrdreg $0xFFFFFFFF  }
0xad: {  	[dreg:$0x0] =	wrdreg $0x60  }
0xae: {  	[dreg:$0x2] =	wrdreg s24  }
0xaf: {  	[dreg:$0x3] =	wrdreg s2  }
0xb0: {  	[dreg:$0x4] =	wrdreg $0xB0000  }
0xb1: {  	[dreg:$0x5] =	wrdreg $0x9  }
0xb2: {  	_ =	task.clear_ibuf [dreg:s7], $0x6FFFF;
	_ =	strace $0x9000004F  }
0xb3: {  	s29 =	simm.s32 $0x9;
	_ =	strace $0x80000051  }
0xb4: {  	_ =	swait.ge [sflag:s29], $0x1  }
0xb5: {  	[sflag:s29] =	ssyncadd.s32 $0xFFFFFFFF  }
0xb6: {  	_ =	strace $0x90000051  }
0xb7: {  	_ =	sfence  }
0xb8: {  	s30 =	sld [smem:$0x0];
	_ =	sdelay $0x2  }
0xb9: {  	s31 =	sshll.u32 s1, $0xD;
	s1 =	sshrl.u32 s1, $0x2  }
0xba: {  	s3 =	sand.u32 $0x4000, s31;
	s1 =	sadd.s32 s1, s30  }
0xbb: {  	s0 =	sor.u32 s3, s0;
	s1 =	sshll.u32 s1, $0x11  }
0xbc: {  	s0 =	sor.u32 s1, s0  }
0xbd: {  	s0 =	sadd.s32 $0x8F2B, s0  }
0xbe: {  	[sflag:s0] =	ssyncadd.remote.s32 $0x1  }
0xbf: {  	_ =	sfence.sel $0xFFFF  }
0xc0: {  	[dreg:$0x0] =	wrdreg $0xFFFFFFFF;
	(pc) =	sbr.abs _section_cstart, $3  }
0xc1: {  	[dreg:$0x1] =	wrdreg $0xFFFFFFFF  }
0xc2: {  	_ =	task.clear_ibuf [dreg:s7], $0x2FFFF;
	_ =	strace $0x9FFFFFFF  }
0xc3: {  	(tm) =	ssettm $0x7FFFFFFF  }
tec
execute0_lowered:
.L_overlay_start_1:
0x0: {  	(tag) =	ssettag $0x1  }
0x1: {  	s5 =	rddreg [dreg:$0x0]  }
0x2: {  	s7 =	rddreg [dreg:$0x1]  }
0x3: {  	s1 =	rddreg [dreg:$0x2]  }
0x4: {  	s2 =	srdreg.scid;
	s0 =	rddreg [dreg:$0x3]  }
0x5: {  	s3 =	simm.s32 $0x0;
	s16 =	simm.s32 $0x80;
	s17 =	simm.s32 $0x3000  }
0x6: {  	s18 =	simm.s32 $0x7000;
	s19 =	simm.s32 $0x1;
	s20 =	simm.s32 $0x2  }
0x7: {  	s21 =	simm.s32 $0x0;
	s6 =	sand.u32 $0x1, s2;
	s2 =	stileid.u32  }
0x8: {  	[smem:$0x7FF] =	sst s3;
	s4 =	sadd.s32 $0x37800, s5;
	s8 =	smul.u32 $0x140000, s6  }
0x9: {  	s10 =	sadd.s32 $0x4000, s5;
	s11 =	sadd.s32 $0xF800, s5;
	s9 =	smul.u32 $0x14000, s2  }
0xa: {  	_ =	strace $0x80000050;
	s25 =	sshll.u32 s2, $0x1;
	s13 =	smul.u32 $0x50000, s2  }
0xb: {  	s12 =	ssub.s32 $0x2, s6;
	p0 =	seq.s32 s6, $0x0;
	s29 =	smul.u32 $0x2800, s2  }
0xc: {  	s31 =	sshll.u32 s2, $0x6;
	s14 =	sshrl.u32 s12, $0x1;
	s11 =	smov.u32 @p0 s4  }
0xd: {  	s8 =	sadd.s32 s9, s8;
	s9 =	sor.u32 s6, s25;
	s12 =	ssub.s32 s12, s14  }
0xe: {  	s26 =	sshrl.u32 s13, $0x2;
	s11 =	sadd.s32 s11, s29;
	s9 =	smul.u32 $0x2C00, s9  }
0xf: {  	s14 =	simm.s32 $0x3;
	s8 =	sshrl.u32 s8, $0x3;
	s13 =	sadd.s32 s26, s1  }
0x10: {  	s15 =	sadd.s32 s8, s5;
	s13 =	sshrl.u32 s13, $0x3;
	s28 =	sshrl.u32 s9, $0x3  }
0x11: {  	s9 =	sadd.s32 $0x5F800, s15;
	s15 =	simm.s32 $0x1800;
	s30 =	sadd.s32 $0x280, s28  }
0x12: {  	s5 =	sadd.s32 s7, s28;
	s6 =	sadd.s32 s10, s28;
	s7 =	sadd.s32 s7, s30  }
0x13: {  	s8 =	sadd.s32 s10, s30;
	s10 =	smax.u32 s12, $0x1;
	s12 =	sor.u32 $0x1C03, s31  }
.LBB2_1:
0x14: {  	[spmem:s13], [sflag:s12] =	dma.local [hbm:s11], $0x2800  }
0x15: {  	_ =	swait.ge [sflag:s14], $0x2800  }
0x16: {  	[sflag:s14] =	ssyncset.done $0x0  }
0x17: {  	[sflag:s14] =	ssyncadd.s32 $0xFFFFD800  }
0x18: {  	[bflag:$0x0] =	sbarrier.arrive $0xFFFF  }
0x19: {  	[tilespmem:s3], [sflag:$0x3] =	stream.linear.gather [hbm4b:s5+s3], $0x1800, $0x38;
	[tilespmem:$0x1F000] =	vst v63  }
0x1a: {  	_ =	swait.ge [sflag:s14], $0x1800  }
0x1b: {  	[sflag:s14] =	ssyncset.done $0x0  }
0x1c: {  	[sflag:s14] =	ssyncadd.s32 $0xFFFFE800  }
0x1d: {  	[tilespmem:s15], [sflag:$0x3] =	stream.linear.gather [hbm4b:s6+s3], $0x1800, $0x38;
	[tilespmem:$0x1F000] =	vst v63  }
0x1e: {  	_ =	swait.ge [sflag:s14], $0x1800  }
0x1f: {  	[sflag:s14] =	ssyncset.done $0x0  }
0x20: {  	[sflag:s14] =	ssyncadd.s32 $0xFFFFE800  }
0x21: {  	[tilespmem:s17], [sflag:$0x1] =	stream.indirect.gather [hbm4b:s4+s16], $0x80, s3, s16, $0xb8;
	[tilespmem:$0x1F000] =	vst v63  }
0x22: {  	s22 =	simm.s32 $0x80  }
0x23: {  	[tilespmem:s18], [sflag:$0x2] =	stream.indirect.gather [hbm4b:s4+s16], $0x80, s22, s16, $0xb8;
	[tilespmem:$0x1F000] =	vst v63  }
0x24: {  	_ =	swait.ge [sflag:s19], $0x4000  }
0x25: {  	[sflag:s19] =	ssyncset.done $0x0  }
0x26: {  	s29 =	simm.s32 $0x1800;
	[sflag:s19] =	ssyncadd.s32 $0xFFFFC000  }
0x27: {  	[spmem:s1] =	stream.indirect.scatter.add.f32 [tilespmem:s17], [sflag:$0x3], $0x80, s29, s16, $0xb8;
	[tilespmem:$0x1F000] =	vst v63  }
0x28: {  	_ =	swait.ge [sflag:s14], $0x4000  }
0x29: {  	[sflag:s14] =	ssyncset.done $0x0  }
0x2a: {  	s30 =	simm.s32 $0x100;
	[sflag:s14] =	ssyncadd.s32 $0xFFFFC000  }
0x2b: {  	[tilespmem:s17], [sflag:$0x1] =	stream.indirect.gather [hbm4b:s4+s16], $0x80, s30, s16, $0xb8;
	[tilespmem:$0x1F000] =	vst v63  }
0x2c: {  	_ =	swait.ge [sflag:s20], $0x4000  }
0x2d: {  	[sflag:s20] =	ssyncset.done $0x0  }
0x2e: {  	s31 =	simm.s32 $0x1880;
	[sflag:s20] =	ssyncadd.s32 $0xFFFFC000  }
0x2f: {  	[spmem:s1] =	stream.indirect.scatter.add.f32 [tilespmem:s18], [sflag:$0x3], $0x80, s31, s16, $0xb8;
	[tilespmem:$0x1F000] =	vst v63  }
0x30: {  	_ =	swait.ge [sflag:s14], $0x4000  }
0x31: {  	s23 =	simm.s32 $0x800;
	s22 =	simm.s32 $0x100;
	[sflag:s14] =	ssyncset.done $0x0  }
.LBB2_2:
0x32: {  	s24 =	sadd.s32 $0x80, s22  }
0x33: {  	[sflag:s14] =	ssyncadd.s32 $0xFFFFC000;
	s25 =	smov.u32 s23;
	s26 =	sadd.s32 $0x400, s23  }
0x34: {  	[tilespmem:s18], [sflag:$0x2] =	stream.indirect.gather [hbm4b:s4+s16], $0x80, s24, s16, $0xb8;
	[tilespmem:$0x1F000] =	vst v63  }
0x35: {  	p0 =	sne.s32 s23, $0x4C00;
	_ =	swait.ge [sflag:s19], $0x4000  }
0x36: {  	[sflag:s19] =	ssyncset.done $0x0  }
0x37: {  	s23 =	sadd.s32 $0x1800, s22;
	[sflag:s19] =	ssyncadd.s32 $0xFFFFC000  }
0x38: {  	[spmem:s1] =	stream.indirect.scatter.add.f32 [tilespmem:s17], [sflag:$0x3], $0x80, s23, s16, $0xb8;
	[tilespmem:$0x1F000] =	vst v63  }
0x39: {  	_ =	swait.ge [sflag:s14], $0x4000  }
0x3a: {  	[sflag:s14] =	ssyncset.done $0x0  }
0x3b: {  	s23 =	sadd.s32 $0x100, s22;
	[sflag:s14] =	ssyncadd.s32 $0xFFFFC000  }
0x3c: {  	[tilespmem:s17], [sflag:$0x1] =	stream.indirect.gather [hbm4b:s4+s16], $0x80, s23, s16, $0xb8;
	[tilespmem:$0x1F000] =	vst v63  }
0x3d: {  	_ =	swait.ge [sflag:s20], $0x4000  }
.Ltmp0:
0x3e: {  	[sflag:s20] =	ssyncset.done $0x0;
	(pc) =	sbr.rel @p0 .LBB2_2-.Ltmp0, $4  }
0x3f: {  	s22 =	sadd.s32 $0x1880, s22;
	[sflag:s20] =	ssyncadd.s32 $0xFFFFC000  }
0x40: {  	[spmem:s1] =	stream.indirect.scatter.add.f32 [tilespmem:s18], [sflag:$0x3], $0x80, s22, s16, $0xb8;
	[tilespmem:$0x1F000] =	vst v63  }
0x41: {  	_ =	swait.ge [sflag:s14], $0x4000  }
0x42: {  	s23 =	smov.u32 s26;
	s22 =	sshra.s32 s25, $0x2;
	[sflag:s14] =	ssyncset.done $0x0  }
0x43: {  	s23 =	sadd.s32 $0x80, s22;
	[sflag:s14] =	ssyncadd.s32 $0xFFFFC000  }
0x44: {  	[tilespmem:s18], [sflag:$0x2] =	stream.indirect.gather [hbm4b:s4+s16], $0x80, s23, s16, $0xb8;
	[tilespmem:$0x1F000] =	vst v63  }
0x45: {  	_ =	swait.ge [sflag:s19], $0x4000  }
0x46: {  	[sflag:s19] =	ssyncset.done $0x0  }
0x47: {  	s31 =	sadd.s32 $0x1800, s22;
	[sflag:s19] =	ssyncadd.s32 $0xFFFFC000  }
0x48: {  	[spmem:s1] =	stream.indirect.scatter.add.f32 [tilespmem:s17], [sflag:$0x3], $0x80, s31, s16, $0xb8;
	[tilespmem:$0x1F000] =	vst v63  }
0x49: {  	_ =	swait.ge [sflag:s14], $0x4000  }
0x4a: {  	[sflag:s14] =	ssyncset.done $0x0  }
0x4b: {  	s24 =	sadd.s32 $0x100, s22;
	[sflag:s14] =	ssyncadd.s32 $0xFFFFC000  }
0x4c: {  	[tilespmem:s17], [sflag:$0x1] =	stream.indirect.gather [hbm4b:s4+s16], $0x80, s24, s16, $0xb8;
	[tilespmem:$0x1F000] =	vst v63  }
0x4d: {  	_ =	swait.ge [sflag:s20], $0x4000  }
0x4e: {  	[sflag:s20] =	ssyncset.done $0x0  }
0x4f: {  	s25 =	sadd.s32 $0x1880, s22;
	[sflag:s20] =	ssyncadd.s32 $0xFFFFC000  }
0x50: {  	[spmem:s1] =	stream.indirect.scatter.add.f32 [tilespmem:s18], [sflag:$0x3], $0x80, s25, s16, $0xb8;
	[tilespmem:$0x1F000] =	vst v63  }
0x51: {  	_ =	swait.ge [sflag:s14], $0x4000  }
0x52: {  	[sflag:s14] =	ssyncset.done $0x0  }
0x53: {  	[sflag:s14] =	ssyncadd.s32 $0xFFFFC000  }
0x54: {  	_ =	swait.ge [sflag:s19], $0x4000  }
0x55: {  	[sflag:s19] =	ssyncset.done $0x0  }
0x56: {  	s26 =	simm.s32 $0x0;
	[sflag:s19] =	ssyncadd.s32 $0xFFFFC000  }
0x57: {  	[tilespmem:s26], [sflag:$0x3] =	stream.linear.gather [hbm4b:s7+s26], $0x1800, $0x38;
	[tilespmem:$0x1F000] =	vst v63  }
0x58: {  	_ =	swait.ge [sflag:s14], $0x1800  }
0x59: {  	[sflag:s14] =	ssyncset.done $0x0  }
0x5a: {  	[sflag:s14] =	ssyncadd.s32 $0xFFFFE800  }
0x5b: {  	[tilespmem:s15], [sflag:$0x3] =	stream.linear.gather [hbm4b:s8+s26], $0x1800, $0x38;
	[tilespmem:$0x1F000] =	vst v63  }
0x5c: {  	_ =	swait.ge [sflag:s14], $0x1800  }
0x5d: {  	[sflag:s14] =	ssyncset.done $0x0  }
0x5e: {  	[sflag:s14] =	ssyncadd.s32 $0xFFFFE800  }
0x5f: {  	[tilespmem:s17], [sflag:$0x1] =	stream.indirect.gather [hbm4b:s4+s16], $0x80, s26, s16, $0xb8;
	[tilespmem:$0x1F000] =	vst v63  }
0x60: {  	s28 =	simm.s32 $0x80  }
0x61: {  	[tilespmem:s18], [sflag:$0x2] =	stream.indirect.gather [hbm4b:s4+s16], $0x80, s28, s16, $0xb8;
	[tilespmem:$0x1F000] =	vst v63  }
0x62: {  	_ =	swait.ge [sflag:s19], $0x4000  }
0x63: {  	[sflag:s19] =	ssyncset.done $0x0  }
0x64: {  	s29 =	simm.s32 $0x1800;
	[sflag:s19] =	ssyncadd.s32 $0xFFFFC000  }
0x65: {  	[spmem:s1] =	stream.indirect.scatter.add.f32 [tilespmem:s17], [sflag:$0x3], $0x80, s29, s16, $0xb8;
	[tilespmem:$0x1F000] =	vst v63  }
0x66: {  	_ =	swait.ge [sflag:s14], $0x4000  }
0x67: {  	[sflag:s14] =	ssyncset.done $0x0  }
0x68: {  	s30 =	simm.s32 $0x100;
	[sflag:s14] =	ssyncadd.s32 $0xFFFFC000  }
0x69: {  	[tilespmem:s17], [sflag:$0x1] =	stream.indirect.gather [hbm4b:s4+s16], $0x80, s30, s16, $0xb8;
	[tilespmem:$0x1F000] =	vst v63  }
0x6a: {  	_ =	swait.ge [sflag:s20], $0x4000  }
0x6b: {  	[sflag:s20] =	ssyncset.done $0x0  }
0x6c: {  	s31 =	simm.s32 $0x1880;
	[sflag:s20] =	ssyncadd.s32 $0xFFFFC000  }
0x6d: {  	[spmem:s1] =	stream.indirect.scatter.add.f32 [tilespmem:s18], [sflag:$0x3], $0x80, s31, s16, $0xb8;
	[tilespmem:$0x1F000] =	vst v63  }
0x6e: {  	_ =	swait.ge [sflag:s14], $0x4000  }
0x6f: {  	s22 =	simm.s32 $0x100;
	s23 =	simm.s32 $0x800;
	[sflag:s14] =	ssyncset.done $0x0  }
.LBB2_4:
0x70: {  	s24 =	sadd.s32 $0x80, s22  }
0x71: {  	[sflag:s14] =	ssyncadd.s32 $0xFFFFC000;
	s25 =	smov.u32 s23;
	s26 =	sadd.s32 $0x400, s23  }
0x72: {  	[tilespmem:s18], [sflag:$0x2] =	stream.indirect.gather [hbm4b:s4+s16], $0x80, s24, s16, $0xb8;
	[tilespmem:$0x1F000] =	vst v63  }
0x73: {  	p0 =	sne.s32 s23, $0x4C00;
	_ =	swait.ge [sflag:s19], $0x4000  }
0x74: {  	[sflag:s19] =	ssyncset.done $0x0  }
0x75: {  	s23 =	sadd.s32 $0x1800, s22;
	[sflag:s19] =	ssyncadd.s32 $0xFFFFC000  }
0x76: {  	[spmem:s1] =	stream.indirect.scatter.add.f32 [tilespmem:s17], [sflag:$0x3], $0x80, s23, s16, $0xb8;
	[tilespmem:$0x1F000] =	vst v63  }
0x77: {  	_ =	swait.ge [sflag:s14], $0x4000  }
0x78: {  	[sflag:s14] =	ssyncset.done $0x0  }
0x79: {  	s23 =	sadd.s32 $0x100, s22;
	[sflag:s14] =	ssyncadd.s32 $0xFFFFC000  }
0x7a: {  	[tilespmem:s17], [sflag:$0x1] =	stream.indirect.gather [hbm4b:s4+s16], $0x80, s23, s16, $0xb8;
	[tilespmem:$0x1F000] =	vst v63  }
0x7b: {  	_ =	swait.ge [sflag:s20], $0x4000  }
.Ltmp1:
0x7c: {  	[sflag:s20] =	ssyncset.done $0x0;
	(pc) =	sbr.rel @p0 .LBB2_4-.Ltmp1, $4  }
0x7d: {  	s22 =	sadd.s32 $0x1880, s22;
	[sflag:s20] =	ssyncadd.s32 $0xFFFFC000  }
0x7e: {  	[spmem:s1] =	stream.indirect.scatter.add.f32 [tilespmem:s18], [sflag:$0x3], $0x80, s22, s16, $0xb8;
	[tilespmem:$0x1F000] =	vst v63  }
0x7f: {  	_ =	swait.ge [sflag:s14], $0x4000  }
0x80: {  	s23 =	smov.u32 s26;
	s22 =	sshra.s32 s25, $0x2;
	[sflag:s14] =	ssyncset.done $0x0  }
0x81: {  	s23 =	sadd.s32 $0x80, s22;
	[sflag:s14] =	ssyncadd.s32 $0xFFFFC000  }
0x82: {  	[tilespmem:s18], [sflag:$0x2] =	stream.indirect.gather [hbm4b:s4+s16], $0x80, s23, s16, $0xb8;
	[tilespmem:$0x1F000] =	vst v63  }
0x83: {  	_ =	swait.ge [sflag:s19], $0x4000  }
0x84: {  	[sflag:s19] =	ssyncset.done $0x0  }
0x85: {  	s29 =	sadd.s32 $0x1800, s22;
	[sflag:s19] =	ssyncadd.s32 $0xFFFFC000  }
0x86: {  	[spmem:s1] =	stream.indirect.scatter.add.f32 [tilespmem:s17], [sflag:$0x3], $0x80, s29, s16, $0xb8;
	[tilespmem:$0x1F000] =	vst v63  }
0x87: {  	_ =	swait.ge [sflag:s14], $0x4000  }
0x88: {  	[sflag:s14] =	ssyncset.done $0x0  }
0x89: {  	s30 =	sadd.s32 $0x100, s22;
	[sflag:s14] =	ssyncadd.s32 $0xFFFFC000  }
0x8a: {  	[tilespmem:s17], [sflag:$0x1] =	stream.indirect.gather [hbm4b:s4+s16], $0x80, s30, s16, $0xb8;
	[tilespmem:$0x1F000] =	vst v63  }
0x8b: {  	_ =	swait.ge [sflag:s20], $0x4000  }
0x8c: {  	[sflag:s20] =	ssyncset.done $0x0  }
0x8d: {  	s31 =	sadd.s32 $0x1880, s22;
	[sflag:s20] =	ssyncadd.s32 $0xFFFFC000  }
0x8e: {  	[spmem:s1] =	stream.indirect.scatter.add.f32 [tilespmem:s18], [sflag:$0x3], $0x80, s31, s16, $0xb8;
	[tilespmem:$0x1F000] =	vst v63  }
0x8f: {  	_ =	swait.ge [sflag:s14], $0x4000  }
0x90: {  	[sflag:s14] =	ssyncset.done $0x0  }
0x91: {  	[sflag:s14] =	ssyncadd.s32 $0xFFFFC000  }
0x92: {  	_ =	swait.ge [sflag:s19], $0x4000  }
0x93: {  	s21 =	sadd.s32 $0x1, s21;
	[sflag:s19] =	ssyncset.done $0x0  }
0x94: {  	p0 =	sne.s32 s21, s10;
	[sflag:s19] =	ssyncadd.s32 $0xFFFFC000  }
.Ltmp2:
0x95: {  	[bflag:$0x0] =	sbarrier.arrive $0xFFFF;
	(pc) =	sbr.rel @p0 .LBB2_1-.Ltmp2, $4  }
0x96: {  	[hbm:s9], [sflag:s12] =	dma.local [spmem:s13], $0x2800  }
0x97: {  	_ =	swait.ge [sflag:s14], $0x2800  }
0x98: {  	[sflag:s14] =	ssyncset.done $0x0  }
0x99: {  	[sflag:s14] =	ssyncadd.s32 $0xFFFFD800  }
0x9a: {  	_ =	sfence.sel $0x180000  }
0x9b: {  	[bflag:$0x0] =	sbarrier.arrive $0xFFFF  }
0x9c: {  	p0 =	sne.s32 s2, $0x0;
	_ =	strace $0x90000050  }
0x9d: {  	s0 =	sadd.s32 @!p0 $0x100000, s0;
	[bflag:$0x2] =	sbarrier.arrive $0xFFFF  }
0x9e: {  	[sflag:s0] =	ssyncadd.tile.s32 @!p0 $0x1;
	_ =	shalt  }
.Lfunc_end2:
_tile_overlayer_lowered:
.L_overlay_start_2:
0x9f: {  	(tag) =	ssettag $0x2  }
0xa0: {  	s0 =	rddreg [dreg:$0x0];
	s2 =	stileid.u32  }
0xa1: {  	s1 =	rddreg [dreg:$0x1];
	p0 =	sne.s32 s2, $0x0  }
0xa2: {  	s3 =	rddreg [dreg:$0x2];
	[bflag:$0x3] =	sbarrier.arrive $0xFFFF;
	s2 =	simm.s32 @!p0 $0x1C03  }
0xa3: {  	[timem:s3], [sflag:s2] =	dma.local @!p0 [hbm:s0], s1  }
0xa4: {  	s0 =	simm.s32 @!p0 $0x3  }
0xa5: {  	_ =	swait.ge @!p0 [sflag:s0], s1  }
0xa6: {  	s1 =	ssub.s32 @!p0 $0x0, s1;
	[sflag:s0] =	ssyncset.done @!p0 $0x0  }
0xa7: {  	[sflag:s0] =	ssyncadd.s32 @!p0 s1  }
0xa8: {  	[bflag:$0x3] =	sbarrier.arrive $0xFFFF  }
0xa9: {  	_ =	shalt  }

// kernel: kernel.24.cloned.1.call-start
scs
__scs_entry_jumppad:
0x0: {  	(pc) =	sbr.rel $0x88, $3  }
0x1: {  	(tag) =	ssettag $0x0;
	lr =	simm.s32 $0x1  }
0x2: {  	[smem:$0x3F95] =	sst lr;
	_ =	strace $0xD0000000  }
0x3: {  	_ = 	snop  }
0x4: {  	_ = 	snop  }
0x5: {  	_ = 	snop  }
0x6: {  	_ = 	snop  }
0x7: {  	_ = 	snop  }
__scs_overlays_trampoline_lowered:
0x8: {  	[smem:$0x3FA4] =	sst s0  }
0x9: {  	[smem:$0x3FA5] =	sst s1  }
0xa: {  	[smem:$0x3FA6] =	sst s2  }
0xb: {  	[smem:$0x3FA7] =	sst s3  }
0xc: {  	[smem:$0x3FA8] =	sst s4  }
0xd: {  	[smem:$0x3FA9] =	sst s5  }
0xe: {  	[smem:$0x3FAA] =	sst s6  }
0xf: {  	[smem:$0x3FAB] =	sst s7  }
0x10: {  	[smem:$0x3FAC] =	sst s8  }
0x11: {  	[smem:$0x3FAD] =	sst s9;
	s0 =	simm.s32 @!p0 $0x0  }
0x12: {  	s1 =	sld [smem:$0x3F93];
	s0 =	simm.s32 @p0 $0x1  }
0x13: {  	[smem:$0x3FAE] =	sst s0;
	s0 =	simm.s32 @!p1 $0x0  }
0x14: {  	s2 =	sld [smem:$0x3F92];
	s0 =	simm.s32 @p1 $0x1  }
0x15: {  	[smem:$0x3FAF] =	sst s0;
	s0 =	simm.s32 @!p2 $0x0  }
0x16: {  	s3 =	sld [smem:$0x3FDB];
	s0 =	simm.s32 @p2 $0x1  }
0x17: {  	s4 =	simm.s32 $0x1BF5;
	[smem:$0x3FB1] =	sst s0  }
0x18: {  	s0 =	sld [smem:$0x3F94];
	_ =	swait.ge [sflag:s4], $0x0  }
0x19: {  	s7 =	sld [smem:$0x3F95]  }
0x1a: {  	s8 =	sadd.s32 $0xFFFFE003, lr  }
0x1b: {  	s9 =	sadd.s32 $0xFFFFFEF7, lr;
	s5 =	simm.s32 $0xFFFFFFFF;
	p2 =	slt.u32 s8, $0xFFFFF086  }
0x1c: {  	p1 =	slt.u32 s9, $0xF7A;
	s5 =	simm.s32 @!p2 $0x0  }
0x1d: {  	s5 =	simm.s32 @p1 $0x1;
	p0 =	seq.s32 s7, s2  }
0x1e: {  	s7 =	smul.u32 @!p0 $0xF7A, s2;
	p2 =	seq.s32 @!p0 s5, $0x0  }
0x1f: {  	s9 =	smul.u32 $0xF7A, s1;
	s8 =	simm.s32 @!p0 $0x1BF5;
	p2 =	por !p2, p0  }
0x20: {  	[sflag:s8] =	ssyncset.s32 @!p0 $0xFFFFF086;
	s6 =	sadd.s32 @!p0 s3, s7;
	s7 =	simm.s32 @!p0 $0x108  }
0x21: {  	s3 =	sadd.s32 s3, s9;
	s6 =	sadd.s32 @!p0 $0x88, s6;
	s7 =	simm.s32 @p2 $0x1082  }
0x22: {  	[simem:s7], [sflag:s8] =	dma.local @!p0 [hbm:s6], $0xF7A  }
0x23: {  	s9 =	sor.u32 $0xD0000000, s2;
	s6 =	simm.s32 $0x108;
	_ =	swait.ge @!p0 [sflag:s8], $0x0  }
0x24: {  	s3 =	sadd.s32 $0x88, s3;
	s6 =	simm.s32 @!p1 $0x1082;
	[sflag:s4] =	ssyncset.s32 $0xFFFFF086  }
0x25: {  	[simem:s6], [sflag:s4] =	dma.local [hbm:s3], $0xF7A  }
0x26: {  	[smem:$0x3F95] =	sst s1;
	(tag) =	ssettag s2;
	_ =	strace s9  }
0x27: {  	s1 =	sld [smem:$0x3FA5]  }
0x28: {  	s2 =	sld [smem:$0x3FA6]  }
0x29: {  	s4 =	sld [smem:$0x3FA8]  }
0x2a: {  	p0 =	seq.s32 s5, $0x0;
	s5 =	sld [smem:$0x3FA9]  }
0x2b: {  	s6 =	sld [smem:$0x3FAA]  }
0x2c: {  	s7 =	sld [smem:$0x3FAB]  }
0x2d: {  	s3 =	simm.s32 $0x108;
	s8 =	sld [smem:$0x3FAC]  }
0x2e: {  	s3 =	simm.s32 @!p0 $0x1082;
	s9 =	sld [smem:$0x3FAD]  }
0x2f: {  	lr =	sadd.s32 s0, s3;
	s0 =	sld [smem:$0x3FA4]  }
0x30: {  	s3 =	sld [smem:$0x3FA7]  }
0x31: {  	[smem:$0x3FB0] =	sst s10  }
0x32: {  	s10 =	sld [smem:$0x3FAE];
	_ =	sdelay $0x3  }
0x33: {  	p0 =	seq.s32 s10, $0x1;
	s10 =	sld [smem:$0x3FB0];
	_ =	sdelay $0x3  }
0x34: {  	[smem:$0x3FB0] =	sst s10  }
0x35: {  	s10 =	sld [smem:$0x3FAF];
	_ =	sdelay $0x3  }
0x36: {  	p1 =	seq.s32 s10, $0x1;
	s10 =	sld [smem:$0x3FB0];
	_ =	sdelay $0x3  }
0x37: {  	[smem:$0x3FB0] =	sst s10  }
0x38: {  	s10 =	sld [smem:$0x3FB1]  }
0x39: {  	_ = 	snop;
	(pc) =	sbr.ind lr, $3  }
0x3a: {  	_ = 	snop  }
0x3b: {  	_ = 	snop  }
0x3c: {  	p2 =	seq.s32 s10, $0x1;
	s10 =	sld [smem:$0x3FB0]  }
0x3d: {  	_ =	shalt  }
0x3e: {  	_ =	shalt  }
0x3f: {  	_ =	shalt  }
0x40: {  	_ =	shalt  }
0x41: {  	_ =	shalt  }
0x42: {  	_ =	shalt  }
0x43: {  	_ =	shalt  }
0x44: {  	_ =	shalt  }
0x45: {  	_ =	shalt  }
0x46: {  	_ =	shalt  }
0x47: {  	_ =	shalt  }
0x48: {  	_ =	shalt  }
0x49: {  	_ =	shalt  }
0x4a: {  	_ =	shalt  }
0x4b: {  	_ =	shalt  }
0x4c: {  	_ =	shalt  }
0x4d: {  	_ =	shalt  }
0x4e: {  	_ =	shalt  }
0x4f: {  	_ =	shalt  }
0x50: {  	_ =	shalt  }
0x51: {  	_ =	shalt  }
0x52: {  	_ =	shalt  }
0x53: {  	_ =	shalt  }
0x54: {  	_ =	shalt  }
0x55: {  	_ =	shalt  }
0x56: {  	_ =	shalt  }
0x57: {  	_ =	shalt  }
0x58: {  	_ =	shalt  }
0x59: {  	_ =	shalt  }
0x5a: {  	_ =	shalt  }
0x5b: {  	_ =	shalt  }
0x5c: {  	_ =	shalt  }
0x5d: {  	_ =	shalt  }
0x5e: {  	_ =	shalt  }
0x5f: {  	_ =	shalt  }
0x60: {  	_ =	shalt  }
0x61: {  	_ =	shalt  }
0x62: {  	_ =	shalt  }
0x63: {  	_ =	shalt  }
0x64: {  	_ =	shalt  }
0x65: {  	_ =	shalt  }
0x66: {  	_ =	shalt  }
0x67: {  	_ =	shalt  }
0x68: {  	_ =	shalt  }
0x69: {  	_ =	shalt  }
0x6a: {  	_ =	shalt  }
0x6b: {  	_ =	shalt  }
0x6c: {  	_ =	shalt  }
0x6d: {  	_ =	shalt  }
0x6e: {  	_ =	shalt  }
0x6f: {  	_ =	shalt  }
0x70: {  	_ =	shalt  }
0x71: {  	_ =	shalt  }
0x72: {  	_ =	shalt  }
0x73: {  	_ =	shalt  }
0x74: {  	_ =	shalt  }
0x75: {  	_ =	shalt  }
0x76: {  	_ =	shalt  }
0x77: {  	_ =	shalt  }
0x78: {  	_ =	shalt  }
0x79: {  	_ =	shalt  }
0x7a: {  	_ =	shalt  }
0x7b: {  	_ =	shalt  }
0x7c: {  	_ =	shalt  }
0x7d: {  	_ =	shalt  }
0x7e: {  	_ =	shalt  }
0x7f: {  	_ =	shalt  }
0x80: {  	_ =	shalt  }
0x81: {  	_ =	shalt  }
0x82: {  	_ =	shalt  }
0x83: {  	_ =	shalt  }
0x84: {  	_ =	shalt  }
0x85: {  	_ =	shalt  }
0x86: {  	_ =	shalt  }
0x87: {  	_ =	shalt  }
.Lfunc_end0:
.L_simem_size_0:
called_computation.4_lowered:
.L_overlay_start_0:
0x88: {  	s2 =	sld [smem:$0x3FD9]  }
0x89: {  	s3 =	sld [smem:$0x3FFE];
	_ =	sdelay $0x1  }
0x8a: {  	s1 =	srdreg.scid  }
0x8b: {  	s0 =	sand.u32 $0x1, s1  }
0x8c: {  	s17 =	sshll.u32 s0, $0xA;
	s2 =	sadd.s32 s3, s2  }
0x8d: {  	s2 =	sadd.s32 s2, s17  }
0x8e: {  	[smem:$0x3FBC] =	sst s2  }
0x8f: {  	_ = 	snop  }
0x90: {  	s2 =	sld [smem:$0x3FD0];
	(tm) =	ssettm $0x1  }
0x91: {  	s18 =	sld [smem:$0x3FFB];
	_ =	sdelay $0x3  }
0x92: {  	_ =	strace s18  }
0x93: {  	s3 =	sld [smem:$0x3FFC];
	_ =	sdelay $0x3  }
0x94: {  	_ =	strace s3  }
0x95: {  	s3 =	sld [smem:$0x3FFD];
	_ =	sdelay $0x3  }
0x96: {  	_ =	strace s3  }
0x97: {  	_ =	strace $0x8FFFFFFF  }
0x98: {  	s19 =	sld [smem:$0x3FDB];
	_ =	sdelay $0x1  }
0x99: {  	s4 =	simm.s32 $_scs_section_size  }
0x9a: {  	s5 =	simm.s32 $_size__tile_overlayer_lowered;
	s6 =	simm.s32 $_tile_overlayer_lowered  }
0x9b: {  	s22 =	simm.s32 $0x1BFF;
	s21 =	sshll.u32 s6, $0x1;
	s3 =	sadd.s32 s4, s19  }
0x9c: {  	s7 =	simm.s32 $0x0;
	s20 =	sshll.u32 s5, $0x1;
	s5 =	sadd.s32 s21, s3  }
0x9d: {  	[timem:s7], [sflag:s22] =	dma.local [hbm:s5], s20  }
0x9e: {  	_ =	swait.ge [sflag:s22], s20  }
0x9f: {  	s4 =	ssub.s32 $0x0, s20;
	[sflag:s22] =	ssyncset.done $0x0  }
0xa0: {  	[sflag:s22] =	ssyncadd.s32 s4;
	_ =	sdelay $0x1  }
0xa1: {  	s23 =	simm.s32 $0x1B8B  }
0xa2: {  	_ =	swait.ge [sflag:s23], $0x1  }
0xa3: {  	[sflag:s23] =	ssyncset.done $0x0  }
0xa4: {  	s25 =	simm.s32 $0x1B8E;
	s24 =	sld [smem:$0x3FFE];
	[sflag:s23] =	ssyncadd.s32 $0xFFFFFFFF  }
0xa5: {  	s26 =	simm.s32 $execute0_lowered;
	[smem:$0x3FD2] =	sst s25  }
0xa6: {  	s5 =	sshll.u32 s26, $0x1;
	_ =	strace $0x80000052;
	[dreg:$0x1] =	wrdreg $0xFFFFFFFF  }
0xa7: {  	s28 =	simm.s32 $_size_execute0_lowered;
	s3 =	sadd.s32 s3, s5;
	[dreg:$0x0] =	wrdreg $0x0  }
0xa8: {  	s5 =	sshll.u32 s28, $0x1;
	[dreg:$0x2] =	wrdreg s3  }
0xa9: {  	[dreg:$0x3] =	wrdreg s5  }
0xaa: {  	[dreg:$0x4] =	wrdreg $0xC0  }
0xab: {  	_ =	task [dreg:s7], $0x5FFFF  }
0xac: {  	[dreg:$0x1] =	wrdreg $0xFFFFFFFF  }
0xad: {  	[dreg:$0x0] =	wrdreg $0x60  }
0xae: {  	[dreg:$0x2] =	wrdreg s24  }
0xaf: {  	[dreg:$0x3] =	wrdreg s2  }
0xb0: {  	[dreg:$0x4] =	wrdreg $0xB0000  }
0xb1: {  	[dreg:$0x5] =	wrdreg $0x9  }
0xb2: {  	_ =	task.clear_ibuf [dreg:s7], $0x6FFFF;
	_ =	strace $0x90000052  }
0xb3: {  	s29 =	simm.s32 $0x9;
	_ =	strace $0x80000054  }
0xb4: {  	_ =	swait.ge [sflag:s29], $0x1  }
0xb5: {  	[sflag:s29] =	ssyncadd.s32 $0xFFFFFFFF  }
0xb6: {  	_ =	strace $0x90000054  }
0xb7: {  	_ =	sfence  }
0xb8: {  	s30 =	sld [smem:$0x0];
	_ =	sdelay $0x2  }
0xb9: {  	s31 =	sshll.u32 s1, $0xD;
	s1 =	sshrl.u32 s1, $0x2  }
0xba: {  	s3 =	sand.u32 $0x4000, s31;
	s1 =	sadd.s32 s1, s30  }
0xbb: {  	s0 =	sor.u32 s3, s0;
	s1 =	sshll.u32 s1, $0x11  }
0xbc: {  	s0 =	sor.u32 s1, s0  }
0xbd: {  	s0 =	sadd.s32 $0x8F2B, s0  }
0xbe: {  	[sflag:s0] =	ssyncadd.remote.s32 $0x1  }
0xbf: {  	_ =	sfence.sel $0xFFFF  }
0xc0: {  	[dreg:$0x0] =	wrdreg $0xFFFFFFFF;
	(pc) =	sbr.abs _section_cstart, $3  }
0xc1: {  	[dreg:$0x1] =	wrdreg $0xFFFFFFFF  }
0xc2: {  	_ =	task.clear_ibuf [dreg:s7], $0x2FFFF;
	_ =	strace $0x9FFFFFFF  }
0xc3: {  	(tm) =	ssettm $0x7FFFFFFF  }
tec
execute0_lowered:
.L_overlay_start_1:
0x0: {  	(tag) =	ssettag $0x1  }
0x1: {  	s5 =	rddreg [dreg:$0x0]  }
0x2: {  	s7 =	rddreg [dreg:$0x1]  }
0x3: {  	s1 =	rddreg [dreg:$0x2]  }
0x4: {  	s2 =	srdreg.scid;
	s0 =	rddreg [dreg:$0x3]  }
0x5: {  	s3 =	simm.s32 $0x0;
	s16 =	simm.s32 $0x80;
	s17 =	simm.s32 $0x3000  }
0x6: {  	s18 =	simm.s32 $0x7000;
	s19 =	simm.s32 $0x1;
	s20 =	simm.s32 $0x2  }
0x7: {  	s21 =	simm.s32 $0x0;
	s6 =	sand.u32 $0x1, s2;
	s2 =	stileid.u32  }
0x8: {  	[smem:$0x7FF] =	sst s3;
	s4 =	sadd.s32 $0x37800, s5;
	s8 =	smul.u32 $0x140000, s6  }
0x9: {  	s10 =	sadd.s32 $0x4000, s5;
	s11 =	sadd.s32 $0xF800, s5;
	s9 =	smul.u32 $0x14000, s2  }
0xa: {  	_ =	strace $0x80000053;
	s25 =	sshll.u32 s2, $0x1;
	s13 =	smul.u32 $0x50000, s2  }
0xb: {  	s12 =	ssub.s32 $0x2, s6;
	p0 =	seq.s32 s6, $0x0;
	s29 =	smul.u32 $0x2800, s2  }
0xc: {  	s31 =	sshll.u32 s2, $0x6;
	s14 =	sshrl.u32 s12, $0x1;
	s11 =	smov.u32 @p0 s4  }
0xd: {  	s8 =	sadd.s32 s9, s8;
	s9 =	sor.u32 s6, s25;
	s12 =	ssub.s32 s12, s14  }
0xe: {  	s26 =	sshrl.u32 s13, $0x2;
	s11 =	sadd.s32 s11, s29;
	s9 =	smul.u32 $0x2C00, s9  }
0xf: {  	s14 =	simm.s32 $0x3;
	s8 =	sshrl.u32 s8, $0x3;
	s13 =	sadd.s32 s26, s1  }
0x10: {  	s15 =	sadd.s32 s8, s5;
	s13 =	sshrl.u32 s13, $0x3;
	s28 =	sshrl.u32 s9, $0x3  }
0x11: {  	s9 =	sadd.s32 $0x5F800, s15;
	s15 =	simm.s32 $0x1800;
	s30 =	sadd.s32 $0x280, s28  }
0x12: {  	s5 =	sadd.s32 s7, s28;
	s6 =	sadd.s32 s10, s28;
	s7 =	sadd.s32 s7, s30  }
0x13: {  	s8 =	sadd.s32 s10, s30;
	s10 =	smax.u32 s12, $0x1;
	s12 =	sor.u32 $0x1C03, s31  }
.LBB2_1:
0x14: {  	[spmem:s13], [sflag:s12] =	dma.local [hbm:s11], $0x2800  }
0x15: {  	_ =	swait.ge [sflag:s14], $0x2800  }
0x16: {  	[sflag:s14] =	ssyncset.done $0x0  }
0x17: {  	[sflag:s14] =	ssyncadd.s32 $0xFFFFD800  }
0x18: {  	[bflag:$0x0] =	sbarrier.arrive $0xFFFF  }
0x19: {  	[tilespmem:s3], [sflag:$0x3] =	stream.linear.gather [hbm4b:s5+s3], $0x1800, $0x38;
	[tilespmem:$0x1F000] =	vst v63  }
0x1a: {  	_ =	swait.ge [sflag:s14], $0x1800  }
0x1b: {  	[sflag:s14] =	ssyncset.done $0x0  }
0x1c: {  	[sflag:s14] =	ssyncadd.s32 $0xFFFFE800  }
0x1d: {  	[tilespmem:s15], [sflag:$0x3] =	stream.linear.gather [hbm4b:s6+s3], $0x1800, $0x38;
	[tilespmem:$0x1F000] =	vst v63  }
0x1e: {  	_ =	swait.ge [sflag:s14], $0x1800  }
0x1f: {  	[sflag:s14] =	ssyncset.done $0x0  }
0x20: {  	[sflag:s14] =	ssyncadd.s32 $0xFFFFE800  }
0x21: {  	[tilespmem:s17], [sflag:$0x1] =	stream.indirect.gather [hbm4b:s4+s16], $0x80, s3, s16, $0xb8;
	[tilespmem:$0x1F000] =	vst v63  }
0x22: {  	s22 =	simm.s32 $0x80  }
0x23: {  	[tilespmem:s18], [sflag:$0x2] =	stream.indirect.gather [hbm4b:s4+s16], $0x80, s22, s16, $0xb8;
	[tilespmem:$0x1F000] =	vst v63  }
0x24: {  	_ =	swait.ge [sflag:s19], $0x4000  }
0x25: {  	[sflag:s19] =	ssyncset.done $0x0  }
0x26: {  	s29 =	simm.s32 $0x1800;
	[sflag:s19] =	ssyncadd.s32 $0xFFFFC000  }
0x27: {  	[spmem:s1] =	stream.indirect.scatter.add.f32 [tilespmem:s17], [sflag:$0x3], $0x80, s29, s16, $0xb8;
	[tilespmem:$0x1F000] =	vst v63  }
0x28: {  	_ =	swait.ge [sflag:s14], $0x4000  }
0x29: {  	[sflag:s14] =	ssyncset.done $0x0  }
0x2a: {  	s30 =	simm.s32 $0x100;
	[sflag:s14] =	ssyncadd.s32 $0xFFFFC000  }
0x2b: {  	[tilespmem:s17], [sflag:$0x1] =	stream.indirect.gather [hbm4b:s4+s16], $0x80, s30, s16, $0xb8;
	[tilespmem:$0x1F000] =	vst v63  }
0x2c: {  	_ =	swait.ge [sflag:s20], $0x4000  }
0x2d: {  	[sflag:s20] =	ssyncset.done $0x0  }
0x2e: {  	s31 =	simm.s32 $0x1880;
	[sflag:s20] =	ssyncadd.s32 $0xFFFFC000  }
0x2f: {  	[spmem:s1] =	stream.indirect.scatter.add.f32 [tilespmem:s18], [sflag:$0x3], $0x80, s31, s16, $0xb8;
	[tilespmem:$0x1F000] =	vst v63  }
0x30: {  	_ =	swait.ge [sflag:s14], $0x4000  }
0x31: {  	s23 =	simm.s32 $0x800;
	s22 =	simm.s32 $0x100;
	[sflag:s14] =	ssyncset.done $0x0  }
.LBB2_2:
0x32: {  	s24 =	sadd.s32 $0x80, s22  }
0x33: {  	[sflag:s14] =	ssyncadd.s32 $0xFFFFC000;
	s25 =	smov.u32 s23;
	s26 =	sadd.s32 $0x400, s23  }
0x34: {  	[tilespmem:s18], [sflag:$0x2] =	stream.indirect.gather [hbm4b:s4+s16], $0x80, s24, s16, $0xb8;
	[tilespmem:$0x1F000] =	vst v63  }
0x35: {  	p0 =	sne.s32 s23, $0x4C00;
	_ =	swait.ge [sflag:s19], $0x4000  }
0x36: {  	[sflag:s19] =	ssyncset.done $0x0  }
0x37: {  	s23 =	sadd.s32 $0x1800, s22;
	[sflag:s19] =	ssyncadd.s32 $0xFFFFC000  }
0x38: {  	[spmem:s1] =	stream.indirect.scatter.add.f32 [tilespmem:s17], [sflag:$0x3], $0x80, s23, s16, $0xb8;
	[tilespmem:$0x1F000] =	vst v63  }
0x39: {  	_ =	swait.ge [sflag:s14], $0x4000  }
0x3a: {  	[sflag:s14] =	ssyncset.done $0x0  }
0x3b: {  	s23 =	sadd.s32 $0x100, s22;
	[sflag:s14] =	ssyncadd.s32 $0xFFFFC000  }
0x3c: {  	[tilespmem:s17], [sflag:$0x1] =	stream.indirect.gather [hbm4b:s4+s16], $0x80, s23, s16, $0xb8;
	[tilespmem:$0x1F000] =	vst v63  }
0x3d: {  	_ =	swait.ge [sflag:s20], $0x4000  }
.Ltmp0:
0x3e: {  	[sflag:s20] =	ssyncset.done $0x0;
	(pc) =	sbr.rel @p0 .LBB2_2-.Ltmp0, $4  }
0x3f: {  	s22 =	sadd.s32 $0x1880, s22;
	[sflag:s20] =	ssyncadd.s32 $0xFFFFC000  }
0x40: {  	[spmem:s1] =	stream.indirect.scatter.add.f32 [tilespmem:s18], [sflag:$0x3], $0x80, s22, s16, $0xb8;
	[tilespmem:$0x1F000] =	vst v63  }
0x41: {  	_ =	swait.ge [sflag:s14], $0x4000  }
0x42: {  	s23 =	smov.u32 s26;
	s22 =	sshra.s32 s25, $0x2;
	[sflag:s14] =	ssyncset.done $0x0  }
0x43: {  	s23 =	sadd.s32 $0x80, s22;
	[sflag:s14] =	ssyncadd.s32 $0xFFFFC000  }
0x44: {  	[tilespmem:s18], [sflag:$0x2] =	stream.indirect.gather [hbm4b:s4+s16], $0x80, s23, s16, $0xb8;
	[tilespmem:$0x1F000] =	vst v63  }
0x45: {  	_ =	swait.ge [sflag:s19], $0x4000  }
0x46: {  	[sflag:s19] =	ssyncset.done $0x0  }
0x47: {  	s31 =	sadd.s32 $0x1800, s22;
	[sflag:s19] =	ssyncadd.s32 $0xFFFFC000  }
0x48: {  	[spmem:s1] =	stream.indirect.scatter.add.f32 [tilespmem:s17], [sflag:$0x3], $0x80, s31, s16, $0xb8;
	[tilespmem:$0x1F000] =	vst v63  }
0x49: {  	_ =	swait.ge [sflag:s14], $0x4000  }
0x4a: {  	[sflag:s14] =	ssyncset.done $0x0  }
0x4b: {  	s24 =	sadd.s32 $0x100, s22;
	[sflag:s14] =	ssyncadd.s32 $0xFFFFC000  }
0x4c: {  	[tilespmem:s17], [sflag:$0x1] =	stream.indirect.gather [hbm4b:s4+s16], $0x80, s24, s16, $0xb8;
	[tilespmem:$0x1F000] =	vst v63  }
0x4d: {  	_ =	swait.ge [sflag:s20], $0x4000  }
0x4e: {  	[sflag:s20] =	ssyncset.done $0x0  }
0x4f: {  	s25 =	sadd.s32 $0x1880, s22;
	[sflag:s20] =	ssyncadd.s32 $0xFFFFC000  }
0x50: {  	[spmem:s1] =	stream.indirect.scatter.add.f32 [tilespmem:s18], [sflag:$0x3], $0x80, s25, s16, $0xb8;
	[tilespmem:$0x1F000] =	vst v63  }
0x51: {  	_ =	swait.ge [sflag:s14], $0x4000  }
0x52: {  	[sflag:s14] =	ssyncset.done $0x0  }
0x53: {  	[sflag:s14] =	ssyncadd.s32 $0xFFFFC000  }
0x54: {  	_ =	swait.ge [sflag:s19], $0x4000  }
0x55: {  	[sflag:s19] =	ssyncset.done $0x0  }
0x56: {  	s26 =	simm.s32 $0x0;
	[sflag:s19] =	ssyncadd.s32 $0xFFFFC000  }
0x57: {  	[tilespmem:s26], [sflag:$0x3] =	stream.linear.gather [hbm4b:s7+s26], $0x1800, $0x38;
	[tilespmem:$0x1F000] =	vst v63  }
0x58: {  	_ =	swait.ge [sflag:s14], $0x1800  }
0x59: {  	[sflag:s14] =	ssyncset.done $0x0  }
0x5a: {  	[sflag:s14] =	ssyncadd.s32 $0xFFFFE800  }
0x5b: {  	[tilespmem:s15], [sflag:$0x3] =	stream.linear.gather [hbm4b:s8+s26], $0x1800, $0x38;
	[tilespmem:$0x1F000] =	vst v63  }
0x5c: {  	_ =	swait.ge [sflag:s14], $0x1800  }
0x5d: {  	[sflag:s14] =	ssyncset.done $0x0  }
0x5e: {  	[sflag:s14] =	ssyncadd.s32 $0xFFFFE800  }
0x5f: {  	[tilespmem:s17], [sflag:$0x1] =	stream.indirect.gather [hbm4b:s4+s16], $0x80, s26, s16, $0xb8;
	[tilespmem:$0x1F000] =	vst v63  }
0x60: {  	s28 =	simm.s32 $0x80  }
0x61: {  	[tilespmem:s18], [sflag:$0x2] =	stream.indirect.gather [hbm4b:s4+s16], $0x80, s28, s16, $0xb8;
	[tilespmem:$0x1F000] =	vst v63  }
0x62: {  	_ =	swait.ge [sflag:s19], $0x4000  }
0x63: {  	[sflag:s19] =	ssyncset.done $0x0  }
0x64: {  	s29 =	simm.s32 $0x1800;
	[sflag:s19] =	ssyncadd.s32 $0xFFFFC000  }
0x65: {  	[spmem:s1] =	stream.indirect.scatter.add.f32 [tilespmem:s17], [sflag:$0x3], $0x80, s29, s16, $0xb8;
	[tilespmem:$0x1F000] =	vst v63  }
0x66: {  	_ =	swait.ge [sflag:s14], $0x4000  }
0x67: {  	[sflag:s14] =	ssyncset.done $0x0  }
0x68: {  	s30 =	simm.s32 $0x100;
	[sflag:s14] =	ssyncadd.s32 $0xFFFFC000  }
0x69: {  	[tilespmem:s17], [sflag:$0x1] =	stream.indirect.gather [hbm4b:s4+s16], $0x80, s30, s16, $0xb8;
	[tilespmem:$0x1F000] =	vst v63  }
0x6a: {  	_ =	swait.ge [sflag:s20], $0x4000  }
0x6b: {  	[sflag:s20] =	ssyncset.done $0x0  }
0x6c: {  	s31 =	simm.s32 $0x1880;
	[sflag:s20] =	ssyncadd.s32 $0xFFFFC000  }
0x6d: {  	[spmem:s1] =	stream.indirect.scatter.add.f32 [tilespmem:s18], [sflag:$0x3], $0x80, s31, s16, $0xb8;
	[tilespmem:$0x1F000] =	vst v63  }
0x6e: {  	_ =	swait.ge [sflag:s14], $0x4000  }
0x6f: {  	s22 =	simm.s32 $0x100;
	s23 =	simm.s32 $0x800;
	[sflag:s14] =	ssyncset.done $0x0  }
.LBB2_4:
0x70: {  	s24 =	sadd.s32 $0x80, s22  }
0x71: {  	[sflag:s14] =	ssyncadd.s32 $0xFFFFC000;
	s25 =	smov.u32 s23;
	s26 =	sadd.s32 $0x400, s23  }
0x72: {  	[tilespmem:s18], [sflag:$0x2] =	stream.indirect.gather [hbm4b:s4+s16], $0x80, s24, s16, $0xb8;
	[tilespmem:$0x1F000] =	vst v63  }
0x73: {  	p0 =	sne.s32 s23, $0x4C00;
	_ =	swait.ge [sflag:s19], $0x4000  }
0x74: {  	[sflag:s19] =	ssyncset.done $0x0  }
0x75: {  	s23 =	sadd.s32 $0x1800, s22;
	[sflag:s19] =	ssyncadd.s32 $0xFFFFC000  }
0x76: {  	[spmem:s1] =	stream.indirect.scatter.add.f32 [tilespmem:s17], [sflag:$0x3], $0x80, s23, s16, $0xb8;
	[tilespmem:$0x1F000] =	vst v63  }
0x77: {  	_ =	swait.ge [sflag:s14], $0x4000  }
0x78: {  	[sflag:s14] =	ssyncset.done $0x0  }
0x79: {  	s23 =	sadd.s32 $0x100, s22;
	[sflag:s14] =	ssyncadd.s32 $0xFFFFC000  }
0x7a: {  	[tilespmem:s17], [sflag:$0x1] =	stream.indirect.gather [hbm4b:s4+s16], $0x80, s23, s16, $0xb8;
	[tilespmem:$0x1F000] =	vst v63  }
0x7b: {  	_ =	swait.ge [sflag:s20], $0x4000  }
.Ltmp1:
0x7c: {  	[sflag:s20] =	ssyncset.done $0x0;
	(pc) =	sbr.rel @p0 .LBB2_4-.Ltmp1, $4  }
0x7d: {  	s22 =	sadd.s32 $0x1880, s22;
	[sflag:s20] =	ssyncadd.s32 $0xFFFFC000  }
0x7e: {  	[spmem:s1] =	stream.indirect.scatter.add.f32 [tilespmem:s18], [sflag:$0x3], $0x80, s22, s16, $0xb8;
	[tilespmem:$0x1F000] =	vst v63  }
0x7f: {  	_ =	swait.ge [sflag:s14], $0x4000  }
0x80: {  	s23 =	smov.u32 s26;
	s22 =	sshra.s32 s25, $0x2;
	[sflag:s14] =	ssyncset.done $0x0  }
0x81: {  	s23 =	sadd.s32 $0x80, s22;
	[sflag:s14] =	ssyncadd.s32 $0xFFFFC000  }
0x82: {  	[tilespmem:s18], [sflag:$0x2] =	stream.indirect.gather [hbm4b:s4+s16], $0x80, s23, s16, $0xb8;
	[tilespmem:$0x1F000] =	vst v63  }
0x83: {  	_ =	swait.ge [sflag:s19], $0x4000  }
0x84: {  	[sflag:s19] =	ssyncset.done $0x0  }
0x85: {  	s29 =	sadd.s32 $0x1800, s22;
	[sflag:s19] =	ssyncadd.s32 $0xFFFFC000  }
0x86: {  	[spmem:s1] =	stream.indirect.scatter.add.f32 [tilespmem:s17], [sflag:$0x3], $0x80, s29, s16, $0xb8;
	[tilespmem:$0x1F000] =	vst v63  }
0x87: {  	_ =	swait.ge [sflag:s14], $0x4000  }
0x88: {  	[sflag:s14] =	ssyncset.done $0x0  }
0x89: {  	s30 =	sadd.s32 $0x100, s22;
	[sflag:s14] =	ssyncadd.s32 $0xFFFFC000  }
0x8a: {  	[tilespmem:s17], [sflag:$0x1] =	stream.indirect.gather [hbm4b:s4+s16], $0x80, s30, s16, $0xb8;
	[tilespmem:$0x1F000] =	vst v63  }
0x8b: {  	_ =	swait.ge [sflag:s20], $0x4000  }
0x8c: {  	[sflag:s20] =	ssyncset.done $0x0  }
0x8d: {  	s31 =	sadd.s32 $0x1880, s22;
	[sflag:s20] =	ssyncadd.s32 $0xFFFFC000  }
0x8e: {  	[spmem:s1] =	stream.indirect.scatter.add.f32 [tilespmem:s18], [sflag:$0x3], $0x80, s31, s16, $0xb8;
	[tilespmem:$0x1F000] =	vst v63  }
0x8f: {  	_ =	swait.ge [sflag:s14], $0x4000  }
0x90: {  	[sflag:s14] =	ssyncset.done $0x0  }
0x91: {  	[sflag:s14] =	ssyncadd.s32 $0xFFFFC000  }
0x92: {  	_ =	swait.ge [sflag:s19], $0x4000  }
0x93: {  	s21 =	sadd.s32 $0x1, s21;
	[sflag:s19] =	ssyncset.done $0x0  }
0x94: {  	p0 =	sne.s32 s21, s10;
	[sflag:s19] =	ssyncadd.s32 $0xFFFFC000  }
.Ltmp2:
0x95: {  	[bflag:$0x0] =	sbarrier.arrive $0xFFFF;
	(pc) =	sbr.rel @p0 .LBB2_1-.Ltmp2, $4  }
0x96: {  	[hbm:s9], [sflag:s12] =	dma.local [spmem:s13], $0x2800  }
0x97: {  	_ =	swait.ge [sflag:s14], $0x2800  }
0x98: {  	[sflag:s14] =	ssyncset.done $0x0  }
0x99: {  	[sflag:s14] =	ssyncadd.s32 $0xFFFFD800  }
0x9a: {  	_ =	sfence.sel $0x180000  }
0x9b: {  	[bflag:$0x0] =	sbarrier.arrive $0xFFFF  }
0x9c: {  	p0 =	sne.s32 s2, $0x0;
	_ =	strace $0x90000053  }
0x9d: {  	s0 =	sadd.s32 @!p0 $0x100000, s0;
	[bflag:$0x2] =	sbarrier.arrive $0xFFFF  }
0x9e: {  	[sflag:s0] =	ssyncadd.tile.s32 @!p0 $0x1;
	_ =	shalt  }
.Lfunc_end2:
_tile_overlayer_lowered:
.L_overlay_start_2:
0x9f: {  	(tag) =	ssettag $0x2  }
0xa0: {  	s0 =	rddreg [dreg:$0x0];
	s2 =	stileid.u32  }
0xa1: {  	s1 =	rddreg [dreg:$0x1];
	p0 =	sne.s32 s2, $0x0  }
0xa2: {  	s3 =	rddreg [dreg:$0x2];
	[bflag:$0x3] =	sbarrier.arrive $0xFFFF;
	s2 =	simm.s32 @!p0 $0x1C03  }
0xa3: {  	[timem:s3], [sflag:s2] =	dma.local @!p0 [hbm:s0], s1  }
0xa4: {  	s0 =	simm.s32 @!p0 $0x3  }
0xa5: {  	_ =	swait.ge @!p0 [sflag:s0], s1  }
0xa6: {  	s1 =	ssub.s32 @!p0 $0x0, s1;
	[sflag:s0] =	ssyncset.done @!p0 $0x0  }
0xa7: {  	[sflag:s0] =	ssyncadd.s32 @!p0 s1  }
0xa8: {  	[bflag:$0x3] =	sbarrier.arrive $0xFFFF  }
0xa9: {  	_ =	shalt  }

</sc_bundles>
